<compile_context>
chip_gen: v7x
topology: tpu7x:2x2x1
jax: 0.10.2.dev20260603
libtpu: 0.0.44.dev20260713+nightly
codegen_flags: <defaults>
</compile_context>

<pallas_src>
import functools

import jax
import jax.numpy as jnp
from jax import lax
from jax.experimental import pallas as pl
from jax.experimental.pallas import tpu as pltpu, tpu_sc as plsc

B, L, H = 16, 512, 16
NS = 513
SUPER = NS - 1
TBL = H * NS
NW = 32
ROWS = B * L
RPW = ROWS // NW
CROWS = 4
NCHUNK = RPW // CROWS


@functools.partial(
    pl.kernel,
    out_type=jax.ShapeDtypeStruct((B, H, L, L), jnp.float32),
    mesh=plsc.VectorSubcoreMesh(core_axis_name="c", subcore_axis_name="s"),
    compiler_params=pltpu.CompilerParams(needs_layout_passes=False),
    scratch_types=[
        pltpu.VMEM((TBL,), jnp.float32),
        pltpu.VMEM((2, CROWS, L), jnp.int32),
        pltpu.VMEM((2, H, CROWS, L), jnp.float32),
        pltpu.SemaphoreType.DMA,
        pltpu.SemaphoreType.DMA,
        pltpu.SemaphoreType.DMA,
        pltpu.SemaphoreType.DMA,
    ],
)
def _sc_lookup(sp_hbm, emb_hbm, out_hbm, tbl_v, idx_v, obuf_v,
               isem0, isem1, osem0, osem1):
    wid = lax.axis_index("s") * 2 + lax.axis_index("c")
    pltpu.sync_copy(emb_hbm, tbl_v)
    lane = lax.broadcasted_iota(jnp.int32, (16,), 0)
    row0 = wid * RPW
    b = row0 // L
    i0 = row0 % L
    isems = (isem0, isem1)
    osems = (osem0, osem1)

    pltpu.make_async_copy(
        sp_hbm.at[b, pl.ds(i0, CROWS), :], idx_v.at[0], isem0).start()

    def pair(p, carry):
        for par in (0, 1):
            c = 2 * p + par
            i_start = i0 + c * CROWS

            @pl.when(c + 1 < NCHUNK)
            def _():
                pltpu.make_async_copy(
                    sp_hbm.at[b, pl.ds(i_start + CROWS, CROWS), :],
                    idx_v.at[1 - par], isems[1 - par]).start()

            pltpu.make_async_copy(
                sp_hbm.at[b, pl.ds(0, CROWS), :],
                idx_v.at[par], isems[par]).wait()

            for r in range(CROWS):
                v = idx_v[par, r, pl.ds(0, 16)]
                idx_v[par, r, pl.ds(0, 16)] = jnp.where(lane == 0, SUPER, v)

            @pl.when(c >= 2)
            def _():
                pltpu.make_async_copy(
                    obuf_v.at[par],
                    out_hbm.at[0, :, pl.ds(0, CROWS), :], osems[par]).wait()

            @pl.when((i0 == 0) & (c == 0))
            def _():
                for g in range(L // 16):
                    idx_v[par, 0, pl.ds(g * 16, 16)] = jnp.full(
                        (16,), SUPER, jnp.int32)

            @plsc.parallel_loop(0, CROWS * (L // 16), unroll=1)
            def _(g):
                r = g >> 5
                col = (g & (L // 16 - 1)) * 16
                ivec = idx_v[par, r, pl.ds(col, 16)]
                for h in range(H):
                    obuf_v[par, h, r, pl.ds(col, 16)] = plsc.load_gather(
                        tbl_v, [ivec + h * NS])

            pltpu.make_async_copy(
                obuf_v.at[par],
                out_hbm.at[b, :, pl.ds(i_start, CROWS), :],
                osems[par]).start()
        return carry

    lax.fori_loop(0, NCHUNK // 2, pair, 0)

    for par in (0, 1):
        pltpu.make_async_copy(
            obuf_v.at[par],
            out_hbm.at[0, :, pl.ds(0, CROWS), :], osems[par]).wait()


def kernel(spatial_pos, emb):
    emb_t = jnp.transpose(emb).reshape(-1)
    return _sc_lookup(spatial_pos, emb_t)

# --- scband reference (transcript-rebuilt; emitter-appended) ---
"""Pipeline reference for scband-graph-attn-spatial-bias-22660247454271 (READ-ONLY COPY).

The authoritative reference and input builder live on the scoring server;
editing this copy changes nothing except your own understanding.
"""

import jax, jax.numpy as jnp
import numpy as np

NUM_HEADS = 16
NUM_SPATIAL_RAW = 512
USE_SUPER_NODE = True
NUM_SPATIAL = NUM_SPATIAL_RAW + (1 if USE_SUPER_NODE else 0)
B, L = 16, 512


def setup_inputs(seed: int = 0) -> dict:
    key = jax.random.key(seed)
    k1, k2 = jax.random.split(key)
    spatial_pos = jax.random.randint(k1, (B, L, L), 0, NUM_SPATIAL_RAW, dtype=jnp.int32)
    # xavier_uniform_ init for the embedding weight (num_spatial, num_heads)
    limit = float(np.sqrt(6.0 / (NUM_SPATIAL + NUM_HEADS)))
    emb = jax.random.uniform(k2, (NUM_SPATIAL, NUM_HEADS), minval=-limit, maxval=limit, dtype=jnp.float32)
    return {"spatial_pos": spatial_pos, "emb": emb}


def reference(spatial_pos, emb):
    # spatial_pos is already 3D (B, L, L), so no ptr-based unbatching needed.
    sp = spatial_pos
    if USE_SUPER_NODE:
        is_super = jnp.zeros_like(sp, dtype=bool)
        is_super = is_super.at[:, 0, :].set(True)
        is_super = is_super.at[:, :, 0].set(True)
        super_index = NUM_SPATIAL - 1
        sp = jnp.where(is_super, super_index, sp)
    # embedding lookup: (B, L, L) -> (B, L, L, H)
    bias = jnp.take(emb, sp, axis=0)
    # permute(0, 3, 1, 2): (B, H, L, L)
    return jnp.transpose(bias, (0, 3, 1, 2))

if __name__ == "__main__":
    import jax
    _d = setup_inputs()
    print(jax.jit(kernel)(*tuple(_d.values())))

</pallas_src>

<mosaic_0001>
#map = affine_map<(d0, d1) -> (0, 0, 0)>
#map1 = affine_map<(d0, d1) -> (0)>
#map2 = affine_map<(d0, d1) -> (0, 0, 0, 0)>
module attributes {stable_mosaic.version = 14 : i64} {
  func.func @_sc_lookup(%arg0: i32, %arg1: i32, %arg2: memref<16x512x512xi32, #tpu.memory_space<hbm>>, %arg3: memref<8208xf32, #tpu.memory_space<hbm>>, %arg4: memref<16x16x512x512xf32, #tpu.memory_space<hbm>>, %arg5: memref<8208xf32, #tpu.memory_space<vmem>>, %arg6: memref<2x4x512xi32, #tpu.memory_space<vmem>>, %arg7: memref<2x16x4x512xf32, #tpu.memory_space<vmem>>, %arg8: memref<!tpu.dma_semaphore, #tpu.memory_space<semaphore_mem>>, %arg9: memref<!tpu.dma_semaphore, #tpu.memory_space<semaphore_mem>>, %arg10: memref<!tpu.dma_semaphore, #tpu.memory_space<semaphore_mem>>, %arg11: memref<!tpu.dma_semaphore, #tpu.memory_space<semaphore_mem>>) attributes {dimension_semantics = [#tpu.dimension_semantics<core_parallel>, #tpu.dimension_semantics<subcore_parallel>], iteration_bounds = array<i64: 2, 16>, scalar_prefetch = 0 : i64, scratch_operands = 7 : i64, tpu.core_type = #tpu.core_type<sc_vector_subcore>, window_params = [{transform_indices = #map}, {transform_indices = #map1}, {transform_indices = #map2}]} {
    %mul3A = arith.constant 2 : i32
    %mul3A_0 = arith.muli %arg1, %mul3A : i32
    %add3A = arith.addi %mul3A_0, %arg0 : i32
    "tpu.region"() ({
      %run_scoped3A = tpu.sem_alloc : memref<!tpu.dma_semaphore, #tpu.memory_space<semaphore_mem>>
      tpu.enqueue_dma source(%arg3 : memref<8208xf32, #tpu.memory_space<hbm>>) target(%arg5 : memref<8208xf32, #tpu.memory_space<vmem>>) target_semaphore(%run_scoped3A : memref<!tpu.dma_semaphore, #tpu.memory_space<semaphore_mem>>)
      tpu.wait_dma2 semaphore(%run_scoped3A : memref<!tpu.dma_semaphore, #tpu.memory_space<semaphore_mem>>) src(%arg3 : memref<8208xf32, #tpu.memory_space<hbm>>) dst(%arg5 : memref<8208xf32, #tpu.memory_space<vmem>>)
      tpu.yield
    }) : () -> ()
    %iota3A = tpu.iota {dimensions = array<i32: 0>} : vector<16xi32>
    %mul3A_1 = arith.constant 256 : i32
    %mul3A_2 = arith.muli %add3A, %mul3A_1 : i32
    %jit3A = arith.constant 512 : i32
    %div3A = arith.divsi %mul3A_2, %jit3A : i32
    %sign3A = arith.constant 0 : i32
    %sign3A_3 = arith.cmpi sgt, %mul3A_2, %sign3A : i32
    %sign3A_4 = arith.extui %sign3A_3 : i1 to i32
    %sign3A_5 = arith.constant 0 : i32
    %sign3A_6 = arith.cmpi slt, %mul3A_2, %sign3A_5 : i32
    %sign3A_7 = arith.extui %sign3A_6 : i1 to i32
    %sign3A_8 = arith.subi %sign3A_4, %sign3A_7 : i32
    %sign3A_9 = arith.constant 0 : i32
    %sign3A_10 = arith.cmpi sgt, %jit3A, %sign3A_9 : i32
    %sign3A_11 = arith.extui %sign3A_10 : i1 to i32
    %sign3A_12 = arith.constant 0 : i32
    %sign3A_13 = arith.cmpi slt, %jit3A, %sign3A_12 : i32
    %sign3A_14 = arith.extui %sign3A_13 : i1 to i32
    %sign3A_15 = arith.subi %sign3A_11, %sign3A_14 : i32
    %ne3A = arith.cmpi ne, %sign3A_8, %sign3A_15 : i32
    %rem3A = arith.remsi %mul3A_2, %jit3A : i32
    %ne3A_16 = arith.constant 0 : i32
    %ne3A_17 = arith.cmpi ne, %rem3A, %ne3A_16 : i32
    %and3A = arith.andi %ne3A, %ne3A_17 : i1
    %sub3A = arith.constant 1 : i32
    %sub3A_18 = arith.subi %div3A, %sub3A : i32
    %select_n3A = arith.select %and3A, %sub3A_18, %div3A : i32
    %jit3A_19 = arith.constant 512 : i32
    %eq3A = arith.constant 0 : i32
    %eq3A_20 = arith.cmpi eq, %jit3A_19, %eq3A : i32
    %jit3A_21 = arith.constant 1 : i32
    %select_n3A_22 = arith.select %eq3A_20, %jit3A_21, %jit3A_19 : i32
    %rem3A_23 = arith.remsi %mul3A_2, %select_n3A_22 : i32
    %ne3A_24 = arith.constant 0 : i32
    %ne3A_25 = arith.cmpi ne, %rem3A_23, %ne3A_24 : i32
    %lt3A = arith.constant 0 : i32
    %lt3A_26 = arith.cmpi slt, %rem3A_23, %lt3A : i32
    %lt3A_27 = arith.constant 0 : i32
    %lt3A_28 = arith.cmpi slt, %select_n3A_22, %lt3A_27 : i32
    %ne3A_29 = arith.xori %lt3A_26, %lt3A_28 : i1
    %and3A_30 = arith.andi %ne3A_29, %ne3A_25 : i1
    %add3A_31 = arith.addi %rem3A_23, %select_n3A_22 : i32
    %select_n3A_32 = arith.select %and3A_30, %add3A_31, %rem3A_23 : i32
    %dma_start3A = arith.constant 0 : i32
    %dma_start3A_33 = arith.constant 0 : i32
    %dma_start3A_34 = arith.constant 0 : i32
    %dma_start3A_35 = tpu.memref_slice %arg6[%dma_start3A, %dma_start3A_33, %dma_start3A_34] : memref<2x4x512xi32, #tpu.memory_space<vmem>> -> memref<1x4x512xi32, #tpu.memory_space<vmem>>
    %dma_start3A_36 = tpu.memref_squeeze %dma_start3A_35 : memref<1x4x512xi32, #tpu.memory_space<vmem>> -> memref<4x512xi32, #tpu.memory_space<vmem>>
    %dma_start3A_37 = arith.constant 0 : i32
    %dma_start3A_38 = tpu.memref_slice %arg2[%select_n3A, %select_n3A_32, %dma_start3A_37] : memref<16x512x512xi32, #tpu.memory_space<hbm>> -> memref<1x4x512xi32, #tpu.memory_space<hbm>>
    %dma_start3A_39 = tpu.memref_squeeze %dma_start3A_38 : memref<1x4x512xi32, #tpu.memory_space<hbm>> -> memref<4x512xi32, #tpu.memory_space<hbm>>
    %dma_start3A_40 = arith.constant 0 : i32
    %dma_start3A_41 = arith.constant 0 : i32
    %dma_start3A_42 = tpu.memref_slice %arg6[%dma_start3A, %dma_start3A_40, %dma_start3A_41] : memref<2x4x512xi32, #tpu.memory_space<vmem>> -> memref<1x4x512xi32, #tpu.memory_space<vmem>>
    %dma_start3A_43 = tpu.memref_squeeze %dma_start3A_42 : memref<1x4x512xi32, #tpu.memory_space<vmem>> -> memref<4x512xi32, #tpu.memory_space<vmem>>
    %dma_start3A_44 = arith.constant 0 : i32
    %dma_start3A_45 = tpu.memref_slice %arg2[%select_n3A, %select_n3A_32, %dma_start3A_44] : memref<16x512x512xi32, #tpu.memory_space<hbm>> -> memref<1x4x512xi32, #tpu.memory_space<hbm>>
    %dma_start3A_46 = tpu.memref_squeeze %dma_start3A_45 : memref<1x4x512xi32, #tpu.memory_space<hbm>> -> memref<4x512xi32, #tpu.memory_space<hbm>>
    tpu.enqueue_dma source(%dma_start3A_46 : memref<4x512xi32, #tpu.memory_space<hbm>>) target(%dma_start3A_43 : memref<4x512xi32, #tpu.memory_space<vmem>>) target_semaphore(%arg8 : memref<!tpu.dma_semaphore, #tpu.memory_space<semaphore_mem>>)
    %scan3A = arith.constant 0 : i32
    %scan3A_47 = arith.constant 0 : i32
    %scan3A_48 = arith.constant 32 : i32
    %scan3A_49 = arith.addi %scan3A_47, %scan3A_48 : i32
    %scan3A_50 = arith.constant 1 : i32
    scf.for %scan3A_95 = %scan3A_47 to %scan3A_49 step %scan3A_50  : i32 {
      %mul3A_96 = arith.constant 2 : i32
      %mul3A_97 = arith.muli %mul3A_96, %scan3A_95 : i32
      %add3A_98 = arith.constant 0 : i32
      %add3A_99 = arith.addi %mul3A_97, %add3A_98 : i32
      %mul3A_100 = arith.constant 4 : i32
      %mul3A_101 = arith.muli %add3A_99, %mul3A_100 : i32
      %add3A_102 = arith.addi %select_n3A_32, %mul3A_101 : i32
      %add3A_103 = arith.constant 1 : i32
      %add3A_104 = arith.addi %add3A_99, %add3A_103 : i32
      %lt3A_105 = arith.constant 64 : i32
      %lt3A_106 = arith.cmpi slt, %add3A_104, %lt3A_105 : i32
      %convert_element_type3A = arith.extui %lt3A_106 : i1 to i32
      %cond3A = arith.constant 0 : i32
      %cond3A_107 = arith.cmpi ne, %convert_element_type3A, %cond3A : i32
      scf.if %cond3A_107 {
        %add3A_365 = arith.constant 4 : i32
        %add3A_366 = arith.addi %add3A_102, %add3A_365 : i32
        %dma_start3A_367 = arith.constant 1 : i32
        %dma_start3A_368 = arith.constant 0 : i32
        %dma_start3A_369 = arith.constant 0 : i32
        %dma_start3A_370 = tpu.memref_slice %arg6[%dma_start3A_367, %dma_start3A_368, %dma_start3A_369] : memref<2x4x512xi32, #tpu.memory_space<vmem>> -> memref<1x4x512xi32, #tpu.memory_space<vmem>>
        %dma_start3A_371 = tpu.memref_squeeze %dma_start3A_370 : memref<1x4x512xi32, #tpu.memory_space<vmem>> -> memref<4x512xi32, #tpu.memory_space<vmem>>
        %dma_start3A_372 = arith.constant 0 : i32
        %dma_start3A_373 = tpu.memref_slice %arg2[%select_n3A, %add3A_366, %dma_start3A_372] : memref<16x512x512xi32, #tpu.memory_space<hbm>> -> memref<1x4x512xi32, #tpu.memory_space<hbm>>
        %dma_start3A_374 = tpu.memref_squeeze %dma_start3A_373 : memref<1x4x512xi32, #tpu.memory_space<hbm>> -> memref<4x512xi32, #tpu.memory_space<hbm>>
        %dma_start3A_375 = arith.constant 0 : i32
        %dma_start3A_376 = arith.constant 0 : i32
        %dma_start3A_377 = tpu.memref_slice %arg6[%dma_start3A_367, %dma_start3A_375, %dma_start3A_376] : memref<2x4x512xi32, #tpu.memory_space<vmem>> -> memref<1x4x512xi32, #tpu.memory_space<vmem>>
        %dma_start3A_378 = tpu.memref_squeeze %dma_start3A_377 : memref<1x4x512xi32, #tpu.memory_space<vmem>> -> memref<4x512xi32, #tpu.memory_space<vmem>>
        %dma_start3A_379 = arith.constant 0 : i32
        %dma_start3A_380 = tpu.memref_slice %arg2[%select_n3A, %add3A_366, %dma_start3A_379] : memref<16x512x512xi32, #tpu.memory_space<hbm>> -> memref<1x4x512xi32, #tpu.memory_space<hbm>>
        %dma_start3A_381 = tpu.memref_squeeze %dma_start3A_380 : memref<1x4x512xi32, #tpu.memory_space<hbm>> -> memref<4x512xi32, #tpu.memory_space<hbm>>
        tpu.enqueue_dma source(%dma_start3A_381 : memref<4x512xi32, #tpu.memory_space<hbm>>) target(%dma_start3A_378 : memref<4x512xi32, #tpu.memory_space<vmem>>) target_semaphore(%arg9 : memref<!tpu.dma_semaphore, #tpu.memory_space<semaphore_mem>>)
      } else {
      }
      %dma_wait3A_108 = arith.constant 0 : i32
      %dma_wait3A_109 = arith.constant 0 : i32
      %dma_wait3A_110 = arith.constant 0 : i32
      %dma_wait3A_111 = tpu.memref_slice %arg6[%dma_wait3A_108, %dma_wait3A_109, %dma_wait3A_110] : memref<2x4x512xi32, #tpu.memory_space<vmem>> -> memref<1x4x512xi32, #tpu.memory_space<vmem>>
      %dma_wait3A_112 = tpu.memref_squeeze %dma_wait3A_111 : memref<1x4x512xi32, #tpu.memory_space<vmem>> -> memref<4x512xi32, #tpu.memory_space<vmem>>
      %dma_wait3A_113 = arith.constant 0 : i32
      %dma_wait3A_114 = arith.constant 0 : i32
      %dma_wait3A_115 = tpu.memref_slice %arg2[%select_n3A, %dma_wait3A_113, %dma_wait3A_114] : memref<16x512x512xi32, #tpu.memory_space<hbm>> -> memref<1x4x512xi32, #tpu.memory_space<hbm>>
      %dma_wait3A_116 = tpu.memref_squeeze %dma_wait3A_115 : memref<1x4x512xi32, #tpu.memory_space<hbm>> -> memref<4x512xi32, #tpu.memory_space<hbm>>
      %dma_wait3A_117 = arith.constant 0 : i32
      %dma_wait3A_118 = arith.constant 0 : i32
      %dma_wait3A_119 = tpu.memref_slice %arg6[%dma_wait3A_108, %dma_wait3A_117, %dma_wait3A_118] : memref<2x4x512xi32, #tpu.memory_space<vmem>> -> memref<1x4x512xi32, #tpu.memory_space<vmem>>
      %dma_wait3A_120 = tpu.memref_squeeze %dma_wait3A_119 : memref<1x4x512xi32, #tpu.memory_space<vmem>> -> memref<4x512xi32, #tpu.memory_space<vmem>>
      %dma_wait3A_121 = arith.constant 0 : i32
      %dma_wait3A_122 = arith.constant 0 : i32
      %dma_wait3A_123 = tpu.memref_slice %arg2[%select_n3A, %dma_wait3A_121, %dma_wait3A_122] : memref<16x512x512xi32, #tpu.memory_space<hbm>> -> memref<1x4x512xi32, #tpu.memory_space<hbm>>
      %dma_wait3A_124 = tpu.memref_squeeze %dma_wait3A_123 : memref<1x4x512xi32, #tpu.memory_space<hbm>> -> memref<4x512xi32, #tpu.memory_space<hbm>>
      tpu.wait_dma2 semaphore(%arg8 : memref<!tpu.dma_semaphore, #tpu.memory_space<semaphore_mem>>) src(%dma_wait3A_124 : memref<4x512xi32, #tpu.memory_space<hbm>>) dst(%dma_wait3A_120 : memref<4x512xi32, #tpu.memory_space<vmem>>)
      %get3A = arith.constant 0 : i32
      %get3A_125 = arith.constant 0 : i32
      %get3A_126 = arith.index_cast %get3A : i32 to index
      %get3A_127 = arith.index_cast %get3A_125 : i32 to index
      %get3A_128 = arith.constant 0 : index
      %get3A_129 = tpu.vector_load %arg6[%get3A_126, %get3A_127, %get3A_128] {strides = array<i32>} : memref<2x4x512xi32, #tpu.memory_space<vmem>>, vector<16xi32>,
      %eq3A_130 = arith.constant 0 : i32
      %eq3A_131 = vector.broadcast %eq3A_130 : i32 to vector<16xi32>
      %eq3A_132 = arith.cmpi eq, %iota3A, %eq3A_131 : vector<16xi32>
      %jit3A_133 = arith.constant 512 : i32
      %broadcast_in_dim3A = vector.broadcast %jit3A_133 : i32 to vector<16xi32>
      %select_n3A_134 = arith.select %eq3A_132, %broadcast_in_dim3A, %get3A_129 : vector<16xi1>, vector<16xi32>
      %swap3A = arith.constant 0 : i32
      %swap3A_135 = arith.constant 0 : i32
      %swap3A_136 = arith.index_cast %swap3A : i32 to index
      %swap3A_137 = arith.index_cast %swap3A_135 : i32 to index
      %swap3A_138 = arith.constant 0 : index
      %swap3A_139 = tpu.vector_load %arg6[%swap3A_136, %swap3A_137, %swap3A_138] {strides = array<i32>} : memref<2x4x512xi32, #tpu.memory_space<vmem>>, vector<16xi32>,
      tpu.vector_store %arg6[%swap3A_136, %swap3A_137, %swap3A_138], %select_n3A_134 {strides = array<i32>} : memref<2x4x512xi32, #tpu.memory_space<vmem>>, vector<16xi32>,
      %get3A_140 = arith.constant 0 : i32
      %get3A_141 = arith.constant 1 : i32
      %get3A_142 = arith.index_cast %get3A_140 : i32 to index
      %get3A_143 = arith.index_cast %get3A_141 : i32 to index
      %get3A_144 = arith.constant 0 : index
      %get3A_145 = tpu.vector_load %arg6[%get3A_142, %get3A_143, %get3A_144] {strides = array<i32>} : memref<2x4x512xi32, #tpu.memory_space<vmem>>, vector<16xi32>,
      %eq3A_146 = arith.constant 0 : i32
      %eq3A_147 = vector.broadcast %eq3A_146 : i32 to vector<16xi32>
      %eq3A_148 = arith.cmpi eq, %iota3A, %eq3A_147 : vector<16xi32>
      %jit3A_149 = arith.constant 512 : i32
      %broadcast_in_dim3A_150 = vector.broadcast %jit3A_149 : i32 to vector<16xi32>
      %select_n3A_151 = arith.select %eq3A_148, %broadcast_in_dim3A_150, %get3A_145 : vector<16xi1>, vector<16xi32>
      %swap3A_152 = arith.constant 0 : i32
      %swap3A_153 = arith.constant 1 : i32
      %swap3A_154 = arith.index_cast %swap3A_152 : i32 to index
      %swap3A_155 = arith.index_cast %swap3A_153 : i32 to index
      %swap3A_156 = arith.constant 0 : index
      %swap3A_157 = tpu.vector_load %arg6[%swap3A_154, %swap3A_155, %swap3A_156] {strides = array<i32>} : memref<2x4x512xi32, #tpu.memory_space<vmem>>, vector<16xi32>,
      tpu.vector_store %arg6[%swap3A_154, %swap3A_155, %swap3A_156], %select_n3A_151 {strides = array<i32>} : memref<2x4x512xi32, #tpu.memory_space<vmem>>, vector<16xi32>,
      %get3A_158 = arith.constant 0 : i32
      %get3A_159 = arith.constant 2 : i32
      %get3A_160 = arith.index_cast %get3A_158 : i32 to index
      %get3A_161 = arith.index_cast %get3A_159 : i32 to index
      %get3A_162 = arith.constant 0 : index
      %get3A_163 = tpu.vector_load %arg6[%get3A_160, %get3A_161, %get3A_162] {strides = array<i32>} : memref<2x4x512xi32, #tpu.memory_space<vmem>>, vector<16xi32>,
      %eq3A_164 = arith.constant 0 : i32
      %eq3A_165 = vector.broadcast %eq3A_164 : i32 to vector<16xi32>
      %eq3A_166 = arith.cmpi eq, %iota3A, %eq3A_165 : vector<16xi32>
      %jit3A_167 = arith.constant 512 : i32
      %broadcast_in_dim3A_168 = vector.broadcast %jit3A_167 : i32 to vector<16xi32>
      %select_n3A_169 = arith.select %eq3A_166, %broadcast_in_dim3A_168, %get3A_163 : vector<16xi1>, vector<16xi32>
      %swap3A_170 = arith.constant 0 : i32
      %swap3A_171 = arith.constant 2 : i32
      %swap3A_172 = arith.index_cast %swap3A_170 : i32 to index
      %swap3A_173 = arith.index_cast %swap3A_171 : i32 to index
      %swap3A_174 = arith.constant 0 : index
      %swap3A_175 = tpu.vector_load %arg6[%swap3A_172, %swap3A_173, %swap3A_174] {strides = array<i32>} : memref<2x4x512xi32, #tpu.memory_space<vmem>>, vector<16xi32>,
      tpu.vector_store %arg6[%swap3A_172, %swap3A_173, %swap3A_174], %select_n3A_169 {strides = array<i32>} : memref<2x4x512xi32, #tpu.memory_space<vmem>>, vector<16xi32>,
      %get3A_176 = arith.constant 0 : i32
      %get3A_177 = arith.constant 3 : i32
      %get3A_178 = arith.index_cast %get3A_176 : i32 to index
      %get3A_179 = arith.index_cast %get3A_177 : i32 to index
      %get3A_180 = arith.constant 0 : index
      %get3A_181 = tpu.vector_load %arg6[%get3A_178, %get3A_179, %get3A_180] {strides = array<i32>} : memref<2x4x512xi32, #tpu.memory_space<vmem>>, vector<16xi32>,
      %eq3A_182 = arith.constant 0 : i32
      %eq3A_183 = vector.broadcast %eq3A_182 : i32 to vector<16xi32>
      %eq3A_184 = arith.cmpi eq, %iota3A, %eq3A_183 : vector<16xi32>
      %jit3A_185 = arith.constant 512 : i32
      %broadcast_in_dim3A_186 = vector.broadcast %jit3A_185 : i32 to vector<16xi32>
      %select_n3A_187 = arith.select %eq3A_184, %broadcast_in_dim3A_186, %get3A_181 : vector<16xi1>, vector<16xi32>
      %swap3A_188 = arith.constant 0 : i32
      %swap3A_189 = arith.constant 3 : i32
      %swap3A_190 = arith.index_cast %swap3A_188 : i32 to index
      %swap3A_191 = arith.index_cast %swap3A_189 : i32 to index
      %swap3A_192 = arith.constant 0 : index
      %swap3A_193 = tpu.vector_load %arg6[%swap3A_190, %swap3A_191, %swap3A_192] {strides = array<i32>} : memref<2x4x512xi32, #tpu.memory_space<vmem>>, vector<16xi32>,
      tpu.vector_store %arg6[%swap3A_190, %swap3A_191, %swap3A_192], %select_n3A_187 {strides = array<i32>} : memref<2x4x512xi32, #tpu.memory_space<vmem>>, vector<16xi32>,
      %ge3A = arith.constant 2 : i32
      %ge3A_194 = arith.cmpi sge, %add3A_99, %ge3A : i32
      %convert_element_type3A_195 = arith.extui %ge3A_194 : i1 to i32
      %cond3A_196 = arith.constant 0 : i32
      %cond3A_197 = arith.cmpi ne, %convert_element_type3A_195, %cond3A_196 : i32
      scf.if %cond3A_197 {
        %dma_wait3A_365 = arith.constant 0 : i32
        %dma_wait3A_366 = arith.constant 0 : i32
        %dma_wait3A_367 = arith.constant 0 : i32
        %dma_wait3A_368 = arith.constant 0 : i32
        %dma_wait3A_369 = arith.constant 0 : i32
        %dma_wait3A_370 = tpu.memref_slice %arg7[%dma_wait3A_365, %dma_wait3A_367, %dma_wait3A_368, %dma_wait3A_369] : memref<2x16x4x512xf32, #tpu.memory_space<vmem>> -> memref<1x16x4x512xf32, #tpu.memory_space<vmem>>
        %dma_wait3A_371 = tpu.memref_squeeze %dma_wait3A_370 : memref<1x16x4x512xf32, #tpu.memory_space<vmem>> -> memref<16x4x512xf32, #tpu.memory_space<vmem>>
        %dma_wait3A_372 = arith.constant 0 : i32
        %dma_wait3A_373 = arith.constant 0 : i32
        %dma_wait3A_374 = arith.constant 0 : i32
        %dma_wait3A_375 = tpu.memref_slice %arg4[%dma_wait3A_366, %dma_wait3A_372, %dma_wait3A_373, %dma_wait3A_374] : memref<16x16x512x512xf32, #tpu.memory_space<hbm>> -> memref<1x16x4x512xf32, #tpu.memory_space<hbm>>
        %dma_wait3A_376 = tpu.memref_squeeze %dma_wait3A_375 : memref<1x16x4x512xf32, #tpu.memory_space<hbm>> -> memref<16x4x512xf32, #tpu.memory_space<hbm>>
        %dma_wait3A_377 = arith.constant 0 : i32
        %dma_wait3A_378 = arith.constant 0 : i32
        %dma_wait3A_379 = arith.constant 0 : i32
        %dma_wait3A_380 = tpu.memref_slice %arg4[%dma_wait3A_366, %dma_wait3A_377, %dma_wait3A_378, %dma_wait3A_379] : memref<16x16x512x512xf32, #tpu.memory_space<hbm>> -> memref<1x16x4x512xf32, #tpu.memory_space<hbm>>
        %dma_wait3A_381 = tpu.memref_squeeze %dma_wait3A_380 : memref<1x16x4x512xf32, #tpu.memory_space<hbm>> -> memref<16x4x512xf32, #tpu.memory_space<hbm>>
        %dma_wait3A_382 = arith.constant 0 : i32
        %dma_wait3A_383 = arith.constant 0 : i32
        %dma_wait3A_384 = arith.constant 0 : i32
        %dma_wait3A_385 = tpu.memref_slice %arg7[%dma_wait3A_365, %dma_wait3A_382, %dma_wait3A_383, %dma_wait3A_384] : memref<2x16x4x512xf32, #tpu.memory_space<vmem>> -> memref<1x16x4x512xf32, #tpu.memory_space<vmem>>
        %dma_wait3A_386 = tpu.memref_squeeze %dma_wait3A_385 : memref<1x16x4x512xf32, #tpu.memory_space<vmem>> -> memref<16x4x512xf32, #tpu.memory_space<vmem>>
        tpu.wait_dma2 semaphore(%arg10 : memref<!tpu.dma_semaphore, #tpu.memory_space<semaphore_mem>>) src(%dma_wait3A_386 : memref<16x4x512xf32, #tpu.memory_space<vmem>>) dst(%dma_wait3A_381 : memref<16x4x512xf32, #tpu.memory_space<hbm>>)
      } else {
      }
      %eq3A_198 = arith.constant 0 : i32
      %eq3A_199 = arith.cmpi eq, %select_n3A_32, %eq3A_198 : i32
      %eq3A_200 = arith.constant 0 : i32
      %eq3A_201 = arith.cmpi eq, %add3A_99, %eq3A_200 : i32
      %and3A_202 = arith.andi %eq3A_199, %eq3A_201 : i1
      %convert_element_type3A_203 = arith.extui %and3A_202 : i1 to i32
      %cond3A_204 = arith.constant 0 : i32
      %cond3A_205 = arith.cmpi ne, %convert_element_type3A_203, %cond3A_204 : i32
      scf.if %cond3A_205 {
        %broadcast_in_dim3A_365 = arith.constant 512 : i32
        %broadcast_in_dim3A_366 = vector.broadcast %broadcast_in_dim3A_365 : i32 to vector<16xi32>
        %swap3A_367 = arith.constant 0 : i32
        %swap3A_368 = arith.constant 0 : i32
        %swap3A_369 = arith.index_cast %swap3A_367 : i32 to index
        %swap3A_370 = arith.index_cast %swap3A_368 : i32 to index
        %swap3A_371 = arith.constant 0 : index
        %swap3A_372 = tpu.vector_load %arg6[%swap3A_369, %swap3A_370, %swap3A_371] {strides = array<i32>} : memref<2x4x512xi32, #tpu.memory_space<vmem>>, vector<16xi32>,
        tpu.vector_store %arg6[%swap3A_369, %swap3A_370, %swap3A_371], %broadcast_in_dim3A_366 {strides = array<i32>} : memref<2x4x512xi32, #tpu.memory_space<vmem>>, vector<16xi32>,
        %broadcast_in_dim3A_373 = arith.constant 512 : i32
        %broadcast_in_dim3A_374 = vector.broadcast %broadcast_in_dim3A_373 : i32 to vector<16xi32>
        %swap3A_375 = arith.constant 0 : i32
        %swap3A_376 = arith.constant 0 : i32
        %swap3A_377 = arith.index_cast %swap3A_375 : i32 to index
        %swap3A_378 = arith.index_cast %swap3A_376 : i32 to index
        %swap3A_379 = arith.constant 16 : index
        %swap3A_380 = tpu.vector_load %arg6[%swap3A_377, %swap3A_378, %swap3A_379] {strides = array<i32>} : memref<2x4x512xi32, #tpu.memory_space<vmem>>, vector<16xi32>,
        tpu.vector_store %arg6[%swap3A_377, %swap3A_378, %swap3A_379], %broadcast_in_dim3A_374 {strides = array<i32>} : memref<2x4x512xi32, #tpu.memory_space<vmem>>, vector<16xi32>,
        %broadcast_in_dim3A_381 = arith.constant 512 : i32
        %broadcast_in_dim3A_382 = vector.broadcast %broadcast_in_dim3A_381 : i32 to vector<16xi32>
        %swap3A_383 = arith.constant 0 : i32
        %swap3A_384 = arith.constant 0 : i32
        %swap3A_385 = arith.index_cast %swap3A_383 : i32 to index
        %swap3A_386 = arith.index_cast %swap3A_384 : i32 to index
        %swap3A_387 = arith.constant 32 : index
        %swap3A_388 = tpu.vector_load %arg6[%swap3A_385, %swap3A_386, %swap3A_387] {strides = array<i32>} : memref<2x4x512xi32, #tpu.memory_space<vmem>>, vector<16xi32>,
        tpu.vector_store %arg6[%swap3A_385, %swap3A_386, %swap3A_387], %broadcast_in_dim3A_382 {strides = array<i32>} : memref<2x4x512xi32, #tpu.memory_space<vmem>>, vector<16xi32>,
        %broadcast_in_dim3A_389 = arith.constant 512 : i32
        %broadcast_in_dim3A_390 = vector.broadcast %broadcast_in_dim3A_389 : i32 to vector<16xi32>
        %swap3A_391 = arith.constant 0 : i32
        %swap3A_392 = arith.constant 0 : i32
        %swap3A_393 = arith.index_cast %swap3A_391 : i32 to index
        %swap3A_394 = arith.index_cast %swap3A_392 : i32 to index
        %swap3A_395 = arith.constant 48 : index
        %swap3A_396 = tpu.vector_load %arg6[%swap3A_393, %swap3A_394, %swap3A_395] {strides = array<i32>} : memref<2x4x512xi32, #tpu.memory_space<vmem>>, vector<16xi32>,
        tpu.vector_store %arg6[%swap3A_393, %swap3A_394, %swap3A_395], %broadcast_in_dim3A_390 {strides = array<i32>} : memref<2x4x512xi32, #tpu.memory_space<vmem>>, vector<16xi32>,
        %broadcast_in_dim3A_397 = arith.constant 512 : i32
        %broadcast_in_dim3A_398 = vector.broadcast %broadcast_in_dim3A_397 : i32 to vector<16xi32>
        %swap3A_399 = arith.constant 0 : i32
        %swap3A_400 = arith.constant 0 : i32
        %swap3A_401 = arith.index_cast %swap3A_399 : i32 to index
        %swap3A_402 = arith.index_cast %swap3A_400 : i32 to index
        %swap3A_403 = arith.constant 64 : index
        %swap3A_404 = tpu.vector_load %arg6[%swap3A_401, %swap3A_402, %swap3A_403] {strides = array<i32>} : memref<2x4x512xi32, #tpu.memory_space<vmem>>, vector<16xi32>,
        tpu.vector_store %arg6[%swap3A_401, %swap3A_402, %swap3A_403], %broadcast_in_dim3A_398 {strides = array<i32>} : memref<2x4x512xi32, #tpu.memory_space<vmem>>, vector<16xi32>,
        %broadcast_in_dim3A_405 = arith.constant 512 : i32
        %broadcast_in_dim3A_406 = vector.broadcast %broadcast_in_dim3A_405 : i32 to vector<16xi32>
        %swap3A_407 = arith.constant 0 : i32
        %swap3A_408 = arith.constant 0 : i32
        %swap3A_409 = arith.index_cast %swap3A_407 : i32 to index
        %swap3A_410 = arith.index_cast %swap3A_408 : i32 to index
        %swap3A_411 = arith.constant 80 : index
        %swap3A_412 = tpu.vector_load %arg6[%swap3A_409, %swap3A_410, %swap3A_411] {strides = array<i32>} : memref<2x4x512xi32, #tpu.memory_space<vmem>>, vector<16xi32>,
        tpu.vector_store %arg6[%swap3A_409, %swap3A_410, %swap3A_411], %broadcast_in_dim3A_406 {strides = array<i32>} : memref<2x4x512xi32, #tpu.memory_space<vmem>>, vector<16xi32>,
        %broadcast_in_dim3A_413 = arith.constant 512 : i32
        %broadcast_in_dim3A_414 = vector.broadcast %broadcast_in_dim3A_413 : i32 to vector<16xi32>
        %swap3A_415 = arith.constant 0 : i32
        %swap3A_416 = arith.constant 0 : i32
        %swap3A_417 = arith.index_cast %swap3A_415 : i32 to index
        %swap3A_418 = arith.index_cast %swap3A_416 : i32 to index
        %swap3A_419 = arith.constant 96 : index
        %swap3A_420 = tpu.vector_load %arg6[%swap3A_417, %swap3A_418, %swap3A_419] {strides = array<i32>} : memref<2x4x512xi32, #tpu.memory_space<vmem>>, vector<16xi32>,
        tpu.vector_store %arg6[%swap3A_417, %swap3A_418, %swap3A_419], %broadcast_in_dim3A_414 {strides = array<i32>} : memref<2x4x512xi32, #tpu.memory_space<vmem>>, vector<16xi32>,
        %broadcast_in_dim3A_421 = arith.constant 512 : i32
        %broadcast_in_dim3A_422 = vector.broadcast %broadcast_in_dim3A_421 : i32 to vector<16xi32>
        %swap3A_423 = arith.constant 0 : i32
        %swap3A_424 = arith.constant 0 : i32
        %swap3A_425 = arith.index_cast %swap3A_423 : i32 to index
        %swap3A_426 = arith.index_cast %swap3A_424 : i32 to index
        %swap3A_427 = arith.constant 112 : index
        %swap3A_428 = tpu.vector_load %arg6[%swap3A_425, %swap3A_426, %swap3A_427] {strides = array<i32>} : memref<2x4x512xi32, #tpu.memory_space<vmem>>, vector<16xi32>,
        tpu.vector_store %arg6[%swap3A_425, %swap3A_426, %swap3A_427], %broadcast_in_dim3A_422 {strides = array<i32>} : memref<2x4x512xi32, #tpu.memory_space<vmem>>, vector<16xi32>,
        %broadcast_in_dim3A_429 = arith.constant 512 : i32
        %broadcast_in_dim3A_430 = vector.broadcast %broadcast_in_dim3A_429 : i32 to vector<16xi32>
        %swap3A_431 = arith.constant 0 : i32
        %swap3A_432 = arith.constant 0 : i32
        %swap3A_433 = arith.index_cast %swap3A_431 : i32 to index
        %swap3A_434 = arith.index_cast %swap3A_432 : i32 to index
        %swap3A_435 = arith.constant 128 : index
        %swap3A_436 = tpu.vector_load %arg6[%swap3A_433, %swap3A_434, %swap3A_435] {strides = array<i32>} : memref<2x4x512xi32, #tpu.memory_space<vmem>>, vector<16xi32>,
        tpu.vector_store %arg6[%swap3A_433, %swap3A_434, %swap3A_435], %broadcast_in_dim3A_430 {strides = array<i32>} : memref<2x4x512xi32, #tpu.memory_space<vmem>>, vector<16xi32>,
        %broadcast_in_dim3A_437 = arith.constant 512 : i32
        %broadcast_in_dim3A_438 = vector.broadcast %broadcast_in_dim3A_437 : i32 to vector<16xi32>
        %swap3A_439 = arith.constant 0 : i32
        %swap3A_440 = arith.constant 0 : i32
        %swap3A_441 = arith.index_cast %swap3A_439 : i32 to index
        %swap3A_442 = arith.index_cast %swap3A_440 : i32 to index
        %swap3A_443 = arith.constant 144 : index
        %swap3A_444 = tpu.vector_load %arg6[%swap3A_441, %swap3A_442, %swap3A_443] {strides = array<i32>} : memref<2x4x512xi32, #tpu.memory_space<vmem>>, vector<16xi32>,
        tpu.vector_store %arg6[%swap3A_441, %swap3A_442, %swap3A_443], %broadcast_in_dim3A_438 {strides = array<i32>} : memref<2x4x512xi32, #tpu.memory_space<vmem>>, vector<16xi32>,
        %broadcast_in_dim3A_445 = arith.constant 512 : i32
        %broadcast_in_dim3A_446 = vector.broadcast %broadcast_in_dim3A_445 : i32 to vector<16xi32>
        %swap3A_447 = arith.constant 0 : i32
        %swap3A_448 = arith.constant 0 : i32
        %swap3A_449 = arith.index_cast %swap3A_447 : i32 to index
        %swap3A_450 = arith.index_cast %swap3A_448 : i32 to index
        %swap3A_451 = arith.constant 160 : index
        %swap3A_452 = tpu.vector_load %arg6[%swap3A_449, %swap3A_450, %swap3A_451] {strides = array<i32>} : memref<2x4x512xi32, #tpu.memory_space<vmem>>, vector<16xi32>,
        tpu.vector_store %arg6[%swap3A_449, %swap3A_450, %swap3A_451], %broadcast_in_dim3A_446 {strides = array<i32>} : memref<2x4x512xi32, #tpu.memory_space<vmem>>, vector<16xi32>,
        %broadcast_in_dim3A_453 = arith.constant 512 : i32
        %broadcast_in_dim3A_454 = vector.broadcast %broadcast_in_dim3A_453 : i32 to vector<16xi32>
        %swap3A_455 = arith.constant 0 : i32
        %swap3A_456 = arith.constant 0 : i32
        %swap3A_457 = arith.index_cast %swap3A_455 : i32 to index
        %swap3A_458 = arith.index_cast %swap3A_456 : i32 to index
        %swap3A_459 = arith.constant 176 : index
        %swap3A_460 = tpu.vector_load %arg6[%swap3A_457, %swap3A_458, %swap3A_459] {strides = array<i32>} : memref<2x4x512xi32, #tpu.memory_space<vmem>>, vector<16xi32>,
        tpu.vector_store %arg6[%swap3A_457, %swap3A_458, %swap3A_459], %broadcast_in_dim3A_454 {strides = array<i32>} : memref<2x4x512xi32, #tpu.memory_space<vmem>>, vector<16xi32>,
        %broadcast_in_dim3A_461 = arith.constant 512 : i32
        %broadcast_in_dim3A_462 = vector.broadcast %broadcast_in_dim3A_461 : i32 to vector<16xi32>
        %swap3A_463 = arith.constant 0 : i32
        %swap3A_464 = arith.constant 0 : i32
        %swap3A_465 = arith.index_cast %swap3A_463 : i32 to index
        %swap3A_466 = arith.index_cast %swap3A_464 : i32 to index
        %swap3A_467 = arith.constant 192 : index
        %swap3A_468 = tpu.vector_load %arg6[%swap3A_465, %swap3A_466, %swap3A_467] {strides = array<i32>} : memref<2x4x512xi32, #tpu.memory_space<vmem>>, vector<16xi32>,
        tpu.vector_store %arg6[%swap3A_465, %swap3A_466, %swap3A_467], %broadcast_in_dim3A_462 {strides = array<i32>} : memref<2x4x512xi32, #tpu.memory_space<vmem>>, vector<16xi32>,
        %broadcast_in_dim3A_469 = arith.constant 512 : i32
        %broadcast_in_dim3A_470 = vector.broadcast %broadcast_in_dim3A_469 : i32 to vector<16xi32>
        %swap3A_471 = arith.constant 0 : i32
        %swap3A_472 = arith.constant 0 : i32
        %swap3A_473 = arith.index_cast %swap3A_471 : i32 to index
        %swap3A_474 = arith.index_cast %swap3A_472 : i32 to index
        %swap3A_475 = arith.constant 208 : index
        %swap3A_476 = tpu.vector_load %arg6[%swap3A_473, %swap3A_474, %swap3A_475] {strides = array<i32>} : memref<2x4x512xi32, #tpu.memory_space<vmem>>, vector<16xi32>,
        tpu.vector_store %arg6[%swap3A_473, %swap3A_474, %swap3A_475], %broadcast_in_dim3A_470 {strides = array<i32>} : memref<2x4x512xi32, #tpu.memory_space<vmem>>, vector<16xi32>,
        %broadcast_in_dim3A_477 = arith.constant 512 : i32
        %broadcast_in_dim3A_478 = vector.broadcast %broadcast_in_dim3A_477 : i32 to vector<16xi32>
        %swap3A_479 = arith.constant 0 : i32
        %swap3A_480 = arith.constant 0 : i32
        %swap3A_481 = arith.index_cast %swap3A_479 : i32 to index
        %swap3A_482 = arith.index_cast %swap3A_480 : i32 to index
        %swap3A_483 = arith.constant 224 : index
        %swap3A_484 = tpu.vector_load %arg6[%swap3A_481, %swap3A_482, %swap3A_483] {strides = array<i32>} : memref<2x4x512xi32, #tpu.memory_space<vmem>>, vector<16xi32>,
        tpu.vector_store %arg6[%swap3A_481, %swap3A_482, %swap3A_483], %broadcast_in_dim3A_478 {strides = array<i32>} : memref<2x4x512xi32, #tpu.memory_space<vmem>>, vector<16xi32>,
        %broadcast_in_dim3A_485 = arith.constant 512 : i32
        %broadcast_in_dim3A_486 = vector.broadcast %broadcast_in_dim3A_485 : i32 to vector<16xi32>
        %swap3A_487 = arith.constant 0 : i32
        %swap3A_488 = arith.constant 0 : i32
        %swap3A_489 = arith.index_cast %swap3A_487 : i32 to index
        %swap3A_490 = arith.index_cast %swap3A_488 : i32 to index
        %swap3A_491 = arith.constant 240 : index
        %swap3A_492 = tpu.vector_load %arg6[%swap3A_489, %swap3A_490, %swap3A_491] {strides = array<i32>} : memref<2x4x512xi32, #tpu.memory_space<vmem>>, vector<16xi32>,
        tpu.vector_store %arg6[%swap3A_489, %swap3A_490, %swap3A_491], %broadcast_in_dim3A_486 {strides = array<i32>} : memref<2x4x512xi32, #tpu.memory_space<vmem>>, vector<16xi32>,
        %broadcast_in_dim3A_493 = arith.constant 512 : i32
        %broadcast_in_dim3A_494 = vector.broadcast %broadcast_in_dim3A_493 : i32 to vector<16xi32>
        %swap3A_495 = arith.constant 0 : i32
        %swap3A_496 = arith.constant 0 : i32
        %swap3A_497 = arith.index_cast %swap3A_495 : i32 to index
        %swap3A_498 = arith.index_cast %swap3A_496 : i32 to index
        %swap3A_499 = arith.constant 256 : index
        %swap3A_500 = tpu.vector_load %arg6[%swap3A_497, %swap3A_498, %swap3A_499] {strides = array<i32>} : memref<2x4x512xi32, #tpu.memory_space<vmem>>, vector<16xi32>,
        tpu.vector_store %arg6[%swap3A_497, %swap3A_498, %swap3A_499], %broadcast_in_dim3A_494 {strides = array<i32>} : memref<2x4x512xi32, #tpu.memory_space<vmem>>, vector<16xi32>,
        %broadcast_in_dim3A_501 = arith.constant 512 : i32
        %broadcast_in_dim3A_502 = vector.broadcast %broadcast_in_dim3A_501 : i32 to vector<16xi32>
        %swap3A_503 = arith.constant 0 : i32
        %swap3A_504 = arith.constant 0 : i32
        %swap3A_505 = arith.index_cast %swap3A_503 : i32 to index
        %swap3A_506 = arith.index_cast %swap3A_504 : i32 to index
        %swap3A_507 = arith.constant 272 : index
        %swap3A_508 = tpu.vector_load %arg6[%swap3A_505, %swap3A_506, %swap3A_507] {strides = array<i32>} : memref<2x4x512xi32, #tpu.memory_space<vmem>>, vector<16xi32>,
        tpu.vector_store %arg6[%swap3A_505, %swap3A_506, %swap3A_507], %broadcast_in_dim3A_502 {strides = array<i32>} : memref<2x4x512xi32, #tpu.memory_space<vmem>>, vector<16xi32>,
        %broadcast_in_dim3A_509 = arith.constant 512 : i32
        %broadcast_in_dim3A_510 = vector.broadcast %broadcast_in_dim3A_509 : i32 to vector<16xi32>
        %swap3A_511 = arith.constant 0 : i32
        %swap3A_512 = arith.constant 0 : i32
        %swap3A_513 = arith.index_cast %swap3A_511 : i32 to index
        %swap3A_514 = arith.index_cast %swap3A_512 : i32 to index
        %swap3A_515 = arith.constant 288 : index
        %swap3A_516 = tpu.vector_load %arg6[%swap3A_513, %swap3A_514, %swap3A_515] {strides = array<i32>} : memref<2x4x512xi32, #tpu.memory_space<vmem>>, vector<16xi32>,
        tpu.vector_store %arg6[%swap3A_513, %swap3A_514, %swap3A_515], %broadcast_in_dim3A_510 {strides = array<i32>} : memref<2x4x512xi32, #tpu.memory_space<vmem>>, vector<16xi32>,
        %broadcast_in_dim3A_517 = arith.constant 512 : i32
        %broadcast_in_dim3A_518 = vector.broadcast %broadcast_in_dim3A_517 : i32 to vector<16xi32>
        %swap3A_519 = arith.constant 0 : i32
        %swap3A_520 = arith.constant 0 : i32
        %swap3A_521 = arith.index_cast %swap3A_519 : i32 to index
        %swap3A_522 = arith.index_cast %swap3A_520 : i32 to index
        %swap3A_523 = arith.constant 304 : index
        %swap3A_524 = tpu.vector_load %arg6[%swap3A_521, %swap3A_522, %swap3A_523] {strides = array<i32>} : memref<2x4x512xi32, #tpu.memory_space<vmem>>, vector<16xi32>,
        tpu.vector_store %arg6[%swap3A_521, %swap3A_522, %swap3A_523], %broadcast_in_dim3A_518 {strides = array<i32>} : memref<2x4x512xi32, #tpu.memory_space<vmem>>, vector<16xi32>,
        %broadcast_in_dim3A_525 = arith.constant 512 : i32
        %broadcast_in_dim3A_526 = vector.broadcast %broadcast_in_dim3A_525 : i32 to vector<16xi32>
        %swap3A_527 = arith.constant 0 : i32
        %swap3A_528 = arith.constant 0 : i32
        %swap3A_529 = arith.index_cast %swap3A_527 : i32 to index
        %swap3A_530 = arith.index_cast %swap3A_528 : i32 to index
        %swap3A_531 = arith.constant 320 : index
        %swap3A_532 = tpu.vector_load %arg6[%swap3A_529, %swap3A_530, %swap3A_531] {strides = array<i32>} : memref<2x4x512xi32, #tpu.memory_space<vmem>>, vector<16xi32>,
        tpu.vector_store %arg6[%swap3A_529, %swap3A_530, %swap3A_531], %broadcast_in_dim3A_526 {strides = array<i32>} : memref<2x4x512xi32, #tpu.memory_space<vmem>>, vector<16xi32>,
        %broadcast_in_dim3A_533 = arith.constant 512 : i32
        %broadcast_in_dim3A_534 = vector.broadcast %broadcast_in_dim3A_533 : i32 to vector<16xi32>
        %swap3A_535 = arith.constant 0 : i32
        %swap3A_536 = arith.constant 0 : i32
        %swap3A_537 = arith.index_cast %swap3A_535 : i32 to index
        %swap3A_538 = arith.index_cast %swap3A_536 : i32 to index
        %swap3A_539 = arith.constant 336 : index
        %swap3A_540 = tpu.vector_load %arg6[%swap3A_537, %swap3A_538, %swap3A_539] {strides = array<i32>} : memref<2x4x512xi32, #tpu.memory_space<vmem>>, vector<16xi32>,
        tpu.vector_store %arg6[%swap3A_537, %swap3A_538, %swap3A_539], %broadcast_in_dim3A_534 {strides = array<i32>} : memref<2x4x512xi32, #tpu.memory_space<vmem>>, vector<16xi32>,
        %broadcast_in_dim3A_541 = arith.constant 512 : i32
        %broadcast_in_dim3A_542 = vector.broadcast %broadcast_in_dim3A_541 : i32 to vector<16xi32>
        %swap3A_543 = arith.constant 0 : i32
        %swap3A_544 = arith.constant 0 : i32
        %swap3A_545 = arith.index_cast %swap3A_543 : i32 to index
        %swap3A_546 = arith.index_cast %swap3A_544 : i32 to index
        %swap3A_547 = arith.constant 352 : index
        %swap3A_548 = tpu.vector_load %arg6[%swap3A_545, %swap3A_546, %swap3A_547] {strides = array<i32>} : memref<2x4x512xi32, #tpu.memory_space<vmem>>, vector<16xi32>,
        tpu.vector_store %arg6[%swap3A_545, %swap3A_546, %swap3A_547], %broadcast_in_dim3A_542 {strides = array<i32>} : memref<2x4x512xi32, #tpu.memory_space<vmem>>, vector<16xi32>,
        %broadcast_in_dim3A_549 = arith.constant 512 : i32
        %broadcast_in_dim3A_550 = vector.broadcast %broadcast_in_dim3A_549 : i32 to vector<16xi32>
        %swap3A_551 = arith.constant 0 : i32
        %swap3A_552 = arith.constant 0 : i32
        %swap3A_553 = arith.index_cast %swap3A_551 : i32 to index
        %swap3A_554 = arith.index_cast %swap3A_552 : i32 to index
        %swap3A_555 = arith.constant 368 : index
        %swap3A_556 = tpu.vector_load %arg6[%swap3A_553, %swap3A_554, %swap3A_555] {strides = array<i32>} : memref<2x4x512xi32, #tpu.memory_space<vmem>>, vector<16xi32>,
        tpu.vector_store %arg6[%swap3A_553, %swap3A_554, %swap3A_555], %broadcast_in_dim3A_550 {strides = array<i32>} : memref<2x4x512xi32, #tpu.memory_space<vmem>>, vector<16xi32>,
        %broadcast_in_dim3A_557 = arith.constant 512 : i32
        %broadcast_in_dim3A_558 = vector.broadcast %broadcast_in_dim3A_557 : i32 to vector<16xi32>
        %swap3A_559 = arith.constant 0 : i32
        %swap3A_560 = arith.constant 0 : i32
        %swap3A_561 = arith.index_cast %swap3A_559 : i32 to index
        %swap3A_562 = arith.index_cast %swap3A_560 : i32 to index
        %swap3A_563 = arith.constant 384 : index
        %swap3A_564 = tpu.vector_load %arg6[%swap3A_561, %swap3A_562, %swap3A_563] {strides = array<i32>} : memref<2x4x512xi32, #tpu.memory_space<vmem>>, vector<16xi32>,
        tpu.vector_store %arg6[%swap3A_561, %swap3A_562, %swap3A_563], %broadcast_in_dim3A_558 {strides = array<i32>} : memref<2x4x512xi32, #tpu.memory_space<vmem>>, vector<16xi32>,
        %broadcast_in_dim3A_565 = arith.constant 512 : i32
        %broadcast_in_dim3A_566 = vector.broadcast %broadcast_in_dim3A_565 : i32 to vector<16xi32>
        %swap3A_567 = arith.constant 0 : i32
        %swap3A_568 = arith.constant 0 : i32
        %swap3A_569 = arith.index_cast %swap3A_567 : i32 to index
        %swap3A_570 = arith.index_cast %swap3A_568 : i32 to index
        %swap3A_571 = arith.constant 400 : index
        %swap3A_572 = tpu.vector_load %arg6[%swap3A_569, %swap3A_570, %swap3A_571] {strides = array<i32>} : memref<2x4x512xi32, #tpu.memory_space<vmem>>, vector<16xi32>,
        tpu.vector_store %arg6[%swap3A_569, %swap3A_570, %swap3A_571], %broadcast_in_dim3A_566 {strides = array<i32>} : memref<2x4x512xi32, #tpu.memory_space<vmem>>, vector<16xi32>,
        %broadcast_in_dim3A_573 = arith.constant 512 : i32
        %broadcast_in_dim3A_574 = vector.broadcast %broadcast_in_dim3A_573 : i32 to vector<16xi32>
        %swap3A_575 = arith.constant 0 : i32
        %swap3A_576 = arith.constant 0 : i32
        %swap3A_577 = arith.index_cast %swap3A_575 : i32 to index
        %swap3A_578 = arith.index_cast %swap3A_576 : i32 to index
        %swap3A_579 = arith.constant 416 : index
        %swap3A_580 = tpu.vector_load %arg6[%swap3A_577, %swap3A_578, %swap3A_579] {strides = array<i32>} : memref<2x4x512xi32, #tpu.memory_space<vmem>>, vector<16xi32>,
        tpu.vector_store %arg6[%swap3A_577, %swap3A_578, %swap3A_579], %broadcast_in_dim3A_574 {strides = array<i32>} : memref<2x4x512xi32, #tpu.memory_space<vmem>>, vector<16xi32>,
        %broadcast_in_dim3A_581 = arith.constant 512 : i32
        %broadcast_in_dim3A_582 = vector.broadcast %broadcast_in_dim3A_581 : i32 to vector<16xi32>
        %swap3A_583 = arith.constant 0 : i32
        %swap3A_584 = arith.constant 0 : i32
        %swap3A_585 = arith.index_cast %swap3A_583 : i32 to index
        %swap3A_586 = arith.index_cast %swap3A_584 : i32 to index
        %swap3A_587 = arith.constant 432 : index
        %swap3A_588 = tpu.vector_load %arg6[%swap3A_585, %swap3A_586, %swap3A_587] {strides = array<i32>} : memref<2x4x512xi32, #tpu.memory_space<vmem>>, vector<16xi32>,
        tpu.vector_store %arg6[%swap3A_585, %swap3A_586, %swap3A_587], %broadcast_in_dim3A_582 {strides = array<i32>} : memref<2x4x512xi32, #tpu.memory_space<vmem>>, vector<16xi32>,
        %broadcast_in_dim3A_589 = arith.constant 512 : i32
        %broadcast_in_dim3A_590 = vector.broadcast %broadcast_in_dim3A_589 : i32 to vector<16xi32>
        %swap3A_591 = arith.constant 0 : i32
        %swap3A_592 = arith.constant 0 : i32
        %swap3A_593 = arith.index_cast %swap3A_591 : i32 to index
        %swap3A_594 = arith.index_cast %swap3A_592 : i32 to index
        %swap3A_595 = arith.constant 448 : index
        %swap3A_596 = tpu.vector_load %arg6[%swap3A_593, %swap3A_594, %swap3A_595] {strides = array<i32>} : memref<2x4x512xi32, #tpu.memory_space<vmem>>, vector<16xi32>,
        tpu.vector_store %arg6[%swap3A_593, %swap3A_594, %swap3A_595], %broadcast_in_dim3A_590 {strides = array<i32>} : memref<2x4x512xi32, #tpu.memory_space<vmem>>, vector<16xi32>,
        %broadcast_in_dim3A_597 = arith.constant 512 : i32
        %broadcast_in_dim3A_598 = vector.broadcast %broadcast_in_dim3A_597 : i32 to vector<16xi32>
        %swap3A_599 = arith.constant 0 : i32
        %swap3A_600 = arith.constant 0 : i32
        %swap3A_601 = arith.index_cast %swap3A_599 : i32 to index
        %swap3A_602 = arith.index_cast %swap3A_600 : i32 to index
        %swap3A_603 = arith.constant 464 : index
        %swap3A_604 = tpu.vector_load %arg6[%swap3A_601, %swap3A_602, %swap3A_603] {strides = array<i32>} : memref<2x4x512xi32, #tpu.memory_space<vmem>>, vector<16xi32>,
        tpu.vector_store %arg6[%swap3A_601, %swap3A_602, %swap3A_603], %broadcast_in_dim3A_598 {strides = array<i32>} : memref<2x4x512xi32, #tpu.memory_space<vmem>>, vector<16xi32>,
        %broadcast_in_dim3A_605 = arith.constant 512 : i32
        %broadcast_in_dim3A_606 = vector.broadcast %broadcast_in_dim3A_605 : i32 to vector<16xi32>
        %swap3A_607 = arith.constant 0 : i32
        %swap3A_608 = arith.constant 0 : i32
        %swap3A_609 = arith.index_cast %swap3A_607 : i32 to index
        %swap3A_610 = arith.index_cast %swap3A_608 : i32 to index
        %swap3A_611 = arith.constant 480 : index
        %swap3A_612 = tpu.vector_load %arg6[%swap3A_609, %swap3A_610, %swap3A_611] {strides = array<i32>} : memref<2x4x512xi32, #tpu.memory_space<vmem>>, vector<16xi32>,
        tpu.vector_store %arg6[%swap3A_609, %swap3A_610, %swap3A_611], %broadcast_in_dim3A_606 {strides = array<i32>} : memref<2x4x512xi32, #tpu.memory_space<vmem>>, vector<16xi32>,
        %broadcast_in_dim3A_613 = arith.constant 512 : i32
        %broadcast_in_dim3A_614 = vector.broadcast %broadcast_in_dim3A_613 : i32 to vector<16xi32>
        %swap3A_615 = arith.constant 0 : i32
        %swap3A_616 = arith.constant 0 : i32
        %swap3A_617 = arith.index_cast %swap3A_615 : i32 to index
        %swap3A_618 = arith.index_cast %swap3A_616 : i32 to index
        %swap3A_619 = arith.constant 496 : index
        %swap3A_620 = tpu.vector_load %arg6[%swap3A_617, %swap3A_618, %swap3A_619] {strides = array<i32>} : memref<2x4x512xi32, #tpu.memory_space<vmem>>, vector<16xi32>,
        tpu.vector_store %arg6[%swap3A_617, %swap3A_618, %swap3A_619], %broadcast_in_dim3A_614 {strides = array<i32>} : memref<2x4x512xi32, #tpu.memory_space<vmem>>, vector<16xi32>,
      } else {
      }
      %parallel_loop3A = arith.constant 0 : i32
      %parallel_loop3A_206 = arith.constant 128 : i32
      %parallel_loop3A_207 = arith.constant 1 : i32
      scf.for %parallel_loop3A_365 = %parallel_loop3A to %parallel_loop3A_206 step %parallel_loop3A_207  : i32 {
        %parallel_loop3A_366 = arith.constant 5 : i32
        %parallel_loop3A_367 = arith.shrsi %parallel_loop3A_365, %parallel_loop3A_366 : i32
        %parallel_loop3A_368 = arith.constant 31 : i32
        %parallel_loop3A_369 = arith.andi %parallel_loop3A_365, %parallel_loop3A_368 : i32
        %parallel_loop3A_370 = arith.constant 16 : i32
        %parallel_loop3A_371 = arith.muli %parallel_loop3A_369, %parallel_loop3A_370 : i32
        %parallel_loop3A_372 = arith.constant 0 : i32
        %parallel_loop3A_373 = arith.index_cast %parallel_loop3A_372 : i32 to index
        %parallel_loop3A_374 = arith.index_cast %parallel_loop3A_367 : i32 to index
        %parallel_loop3A_375 = arith.index_cast %parallel_loop3A_371 : i32 to index
        %parallel_loop3A_376 = tpu.vector_load %arg6[%parallel_loop3A_373, %parallel_loop3A_374, %parallel_loop3A_375] {strides = array<i32>} : memref<2x4x512xi32, #tpu.memory_space<vmem>>, vector<16xi32>,
        %parallel_loop3A_377 = arith.constant 0 : i32
        %parallel_loop3A_378 = vector.broadcast %parallel_loop3A_377 : i32 to vector<16xi32>
        %parallel_loop3A_379 = arith.addi %parallel_loop3A_376, %parallel_loop3A_378 : vector<16xi32>
        %parallel_loop3A_380 = tpu.vector_load_idx %arg5[%parallel_loop3A_379] : memref<8208xf32, #tpu.memory_space<vmem>>[vector<16xi32>], vector<16xf32>,
        %parallel_loop3A_381 = arith.constant 0 : i32
        %parallel_loop3A_382 = arith.constant 0 : i32
        %parallel_loop3A_383 = arith.index_cast %parallel_loop3A_381 : i32 to index
        %parallel_loop3A_384 = arith.index_cast %parallel_loop3A_382 : i32 to index
        %parallel_loop3A_385 = arith.index_cast %parallel_loop3A_367 : i32 to index
        %parallel_loop3A_386 = arith.index_cast %parallel_loop3A_371 : i32 to index
        %parallel_loop3A_387 = tpu.vector_load %arg7[%parallel_loop3A_383, %parallel_loop3A_384, %parallel_loop3A_385, %parallel_loop3A_386] {strides = array<i32>} : memref<2x16x4x512xf32, #tpu.memory_space<vmem>>, vector<16xf32>,
        tpu.vector_store %arg7[%parallel_loop3A_383, %parallel_loop3A_384, %parallel_loop3A_385, %parallel_loop3A_386], %parallel_loop3A_380 {strides = array<i32>} : memref<2x16x4x512xf32, #tpu.memory_space<vmem>>, vector<16xf32>,
        %parallel_loop3A_388 = arith.constant 513 : i32
        %parallel_loop3A_389 = vector.broadcast %parallel_loop3A_388 : i32 to vector<16xi32>
        %parallel_loop3A_390 = arith.addi %parallel_loop3A_376, %parallel_loop3A_389 : vector<16xi32>
        %parallel_loop3A_391 = tpu.vector_load_idx %arg5[%parallel_loop3A_390] : memref<8208xf32, #tpu.memory_space<vmem>>[vector<16xi32>], vector<16xf32>,
        %parallel_loop3A_392 = arith.constant 0 : i32
        %parallel_loop3A_393 = arith.constant 1 : i32
        %parallel_loop3A_394 = arith.index_cast %parallel_loop3A_392 : i32 to index
        %parallel_loop3A_395 = arith.index_cast %parallel_loop3A_393 : i32 to index
        %parallel_loop3A_396 = arith.index_cast %parallel_loop3A_367 : i32 to index
        %parallel_loop3A_397 = arith.index_cast %parallel_loop3A_371 : i32 to index
        %parallel_loop3A_398 = tpu.vector_load %arg7[%parallel_loop3A_394, %parallel_loop3A_395, %parallel_loop3A_396, %parallel_loop3A_397] {strides = array<i32>} : memref<2x16x4x512xf32, #tpu.memory_space<vmem>>, vector<16xf32>,
        tpu.vector_store %arg7[%parallel_loop3A_394, %parallel_loop3A_395, %parallel_loop3A_396, %parallel_loop3A_397], %parallel_loop3A_391 {strides = array<i32>} : memref<2x16x4x512xf32, #tpu.memory_space<vmem>>, vector<16xf32>,
        %parallel_loop3A_399 = arith.constant 1026 : i32
        %parallel_loop3A_400 = vector.broadcast %parallel_loop3A_399 : i32 to vector<16xi32>
        %parallel_loop3A_401 = arith.addi %parallel_loop3A_376, %parallel_loop3A_400 : vector<16xi32>
        %parallel_loop3A_402 = tpu.vector_load_idx %arg5[%parallel_loop3A_401] : memref<8208xf32, #tpu.memory_space<vmem>>[vector<16xi32>], vector<16xf32>,
        %parallel_loop3A_403 = arith.constant 0 : i32
        %parallel_loop3A_404 = arith.constant 2 : i32
        %parallel_loop3A_405 = arith.index_cast %parallel_loop3A_403 : i32 to index
        %parallel_loop3A_406 = arith.index_cast %parallel_loop3A_404 : i32 to index
        %parallel_loop3A_407 = arith.index_cast %parallel_loop3A_367 : i32 to index
        %parallel_loop3A_408 = arith.index_cast %parallel_loop3A_371 : i32 to index
        %parallel_loop3A_409 = tpu.vector_load %arg7[%parallel_loop3A_405, %parallel_loop3A_406, %parallel_loop3A_407, %parallel_loop3A_408] {strides = array<i32>} : memref<2x16x4x512xf32, #tpu.memory_space<vmem>>, vector<16xf32>,
        tpu.vector_store %arg7[%parallel_loop3A_405, %parallel_loop3A_406, %parallel_loop3A_407, %parallel_loop3A_408], %parallel_loop3A_402 {strides = array<i32>} : memref<2x16x4x512xf32, #tpu.memory_space<vmem>>, vector<16xf32>,
        %parallel_loop3A_410 = arith.constant 1539 : i32
        %parallel_loop3A_411 = vector.broadcast %parallel_loop3A_410 : i32 to vector<16xi32>
        %parallel_loop3A_412 = arith.addi %parallel_loop3A_376, %parallel_loop3A_411 : vector<16xi32>
        %parallel_loop3A_413 = tpu.vector_load_idx %arg5[%parallel_loop3A_412] : memref<8208xf32, #tpu.memory_space<vmem>>[vector<16xi32>], vector<16xf32>,
        %parallel_loop3A_414 = arith.constant 0 : i32
        %parallel_loop3A_415 = arith.constant 3 : i32
        %parallel_loop3A_416 = arith.index_cast %parallel_loop3A_414 : i32 to index
        %parallel_loop3A_417 = arith.index_cast %parallel_loop3A_415 : i32 to index
        %parallel_loop3A_418 = arith.index_cast %parallel_loop3A_367 : i32 to index
        %parallel_loop3A_419 = arith.index_cast %parallel_loop3A_371 : i32 to index
        %parallel_loop3A_420 = tpu.vector_load %arg7[%parallel_loop3A_416, %parallel_loop3A_417, %parallel_loop3A_418, %parallel_loop3A_419] {strides = array<i32>} : memref<2x16x4x512xf32, #tpu.memory_space<vmem>>, vector<16xf32>,
        tpu.vector_store %arg7[%parallel_loop3A_416, %parallel_loop3A_417, %parallel_loop3A_418, %parallel_loop3A_419], %parallel_loop3A_413 {strides = array<i32>} : memref<2x16x4x512xf32, #tpu.memory_space<vmem>>, vector<16xf32>,
        %parallel_loop3A_421 = arith.constant 2052 : i32
        %parallel_loop3A_422 = vector.broadcast %parallel_loop3A_421 : i32 to vector<16xi32>
        %parallel_loop3A_423 = arith.addi %parallel_loop3A_376, %parallel_loop3A_422 : vector<16xi32>
        %parallel_loop3A_424 = tpu.vector_load_idx %arg5[%parallel_loop3A_423] : memref<8208xf32, #tpu.memory_space<vmem>>[vector<16xi32>], vector<16xf32>,
        %parallel_loop3A_425 = arith.constant 0 : i32
        %parallel_loop3A_426 = arith.constant 4 : i32
        %parallel_loop3A_427 = arith.index_cast %parallel_loop3A_425 : i32 to index
        %parallel_loop3A_428 = arith.index_cast %parallel_loop3A_426 : i32 to index
        %parallel_loop3A_429 = arith.index_cast %parallel_loop3A_367 : i32 to index
        %parallel_loop3A_430 = arith.index_cast %parallel_loop3A_371 : i32 to index
        %parallel_loop3A_431 = tpu.vector_load %arg7[%parallel_loop3A_427, %parallel_loop3A_428, %parallel_loop3A_429, %parallel_loop3A_430] {strides = array<i32>} : memref<2x16x4x512xf32, #tpu.memory_space<vmem>>, vector<16xf32>,
        tpu.vector_store %arg7[%parallel_loop3A_427, %parallel_loop3A_428, %parallel_loop3A_429, %parallel_loop3A_430], %parallel_loop3A_424 {strides = array<i32>} : memref<2x16x4x512xf32, #tpu.memory_space<vmem>>, vector<16xf32>,
        %parallel_loop3A_432 = arith.constant 2565 : i32
        %parallel_loop3A_433 = vector.broadcast %parallel_loop3A_432 : i32 to vector<16xi32>
        %parallel_loop3A_434 = arith.addi %parallel_loop3A_376, %parallel_loop3A_433 : vector<16xi32>
        %parallel_loop3A_435 = tpu.vector_load_idx %arg5[%parallel_loop3A_434] : memref<8208xf32, #tpu.memory_space<vmem>>[vector<16xi32>], vector<16xf32>,
        %parallel_loop3A_436 = arith.constant 0 : i32
        %parallel_loop3A_437 = arith.constant 5 : i32
        %parallel_loop3A_438 = arith.index_cast %parallel_loop3A_436 : i32 to index
        %parallel_loop3A_439 = arith.index_cast %parallel_loop3A_437 : i32 to index
        %parallel_loop3A_440 = arith.index_cast %parallel_loop3A_367 : i32 to index
        %parallel_loop3A_441 = arith.index_cast %parallel_loop3A_371 : i32 to index
        %parallel_loop3A_442 = tpu.vector_load %arg7[%parallel_loop3A_438, %parallel_loop3A_439, %parallel_loop3A_440, %parallel_loop3A_441] {strides = array<i32>} : memref<2x16x4x512xf32, #tpu.memory_space<vmem>>, vector<16xf32>,
        tpu.vector_store %arg7[%parallel_loop3A_438, %parallel_loop3A_439, %parallel_loop3A_440, %parallel_loop3A_441], %parallel_loop3A_435 {strides = array<i32>} : memref<2x16x4x512xf32, #tpu.memory_space<vmem>>, vector<16xf32>,
        %parallel_loop3A_443 = arith.constant 3078 : i32
        %parallel_loop3A_444 = vector.broadcast %parallel_loop3A_443 : i32 to vector<16xi32>
        %parallel_loop3A_445 = arith.addi %parallel_loop3A_376, %parallel_loop3A_444 : vector<16xi32>
        %parallel_loop3A_446 = tpu.vector_load_idx %arg5[%parallel_loop3A_445] : memref<8208xf32, #tpu.memory_space<vmem>>[vector<16xi32>], vector<16xf32>,
        %parallel_loop3A_447 = arith.constant 0 : i32
        %parallel_loop3A_448 = arith.constant 6 : i32
        %parallel_loop3A_449 = arith.index_cast %parallel_loop3A_447 : i32 to index
        %parallel_loop3A_450 = arith.index_cast %parallel_loop3A_448 : i32 to index
        %parallel_loop3A_451 = arith.index_cast %parallel_loop3A_367 : i32 to index
        %parallel_loop3A_452 = arith.index_cast %parallel_loop3A_371 : i32 to index
        %parallel_loop3A_453 = tpu.vector_load %arg7[%parallel_loop3A_449, %parallel_loop3A_450, %parallel_loop3A_451, %parallel_loop3A_452] {strides = array<i32>} : memref<2x16x4x512xf32, #tpu.memory_space<vmem>>, vector<16xf32>,
        tpu.vector_store %arg7[%parallel_loop3A_449, %parallel_loop3A_450, %parallel_loop3A_451, %parallel_loop3A_452], %parallel_loop3A_446 {strides = array<i32>} : memref<2x16x4x512xf32, #tpu.memory_space<vmem>>, vector<16xf32>,
        %parallel_loop3A_454 = arith.constant 3591 : i32
        %parallel_loop3A_455 = vector.broadcast %parallel_loop3A_454 : i32 to vector<16xi32>
        %parallel_loop3A_456 = arith.addi %parallel_loop3A_376, %parallel_loop3A_455 : vector<16xi32>
        %parallel_loop3A_457 = tpu.vector_load_idx %arg5[%parallel_loop3A_456] : memref<8208xf32, #tpu.memory_space<vmem>>[vector<16xi32>], vector<16xf32>,
        %parallel_loop3A_458 = arith.constant 0 : i32
        %parallel_loop3A_459 = arith.constant 7 : i32
        %parallel_loop3A_460 = arith.index_cast %parallel_loop3A_458 : i32 to index
        %parallel_loop3A_461 = arith.index_cast %parallel_loop3A_459 : i32 to index
        %parallel_loop3A_462 = arith.index_cast %parallel_loop3A_367 : i32 to index
        %parallel_loop3A_463 = arith.index_cast %parallel_loop3A_371 : i32 to index
        %parallel_loop3A_464 = tpu.vector_load %arg7[%parallel_loop3A_460, %parallel_loop3A_461, %parallel_loop3A_462, %parallel_loop3A_463] {strides = array<i32>} : memref<2x16x4x512xf32, #tpu.memory_space<vmem>>, vector<16xf32>,
        tpu.vector_store %arg7[%parallel_loop3A_460, %parallel_loop3A_461, %parallel_loop3A_462, %parallel_loop3A_463], %parallel_loop3A_457 {strides = array<i32>} : memref<2x16x4x512xf32, #tpu.memory_space<vmem>>, vector<16xf32>,
        %parallel_loop3A_465 = arith.constant 4104 : i32
        %parallel_loop3A_466 = vector.broadcast %parallel_loop3A_465 : i32 to vector<16xi32>
        %parallel_loop3A_467 = arith.addi %parallel_loop3A_376, %parallel_loop3A_466 : vector<16xi32>
        %parallel_loop3A_468 = tpu.vector_load_idx %arg5[%parallel_loop3A_467] : memref<8208xf32, #tpu.memory_space<vmem>>[vector<16xi32>], vector<16xf32>,
        %parallel_loop3A_469 = arith.constant 0 : i32
        %parallel_loop3A_470 = arith.constant 8 : i32
        %parallel_loop3A_471 = arith.index_cast %parallel_loop3A_469 : i32 to index
        %parallel_loop3A_472 = arith.index_cast %parallel_loop3A_470 : i32 to index
        %parallel_loop3A_473 = arith.index_cast %parallel_loop3A_367 : i32 to index
        %parallel_loop3A_474 = arith.index_cast %parallel_loop3A_371 : i32 to index
        %parallel_loop3A_475 = tpu.vector_load %arg7[%parallel_loop3A_471, %parallel_loop3A_472, %parallel_loop3A_473, %parallel_loop3A_474] {strides = array<i32>} : memref<2x16x4x512xf32, #tpu.memory_space<vmem>>, vector<16xf32>,
        tpu.vector_store %arg7[%parallel_loop3A_471, %parallel_loop3A_472, %parallel_loop3A_473, %parallel_loop3A_474], %parallel_loop3A_468 {strides = array<i32>} : memref<2x16x4x512xf32, #tpu.memory_space<vmem>>, vector<16xf32>,
        %parallel_loop3A_476 = arith.constant 4617 : i32
        %parallel_loop3A_477 = vector.broadcast %parallel_loop3A_476 : i32 to vector<16xi32>
        %parallel_loop3A_478 = arith.addi %parallel_loop3A_376, %parallel_loop3A_477 : vector<16xi32>
        %parallel_loop3A_479 = tpu.vector_load_idx %arg5[%parallel_loop3A_478] : memref<8208xf32, #tpu.memory_space<vmem>>[vector<16xi32>], vector<16xf32>,
        %parallel_loop3A_480 = arith.constant 0 : i32
        %parallel_loop3A_481 = arith.constant 9 : i32
        %parallel_loop3A_482 = arith.index_cast %parallel_loop3A_480 : i32 to index
        %parallel_loop3A_483 = arith.index_cast %parallel_loop3A_481 : i32 to index
        %parallel_loop3A_484 = arith.index_cast %parallel_loop3A_367 : i32 to index
        %parallel_loop3A_485 = arith.index_cast %parallel_loop3A_371 : i32 to index
        %parallel_loop3A_486 = tpu.vector_load %arg7[%parallel_loop3A_482, %parallel_loop3A_483, %parallel_loop3A_484, %parallel_loop3A_485] {strides = array<i32>} : memref<2x16x4x512xf32, #tpu.memory_space<vmem>>, vector<16xf32>,
        tpu.vector_store %arg7[%parallel_loop3A_482, %parallel_loop3A_483, %parallel_loop3A_484, %parallel_loop3A_485], %parallel_loop3A_479 {strides = array<i32>} : memref<2x16x4x512xf32, #tpu.memory_space<vmem>>, vector<16xf32>,
        %parallel_loop3A_487 = arith.constant 5130 : i32
        %parallel_loop3A_488 = vector.broadcast %parallel_loop3A_487 : i32 to vector<16xi32>
        %parallel_loop3A_489 = arith.addi %parallel_loop3A_376, %parallel_loop3A_488 : vector<16xi32>
        %parallel_loop3A_490 = tpu.vector_load_idx %arg5[%parallel_loop3A_489] : memref<8208xf32, #tpu.memory_space<vmem>>[vector<16xi32>], vector<16xf32>,
        %parallel_loop3A_491 = arith.constant 0 : i32
        %parallel_loop3A_492 = arith.constant 10 : i32
        %parallel_loop3A_493 = arith.index_cast %parallel_loop3A_491 : i32 to index
        %parallel_loop3A_494 = arith.index_cast %parallel_loop3A_492 : i32 to index
        %parallel_loop3A_495 = arith.index_cast %parallel_loop3A_367 : i32 to index
        %parallel_loop3A_496 = arith.index_cast %parallel_loop3A_371 : i32 to index
        %parallel_loop3A_497 = tpu.vector_load %arg7[%parallel_loop3A_493, %parallel_loop3A_494, %parallel_loop3A_495, %parallel_loop3A_496] {strides = array<i32>} : memref<2x16x4x512xf32, #tpu.memory_space<vmem>>, vector<16xf32>,
        tpu.vector_store %arg7[%parallel_loop3A_493, %parallel_loop3A_494, %parallel_loop3A_495, %parallel_loop3A_496], %parallel_loop3A_490 {strides = array<i32>} : memref<2x16x4x512xf32, #tpu.memory_space<vmem>>, vector<16xf32>,
        %parallel_loop3A_498 = arith.constant 5643 : i32
        %parallel_loop3A_499 = vector.broadcast %parallel_loop3A_498 : i32 to vector<16xi32>
        %parallel_loop3A_500 = arith.addi %parallel_loop3A_376, %parallel_loop3A_499 : vector<16xi32>
        %parallel_loop3A_501 = tpu.vector_load_idx %arg5[%parallel_loop3A_500] : memref<8208xf32, #tpu.memory_space<vmem>>[vector<16xi32>], vector<16xf32>,
        %parallel_loop3A_502 = arith.constant 0 : i32
        %parallel_loop3A_503 = arith.constant 11 : i32
        %parallel_loop3A_504 = arith.index_cast %parallel_loop3A_502 : i32 to index
        %parallel_loop3A_505 = arith.index_cast %parallel_loop3A_503 : i32 to index
        %parallel_loop3A_506 = arith.index_cast %parallel_loop3A_367 : i32 to index
        %parallel_loop3A_507 = arith.index_cast %parallel_loop3A_371 : i32 to index
        %parallel_loop3A_508 = tpu.vector_load %arg7[%parallel_loop3A_504, %parallel_loop3A_505, %parallel_loop3A_506, %parallel_loop3A_507] {strides = array<i32>} : memref<2x16x4x512xf32, #tpu.memory_space<vmem>>, vector<16xf32>,
        tpu.vector_store %arg7[%parallel_loop3A_504, %parallel_loop3A_505, %parallel_loop3A_506, %parallel_loop3A_507], %parallel_loop3A_501 {strides = array<i32>} : memref<2x16x4x512xf32, #tpu.memory_space<vmem>>, vector<16xf32>,
        %parallel_loop3A_509 = arith.constant 6156 : i32
        %parallel_loop3A_510 = vector.broadcast %parallel_loop3A_509 : i32 to vector<16xi32>
        %parallel_loop3A_511 = arith.addi %parallel_loop3A_376, %parallel_loop3A_510 : vector<16xi32>
        %parallel_loop3A_512 = tpu.vector_load_idx %arg5[%parallel_loop3A_511] : memref<8208xf32, #tpu.memory_space<vmem>>[vector<16xi32>], vector<16xf32>,
        %parallel_loop3A_513 = arith.constant 0 : i32
        %parallel_loop3A_514 = arith.constant 12 : i32
        %parallel_loop3A_515 = arith.index_cast %parallel_loop3A_513 : i32 to index
        %parallel_loop3A_516 = arith.index_cast %parallel_loop3A_514 : i32 to index
        %parallel_loop3A_517 = arith.index_cast %parallel_loop3A_367 : i32 to index
        %parallel_loop3A_518 = arith.index_cast %parallel_loop3A_371 : i32 to index
        %parallel_loop3A_519 = tpu.vector_load %arg7[%parallel_loop3A_515, %parallel_loop3A_516, %parallel_loop3A_517, %parallel_loop3A_518] {strides = array<i32>} : memref<2x16x4x512xf32, #tpu.memory_space<vmem>>, vector<16xf32>,
        tpu.vector_store %arg7[%parallel_loop3A_515, %parallel_loop3A_516, %parallel_loop3A_517, %parallel_loop3A_518], %parallel_loop3A_512 {strides = array<i32>} : memref<2x16x4x512xf32, #tpu.memory_space<vmem>>, vector<16xf32>,
        %parallel_loop3A_520 = arith.constant 6669 : i32
        %parallel_loop3A_521 = vector.broadcast %parallel_loop3A_520 : i32 to vector<16xi32>
        %parallel_loop3A_522 = arith.addi %parallel_loop3A_376, %parallel_loop3A_521 : vector<16xi32>
        %parallel_loop3A_523 = tpu.vector_load_idx %arg5[%parallel_loop3A_522] : memref<8208xf32, #tpu.memory_space<vmem>>[vector<16xi32>], vector<16xf32>,
        %parallel_loop3A_524 = arith.constant 0 : i32
        %parallel_loop3A_525 = arith.constant 13 : i32
        %parallel_loop3A_526 = arith.index_cast %parallel_loop3A_524 : i32 to index
        %parallel_loop3A_527 = arith.index_cast %parallel_loop3A_525 : i32 to index
        %parallel_loop3A_528 = arith.index_cast %parallel_loop3A_367 : i32 to index
        %parallel_loop3A_529 = arith.index_cast %parallel_loop3A_371 : i32 to index
        %parallel_loop3A_530 = tpu.vector_load %arg7[%parallel_loop3A_526, %parallel_loop3A_527, %parallel_loop3A_528, %parallel_loop3A_529] {strides = array<i32>} : memref<2x16x4x512xf32, #tpu.memory_space<vmem>>, vector<16xf32>,
        tpu.vector_store %arg7[%parallel_loop3A_526, %parallel_loop3A_527, %parallel_loop3A_528, %parallel_loop3A_529], %parallel_loop3A_523 {strides = array<i32>} : memref<2x16x4x512xf32, #tpu.memory_space<vmem>>, vector<16xf32>,
        %parallel_loop3A_531 = arith.constant 7182 : i32
        %parallel_loop3A_532 = vector.broadcast %parallel_loop3A_531 : i32 to vector<16xi32>
        %parallel_loop3A_533 = arith.addi %parallel_loop3A_376, %parallel_loop3A_532 : vector<16xi32>
        %parallel_loop3A_534 = tpu.vector_load_idx %arg5[%parallel_loop3A_533] : memref<8208xf32, #tpu.memory_space<vmem>>[vector<16xi32>], vector<16xf32>,
        %parallel_loop3A_535 = arith.constant 0 : i32
        %parallel_loop3A_536 = arith.constant 14 : i32
        %parallel_loop3A_537 = arith.index_cast %parallel_loop3A_535 : i32 to index
        %parallel_loop3A_538 = arith.index_cast %parallel_loop3A_536 : i32 to index
        %parallel_loop3A_539 = arith.index_cast %parallel_loop3A_367 : i32 to index
        %parallel_loop3A_540 = arith.index_cast %parallel_loop3A_371 : i32 to index
        %parallel_loop3A_541 = tpu.vector_load %arg7[%parallel_loop3A_537, %parallel_loop3A_538, %parallel_loop3A_539, %parallel_loop3A_540] {strides = array<i32>} : memref<2x16x4x512xf32, #tpu.memory_space<vmem>>, vector<16xf32>,
        tpu.vector_store %arg7[%parallel_loop3A_537, %parallel_loop3A_538, %parallel_loop3A_539, %parallel_loop3A_540], %parallel_loop3A_534 {strides = array<i32>} : memref<2x16x4x512xf32, #tpu.memory_space<vmem>>, vector<16xf32>,
        %parallel_loop3A_542 = arith.constant 7695 : i32
        %parallel_loop3A_543 = vector.broadcast %parallel_loop3A_542 : i32 to vector<16xi32>
        %parallel_loop3A_544 = arith.addi %parallel_loop3A_376, %parallel_loop3A_543 : vector<16xi32>
        %parallel_loop3A_545 = tpu.vector_load_idx %arg5[%parallel_loop3A_544] : memref<8208xf32, #tpu.memory_space<vmem>>[vector<16xi32>], vector<16xf32>,
        %parallel_loop3A_546 = arith.constant 0 : i32
        %parallel_loop3A_547 = arith.constant 15 : i32
        %parallel_loop3A_548 = arith.index_cast %parallel_loop3A_546 : i32 to index
        %parallel_loop3A_549 = arith.index_cast %parallel_loop3A_547 : i32 to index
        %parallel_loop3A_550 = arith.index_cast %parallel_loop3A_367 : i32 to index
        %parallel_loop3A_551 = arith.index_cast %parallel_loop3A_371 : i32 to index
        %parallel_loop3A_552 = tpu.vector_load %arg7[%parallel_loop3A_548, %parallel_loop3A_549, %parallel_loop3A_550, %parallel_loop3A_551] {strides = array<i32>} : memref<2x16x4x512xf32, #tpu.memory_space<vmem>>, vector<16xf32>,
        tpu.vector_store %arg7[%parallel_loop3A_548, %parallel_loop3A_549, %parallel_loop3A_550, %parallel_loop3A_551], %parallel_loop3A_545 {strides = array<i32>} : memref<2x16x4x512xf32, #tpu.memory_space<vmem>>, vector<16xf32>,
      } {sc.loop_unroll_factor = 1 : i64, sc.parallel_access}
      %dma_start3A_208 = arith.constant 0 : i32
      %dma_start3A_209 = arith.constant 0 : i32
      %dma_start3A_210 = arith.constant 0 : i32
      %dma_start3A_211 = arith.constant 0 : i32
      %dma_start3A_212 = tpu.memref_slice %arg7[%dma_start3A_208, %dma_start3A_209, %dma_start3A_210, %dma_start3A_211] : memref<2x16x4x512xf32, #tpu.memory_space<vmem>> -> memref<1x16x4x512xf32, #tpu.memory_space<vmem>>
      %dma_start3A_213 = tpu.memref_squeeze %dma_start3A_212 : memref<1x16x4x512xf32, #tpu.memory_space<vmem>> -> memref<16x4x512xf32, #tpu.memory_space<vmem>>
      %dma_start3A_214 = arith.constant 0 : i32
      %dma_start3A_215 = arith.constant 0 : i32
      %dma_start3A_216 = tpu.memref_slice %arg4[%select_n3A, %dma_start3A_214, %add3A_102, %dma_start3A_215] : memref<16x16x512x512xf32, #tpu.memory_space<hbm>> -> memref<1x16x4x512xf32, #tpu.memory_space<hbm>>
      %dma_start3A_217 = tpu.memref_squeeze %dma_start3A_216 : memref<1x16x4x512xf32, #tpu.memory_space<hbm>> -> memref<16x4x512xf32, #tpu.memory_space<hbm>>
      %dma_start3A_218 = arith.constant 0 : i32
      %dma_start3A_219 = arith.constant 0 : i32
      %dma_start3A_220 = tpu.memref_slice %arg4[%select_n3A, %dma_start3A_218, %add3A_102, %dma_start3A_219] : memref<16x16x512x512xf32, #tpu.memory_space<hbm>> -> memref<1x16x4x512xf32, #tpu.memory_space<hbm>>
      %dma_start3A_221 = tpu.memref_squeeze %dma_start3A_220 : memref<1x16x4x512xf32, #tpu.memory_space<hbm>> -> memref<16x4x512xf32, #tpu.memory_space<hbm>>
      %dma_start3A_222 = arith.constant 0 : i32
      %dma_start3A_223 = arith.constant 0 : i32
      %dma_start3A_224 = arith.constant 0 : i32
      %dma_start3A_225 = tpu.memref_slice %arg7[%dma_start3A_208, %dma_start3A_222, %dma_start3A_223, %dma_start3A_224] : memref<2x16x4x512xf32, #tpu.memory_space<vmem>> -> memref<1x16x4x512xf32, #tpu.memory_space<vmem>>
      %dma_start3A_226 = tpu.memref_squeeze %dma_start3A_225 : memref<1x16x4x512xf32, #tpu.memory_space<vmem>> -> memref<16x4x512xf32, #tpu.memory_space<vmem>>
      tpu.enqueue_dma source(%dma_start3A_226 : memref<16x4x512xf32, #tpu.memory_space<vmem>>) target(%dma_start3A_221 : memref<16x4x512xf32, #tpu.memory_space<hbm>>) target_semaphore(%arg10 : memref<!tpu.dma_semaphore, #tpu.memory_space<semaphore_mem>>)
      %mul3A_227 = arith.constant 2 : i32
      %mul3A_228 = arith.muli %mul3A_227, %scan3A_95 : i32
      %add3A_229 = arith.constant 1 : i32
      %add3A_230 = arith.addi %mul3A_228, %add3A_229 : i32
      %mul3A_231 = arith.constant 4 : i32
      %mul3A_232 = arith.muli %add3A_230, %mul3A_231 : i32
      %add3A_233 = arith.addi %select_n3A_32, %mul3A_232 : i32
      %add3A_234 = arith.constant 1 : i32
      %add3A_235 = arith.addi %add3A_230, %add3A_234 : i32
      %lt3A_236 = arith.constant 64 : i32
      %lt3A_237 = arith.cmpi slt, %add3A_235, %lt3A_236 : i32
      %convert_element_type3A_238 = arith.extui %lt3A_237 : i1 to i32
      %cond3A_239 = arith.constant 0 : i32
      %cond3A_240 = arith.cmpi ne, %convert_element_type3A_238, %cond3A_239 : i32
      scf.if %cond3A_240 {
        %add3A_365 = arith.constant 4 : i32
        %add3A_366 = arith.addi %add3A_233, %add3A_365 : i32
        %dma_start3A_367 = arith.constant 0 : i32
        %dma_start3A_368 = arith.constant 0 : i32
        %dma_start3A_369 = arith.constant 0 : i32
        %dma_start3A_370 = tpu.memref_slice %arg6[%dma_start3A_367, %dma_start3A_368, %dma_start3A_369] : memref<2x4x512xi32, #tpu.memory_space<vmem>> -> memref<1x4x512xi32, #tpu.memory_space<vmem>>
        %dma_start3A_371 = tpu.memref_squeeze %dma_start3A_370 : memref<1x4x512xi32, #tpu.memory_space<vmem>> -> memref<4x512xi32, #tpu.memory_space<vmem>>
        %dma_start3A_372 = arith.constant 0 : i32
        %dma_start3A_373 = tpu.memref_slice %arg2[%select_n3A, %add3A_366, %dma_start3A_372] : memref<16x512x512xi32, #tpu.memory_space<hbm>> -> memref<1x4x512xi32, #tpu.memory_space<hbm>>
        %dma_start3A_374 = tpu.memref_squeeze %dma_start3A_373 : memref<1x4x512xi32, #tpu.memory_space<hbm>> -> memref<4x512xi32, #tpu.memory_space<hbm>>
        %dma_start3A_375 = arith.constant 0 : i32
        %dma_start3A_376 = arith.constant 0 : i32
        %dma_start3A_377 = tpu.memref_slice %arg6[%dma_start3A_367, %dma_start3A_375, %dma_start3A_376] : memref<2x4x512xi32, #tpu.memory_space<vmem>> -> memref<1x4x512xi32, #tpu.memory_space<vmem>>
        %dma_start3A_378 = tpu.memref_squeeze %dma_start3A_377 : memref<1x4x512xi32, #tpu.memory_space<vmem>> -> memref<4x512xi32, #tpu.memory_space<vmem>>
        %dma_start3A_379 = arith.constant 0 : i32
        %dma_start3A_380 = tpu.memref_slice %arg2[%select_n3A, %add3A_366, %dma_start3A_379] : memref<16x512x512xi32, #tpu.memory_space<hbm>> -> memref<1x4x512xi32, #tpu.memory_space<hbm>>
        %dma_start3A_381 = tpu.memref_squeeze %dma_start3A_380 : memref<1x4x512xi32, #tpu.memory_space<hbm>> -> memref<4x512xi32, #tpu.memory_space<hbm>>
        tpu.enqueue_dma source(%dma_start3A_381 : memref<4x512xi32, #tpu.memory_space<hbm>>) target(%dma_start3A_378 : memref<4x512xi32, #tpu.memory_space<vmem>>) target_semaphore(%arg8 : memref<!tpu.dma_semaphore, #tpu.memory_space<semaphore_mem>>)
      } else {
      }
      %dma_wait3A_241 = arith.constant 1 : i32
      %dma_wait3A_242 = arith.constant 0 : i32
      %dma_wait3A_243 = arith.constant 0 : i32
      %dma_wait3A_244 = tpu.memref_slice %arg6[%dma_wait3A_241, %dma_wait3A_242, %dma_wait3A_243] : memref<2x4x512xi32, #tpu.memory_space<vmem>> -> memref<1x4x512xi32, #tpu.memory_space<vmem>>
      %dma_wait3A_245 = tpu.memref_squeeze %dma_wait3A_244 : memref<1x4x512xi32, #tpu.memory_space<vmem>> -> memref<4x512xi32, #tpu.memory_space<vmem>>
      %dma_wait3A_246 = arith.constant 0 : i32
      %dma_wait3A_247 = arith.constant 0 : i32
      %dma_wait3A_248 = tpu.memref_slice %arg2[%select_n3A, %dma_wait3A_246, %dma_wait3A_247] : memref<16x512x512xi32, #tpu.memory_space<hbm>> -> memref<1x4x512xi32, #tpu.memory_space<hbm>>
      %dma_wait3A_249 = tpu.memref_squeeze %dma_wait3A_248 : memref<1x4x512xi32, #tpu.memory_space<hbm>> -> memref<4x512xi32, #tpu.memory_space<hbm>>
      %dma_wait3A_250 = arith.constant 0 : i32
      %dma_wait3A_251 = arith.constant 0 : i32
      %dma_wait3A_252 = tpu.memref_slice %arg6[%dma_wait3A_241, %dma_wait3A_250, %dma_wait3A_251] : memref<2x4x512xi32, #tpu.memory_space<vmem>> -> memref<1x4x512xi32, #tpu.memory_space<vmem>>
      %dma_wait3A_253 = tpu.memref_squeeze %dma_wait3A_252 : memref<1x4x512xi32, #tpu.memory_space<vmem>> -> memref<4x512xi32, #tpu.memory_space<vmem>>
      %dma_wait3A_254 = arith.constant 0 : i32
      %dma_wait3A_255 = arith.constant 0 : i32
      %dma_wait3A_256 = tpu.memref_slice %arg2[%select_n3A, %dma_wait3A_254, %dma_wait3A_255] : memref<16x512x512xi32, #tpu.memory_space<hbm>> -> memref<1x4x512xi32, #tpu.memory_space<hbm>>
      %dma_wait3A_257 = tpu.memref_squeeze %dma_wait3A_256 : memref<1x4x512xi32, #tpu.memory_space<hbm>> -> memref<4x512xi32, #tpu.memory_space<hbm>>
      tpu.wait_dma2 semaphore(%arg9 : memref<!tpu.dma_semaphore, #tpu.memory_space<semaphore_mem>>) src(%dma_wait3A_257 : memref<4x512xi32, #tpu.memory_space<hbm>>) dst(%dma_wait3A_253 : memref<4x512xi32, #tpu.memory_space<vmem>>)
      %get3A_258 = arith.constant 1 : i32
      %get3A_259 = arith.constant 0 : i32
      %get3A_260 = arith.index_cast %get3A_258 : i32 to index
      %get3A_261 = arith.index_cast %get3A_259 : i32 to index
      %get3A_262 = arith.constant 0 : index
      %get3A_263 = tpu.vector_load %arg6[%get3A_260, %get3A_261, %get3A_262] {strides = array<i32>} : memref<2x4x512xi32, #tpu.memory_space<vmem>>, vector<16xi32>,
      %eq3A_264 = arith.constant 0 : i32
      %eq3A_265 = vector.broadcast %eq3A_264 : i32 to vector<16xi32>
      %eq3A_266 = arith.cmpi eq, %iota3A, %eq3A_265 : vector<16xi32>
      %jit3A_267 = arith.constant 512 : i32
      %broadcast_in_dim3A_268 = vector.broadcast %jit3A_267 : i32 to vector<16xi32>
      %select_n3A_269 = arith.select %eq3A_266, %broadcast_in_dim3A_268, %get3A_263 : vector<16xi1>, vector<16xi32>
      %swap3A_270 = arith.constant 1 : i32
      %swap3A_271 = arith.constant 0 : i32
      %swap3A_272 = arith.index_cast %swap3A_270 : i32 to index
      %swap3A_273 = arith.index_cast %swap3A_271 : i32 to index
      %swap3A_274 = arith.constant 0 : index
      %swap3A_275 = tpu.vector_load %arg6[%swap3A_272, %swap3A_273, %swap3A_274] {strides = array<i32>} : memref<2x4x512xi32, #tpu.memory_space<vmem>>, vector<16xi32>,
      tpu.vector_store %arg6[%swap3A_272, %swap3A_273, %swap3A_274], %select_n3A_269 {strides = array<i32>} : memref<2x4x512xi32, #tpu.memory_space<vmem>>, vector<16xi32>,
      %get3A_276 = arith.constant 1 : i32
      %get3A_277 = arith.constant 1 : i32
      %get3A_278 = arith.index_cast %get3A_276 : i32 to index
      %get3A_279 = arith.index_cast %get3A_277 : i32 to index
      %get3A_280 = arith.constant 0 : index
      %get3A_281 = tpu.vector_load %arg6[%get3A_278, %get3A_279, %get3A_280] {strides = array<i32>} : memref<2x4x512xi32, #tpu.memory_space<vmem>>, vector<16xi32>,
      %eq3A_282 = arith.constant 0 : i32
      %eq3A_283 = vector.broadcast %eq3A_282 : i32 to vector<16xi32>
      %eq3A_284 = arith.cmpi eq, %iota3A, %eq3A_283 : vector<16xi32>
      %jit3A_285 = arith.constant 512 : i32
      %broadcast_in_dim3A_286 = vector.broadcast %jit3A_285 : i32 to vector<16xi32>
      %select_n3A_287 = arith.select %eq3A_284, %broadcast_in_dim3A_286, %get3A_281 : vector<16xi1>, vector<16xi32>
      %swap3A_288 = arith.constant 1 : i32
      %swap3A_289 = arith.constant 1 : i32
      %swap3A_290 = arith.index_cast %swap3A_288 : i32 to index
      %swap3A_291 = arith.index_cast %swap3A_289 : i32 to index
      %swap3A_292 = arith.constant 0 : index
      %swap3A_293 = tpu.vector_load %arg6[%swap3A_290, %swap3A_291, %swap3A_292] {strides = array<i32>} : memref<2x4x512xi32, #tpu.memory_space<vmem>>, vector<16xi32>,
      tpu.vector_store %arg6[%swap3A_290, %swap3A_291, %swap3A_292], %select_n3A_287 {strides = array<i32>} : memref<2x4x512xi32, #tpu.memory_space<vmem>>, vector<16xi32>,
      %get3A_294 = arith.constant 1 : i32
      %get3A_295 = arith.constant 2 : i32
      %get3A_296 = arith.index_cast %get3A_294 : i32 to index
      %get3A_297 = arith.index_cast %get3A_295 : i32 to index
      %get3A_298 = arith.constant 0 : index
      %get3A_299 = tpu.vector_load %arg6[%get3A_296, %get3A_297, %get3A_298] {strides = array<i32>} : memref<2x4x512xi32, #tpu.memory_space<vmem>>, vector<16xi32>,
      %eq3A_300 = arith.constant 0 : i32
      %eq3A_301 = vector.broadcast %eq3A_300 : i32 to vector<16xi32>
      %eq3A_302 = arith.cmpi eq, %iota3A, %eq3A_301 : vector<16xi32>
      %jit3A_303 = arith.constant 512 : i32
      %broadcast_in_dim3A_304 = vector.broadcast %jit3A_303 : i32 to vector<16xi32>
      %select_n3A_305 = arith.select %eq3A_302, %broadcast_in_dim3A_304, %get3A_299 : vector<16xi1>, vector<16xi32>
      %swap3A_306 = arith.constant 1 : i32
      %swap3A_307 = arith.constant 2 : i32
      %swap3A_308 = arith.index_cast %swap3A_306 : i32 to index
      %swap3A_309 = arith.index_cast %swap3A_307 : i32 to index
      %swap3A_310 = arith.constant 0 : index
      %swap3A_311 = tpu.vector_load %arg6[%swap3A_308, %swap3A_309, %swap3A_310] {strides = array<i32>} : memref<2x4x512xi32, #tpu.memory_space<vmem>>, vector<16xi32>,
      tpu.vector_store %arg6[%swap3A_308, %swap3A_309, %swap3A_310], %select_n3A_305 {strides = array<i32>} : memref<2x4x512xi32, #tpu.memory_space<vmem>>, vector<16xi32>,
      %get3A_312 = arith.constant 1 : i32
      %get3A_313 = arith.constant 3 : i32
      %get3A_314 = arith.index_cast %get3A_312 : i32 to index
      %get3A_315 = arith.index_cast %get3A_313 : i32 to index
      %get3A_316 = arith.constant 0 : index
      %get3A_317 = tpu.vector_load %arg6[%get3A_314, %get3A_315, %get3A_316] {strides = array<i32>} : memref<2x4x512xi32, #tpu.memory_space<vmem>>, vector<16xi32>,
      %eq3A_318 = arith.constant 0 : i32
      %eq3A_319 = vector.broadcast %eq3A_318 : i32 to vector<16xi32>
      %eq3A_320 = arith.cmpi eq, %iota3A, %eq3A_319 : vector<16xi32>
      %jit3A_321 = arith.constant 512 : i32
      %broadcast_in_dim3A_322 = vector.broadcast %jit3A_321 : i32 to vector<16xi32>
      %select_n3A_323 = arith.select %eq3A_320, %broadcast_in_dim3A_322, %get3A_317 : vector<16xi1>, vector<16xi32>
      %swap3A_324 = arith.constant 1 : i32
      %swap3A_325 = arith.constant 3 : i32
      %swap3A_326 = arith.index_cast %swap3A_324 : i32 to index
      %swap3A_327 = arith.index_cast %swap3A_325 : i32 to index
      %swap3A_328 = arith.constant 0 : index
      %swap3A_329 = tpu.vector_load %arg6[%swap3A_326, %swap3A_327, %swap3A_328] {strides = array<i32>} : memref<2x4x512xi32, #tpu.memory_space<vmem>>, vector<16xi32>,
      tpu.vector_store %arg6[%swap3A_326, %swap3A_327, %swap3A_328], %select_n3A_323 {strides = array<i32>} : memref<2x4x512xi32, #tpu.memory_space<vmem>>, vector<16xi32>,
      %ge3A_330 = arith.constant 2 : i32
      %ge3A_331 = arith.cmpi sge, %add3A_230, %ge3A_330 : i32
      %convert_element_type3A_332 = arith.extui %ge3A_331 : i1 to i32
      %cond3A_333 = arith.constant 0 : i32
      %cond3A_334 = arith.cmpi ne, %convert_element_type3A_332, %cond3A_333 : i32
      scf.if %cond3A_334 {
        %dma_wait3A_365 = arith.constant 1 : i32
        %dma_wait3A_366 = arith.constant 0 : i32
        %dma_wait3A_367 = arith.constant 0 : i32
        %dma_wait3A_368 = arith.constant 0 : i32
        %dma_wait3A_369 = arith.constant 0 : i32
        %dma_wait3A_370 = tpu.memref_slice %arg7[%dma_wait3A_365, %dma_wait3A_367, %dma_wait3A_368, %dma_wait3A_369] : memref<2x16x4x512xf32, #tpu.memory_space<vmem>> -> memref<1x16x4x512xf32, #tpu.memory_space<vmem>>
        %dma_wait3A_371 = tpu.memref_squeeze %dma_wait3A_370 : memref<1x16x4x512xf32, #tpu.memory_space<vmem>> -> memref<16x4x512xf32, #tpu.memory_space<vmem>>
        %dma_wait3A_372 = arith.constant 0 : i32
        %dma_wait3A_373 = arith.constant 0 : i32
        %dma_wait3A_374 = arith.constant 0 : i32
        %dma_wait3A_375 = tpu.memref_slice %arg4[%dma_wait3A_366, %dma_wait3A_372, %dma_wait3A_373, %dma_wait3A_374] : memref<16x16x512x512xf32, #tpu.memory_space<hbm>> -> memref<1x16x4x512xf32, #tpu.memory_space<hbm>>
        %dma_wait3A_376 = tpu.memref_squeeze %dma_wait3A_375 : memref<1x16x4x512xf32, #tpu.memory_space<hbm>> -> memref<16x4x512xf32, #tpu.memory_space<hbm>>
        %dma_wait3A_377 = arith.constant 0 : i32
        %dma_wait3A_378 = arith.constant 0 : i32
        %dma_wait3A_379 = arith.constant 0 : i32
        %dma_wait3A_380 = tpu.memref_slice %arg4[%dma_wait3A_366, %dma_wait3A_377, %dma_wait3A_378, %dma_wait3A_379] : memref<16x16x512x512xf32, #tpu.memory_space<hbm>> -> memref<1x16x4x512xf32, #tpu.memory_space<hbm>>
        %dma_wait3A_381 = tpu.memref_squeeze %dma_wait3A_380 : memref<1x16x4x512xf32, #tpu.memory_space<hbm>> -> memref<16x4x512xf32, #tpu.memory_space<hbm>>
        %dma_wait3A_382 = arith.constant 0 : i32
        %dma_wait3A_383 = arith.constant 0 : i32
        %dma_wait3A_384 = arith.constant 0 : i32
        %dma_wait3A_385 = tpu.memref_slice %arg7[%dma_wait3A_365, %dma_wait3A_382, %dma_wait3A_383, %dma_wait3A_384] : memref<2x16x4x512xf32, #tpu.memory_space<vmem>> -> memref<1x16x4x512xf32, #tpu.memory_space<vmem>>
        %dma_wait3A_386 = tpu.memref_squeeze %dma_wait3A_385 : memref<1x16x4x512xf32, #tpu.memory_space<vmem>> -> memref<16x4x512xf32, #tpu.memory_space<vmem>>
        tpu.wait_dma2 semaphore(%arg11 : memref<!tpu.dma_semaphore, #tpu.memory_space<semaphore_mem>>) src(%dma_wait3A_386 : memref<16x4x512xf32, #tpu.memory_space<vmem>>) dst(%dma_wait3A_381 : memref<16x4x512xf32, #tpu.memory_space<hbm>>)
      } else {
      }
      %eq3A_335 = arith.constant 0 : i32
      %eq3A_336 = arith.cmpi eq, %select_n3A_32, %eq3A_335 : i32
      %eq3A_337 = arith.constant 0 : i32
      %eq3A_338 = arith.cmpi eq, %add3A_230, %eq3A_337 : i32
      %and3A_339 = arith.andi %eq3A_336, %eq3A_338 : i1
      %convert_element_type3A_340 = arith.extui %and3A_339 : i1 to i32
      %cond3A_341 = arith.constant 0 : i32
      %cond3A_342 = arith.cmpi ne, %convert_element_type3A_340, %cond3A_341 : i32
      scf.if %cond3A_342 {
        %broadcast_in_dim3A_365 = arith.constant 512 : i32
        %broadcast_in_dim3A_366 = vector.broadcast %broadcast_in_dim3A_365 : i32 to vector<16xi32>
        %swap3A_367 = arith.constant 1 : i32
        %swap3A_368 = arith.constant 0 : i32
        %swap3A_369 = arith.index_cast %swap3A_367 : i32 to index
        %swap3A_370 = arith.index_cast %swap3A_368 : i32 to index
        %swap3A_371 = arith.constant 0 : index
        %swap3A_372 = tpu.vector_load %arg6[%swap3A_369, %swap3A_370, %swap3A_371] {strides = array<i32>} : memref<2x4x512xi32, #tpu.memory_space<vmem>>, vector<16xi32>,
        tpu.vector_store %arg6[%swap3A_369, %swap3A_370, %swap3A_371], %broadcast_in_dim3A_366 {strides = array<i32>} : memref<2x4x512xi32, #tpu.memory_space<vmem>>, vector<16xi32>,
        %broadcast_in_dim3A_373 = arith.constant 512 : i32
        %broadcast_in_dim3A_374 = vector.broadcast %broadcast_in_dim3A_373 : i32 to vector<16xi32>
        %swap3A_375 = arith.constant 1 : i32
        %swap3A_376 = arith.constant 0 : i32
        %swap3A_377 = arith.index_cast %swap3A_375 : i32 to index
        %swap3A_378 = arith.index_cast %swap3A_376 : i32 to index
        %swap3A_379 = arith.constant 16 : index
        %swap3A_380 = tpu.vector_load %arg6[%swap3A_377, %swap3A_378, %swap3A_379] {strides = array<i32>} : memref<2x4x512xi32, #tpu.memory_space<vmem>>, vector<16xi32>,
        tpu.vector_store %arg6[%swap3A_377, %swap3A_378, %swap3A_379], %broadcast_in_dim3A_374 {strides = array<i32>} : memref<2x4x512xi32, #tpu.memory_space<vmem>>, vector<16xi32>,
        %broadcast_in_dim3A_381 = arith.constant 512 : i32
        %broadcast_in_dim3A_382 = vector.broadcast %broadcast_in_dim3A_381 : i32 to vector<16xi32>
        %swap3A_383 = arith.constant 1 : i32
        %swap3A_384 = arith.constant 0 : i32
        %swap3A_385 = arith.index_cast %swap3A_383 : i32 to index
        %swap3A_386 = arith.index_cast %swap3A_384 : i32 to index
        %swap3A_387 = arith.constant 32 : index
        %swap3A_388 = tpu.vector_load %arg6[%swap3A_385, %swap3A_386, %swap3A_387] {strides = array<i32>} : memref<2x4x512xi32, #tpu.memory_space<vmem>>, vector<16xi32>,
        tpu.vector_store %arg6[%swap3A_385, %swap3A_386, %swap3A_387], %broadcast_in_dim3A_382 {strides = array<i32>} : memref<2x4x512xi32, #tpu.memory_space<vmem>>, vector<16xi32>,
        %broadcast_in_dim3A_389 = arith.constant 512 : i32
        %broadcast_in_dim3A_390 = vector.broadcast %broadcast_in_dim3A_389 : i32 to vector<16xi32>
        %swap3A_391 = arith.constant 1 : i32
        %swap3A_392 = arith.constant 0 : i32
        %swap3A_393 = arith.index_cast %swap3A_391 : i32 to index
        %swap3A_394 = arith.index_cast %swap3A_392 : i32 to index
        %swap3A_395 = arith.constant 48 : index
        %swap3A_396 = tpu.vector_load %arg6[%swap3A_393, %swap3A_394, %swap3A_395] {strides = array<i32>} : memref<2x4x512xi32, #tpu.memory_space<vmem>>, vector<16xi32>,
        tpu.vector_store %arg6[%swap3A_393, %swap3A_394, %swap3A_395], %broadcast_in_dim3A_390 {strides = array<i32>} : memref<2x4x512xi32, #tpu.memory_space<vmem>>, vector<16xi32>,
        %broadcast_in_dim3A_397 = arith.constant 512 : i32
        %broadcast_in_dim3A_398 = vector.broadcast %broadcast_in_dim3A_397 : i32 to vector<16xi32>
        %swap3A_399 = arith.constant 1 : i32
        %swap3A_400 = arith.constant 0 : i32
        %swap3A_401 = arith.index_cast %swap3A_399 : i32 to index
        %swap3A_402 = arith.index_cast %swap3A_400 : i32 to index
        %swap3A_403 = arith.constant 64 : index
        %swap3A_404 = tpu.vector_load %arg6[%swap3A_401, %swap3A_402, %swap3A_403] {strides = array<i32>} : memref<2x4x512xi32, #tpu.memory_space<vmem>>, vector<16xi32>,
        tpu.vector_store %arg6[%swap3A_401, %swap3A_402, %swap3A_403], %broadcast_in_dim3A_398 {strides = array<i32>} : memref<2x4x512xi32, #tpu.memory_space<vmem>>, vector<16xi32>,
        %broadcast_in_dim3A_405 = arith.constant 512 : i32
        %broadcast_in_dim3A_406 = vector.broadcast %broadcast_in_dim3A_405 : i32 to vector<16xi32>
        %swap3A_407 = arith.constant 1 : i32
        %swap3A_408 = arith.constant 0 : i32
        %swap3A_409 = arith.index_cast %swap3A_407 : i32 to index
        %swap3A_410 = arith.index_cast %swap3A_408 : i32 to index
        %swap3A_411 = arith.constant 80 : index
        %swap3A_412 = tpu.vector_load %arg6[%swap3A_409, %swap3A_410, %swap3A_411] {strides = array<i32>} : memref<2x4x512xi32, #tpu.memory_space<vmem>>, vector<16xi32>,
        tpu.vector_store %arg6[%swap3A_409, %swap3A_410, %swap3A_411], %broadcast_in_dim3A_406 {strides = array<i32>} : memref<2x4x512xi32, #tpu.memory_space<vmem>>, vector<16xi32>,
        %broadcast_in_dim3A_413 = arith.constant 512 : i32
        %broadcast_in_dim3A_414 = vector.broadcast %broadcast_in_dim3A_413 : i32 to vector<16xi32>
        %swap3A_415 = arith.constant 1 : i32
        %swap3A_416 = arith.constant 0 : i32
        %swap3A_417 = arith.index_cast %swap3A_415 : i32 to index
        %swap3A_418 = arith.index_cast %swap3A_416 : i32 to index
        %swap3A_419 = arith.constant 96 : index
        %swap3A_420 = tpu.vector_load %arg6[%swap3A_417, %swap3A_418, %swap3A_419] {strides = array<i32>} : memref<2x4x512xi32, #tpu.memory_space<vmem>>, vector<16xi32>,
        tpu.vector_store %arg6[%swap3A_417, %swap3A_418, %swap3A_419], %broadcast_in_dim3A_414 {strides = array<i32>} : memref<2x4x512xi32, #tpu.memory_space<vmem>>, vector<16xi32>,
        %broadcast_in_dim3A_421 = arith.constant 512 : i32
        %broadcast_in_dim3A_422 = vector.broadcast %broadcast_in_dim3A_421 : i32 to vector<16xi32>
        %swap3A_423 = arith.constant 1 : i32
        %swap3A_424 = arith.constant 0 : i32
        %swap3A_425 = arith.index_cast %swap3A_423 : i32 to index
        %swap3A_426 = arith.index_cast %swap3A_424 : i32 to index
        %swap3A_427 = arith.constant 112 : index
        %swap3A_428 = tpu.vector_load %arg6[%swap3A_425, %swap3A_426, %swap3A_427] {strides = array<i32>} : memref<2x4x512xi32, #tpu.memory_space<vmem>>, vector<16xi32>,
        tpu.vector_store %arg6[%swap3A_425, %swap3A_426, %swap3A_427], %broadcast_in_dim3A_422 {strides = array<i32>} : memref<2x4x512xi32, #tpu.memory_space<vmem>>, vector<16xi32>,
        %broadcast_in_dim3A_429 = arith.constant 512 : i32
        %broadcast_in_dim3A_430 = vector.broadcast %broadcast_in_dim3A_429 : i32 to vector<16xi32>
        %swap3A_431 = arith.constant 1 : i32
        %swap3A_432 = arith.constant 0 : i32
        %swap3A_433 = arith.index_cast %swap3A_431 : i32 to index
        %swap3A_434 = arith.index_cast %swap3A_432 : i32 to index
        %swap3A_435 = arith.constant 128 : index
        %swap3A_436 = tpu.vector_load %arg6[%swap3A_433, %swap3A_434, %swap3A_435] {strides = array<i32>} : memref<2x4x512xi32, #tpu.memory_space<vmem>>, vector<16xi32>,
        tpu.vector_store %arg6[%swap3A_433, %swap3A_434, %swap3A_435], %broadcast_in_dim3A_430 {strides = array<i32>} : memref<2x4x512xi32, #tpu.memory_space<vmem>>, vector<16xi32>,
        %broadcast_in_dim3A_437 = arith.constant 512 : i32
        %broadcast_in_dim3A_438 = vector.broadcast %broadcast_in_dim3A_437 : i32 to vector<16xi32>
        %swap3A_439 = arith.constant 1 : i32
        %swap3A_440 = arith.constant 0 : i32
        %swap3A_441 = arith.index_cast %swap3A_439 : i32 to index
        %swap3A_442 = arith.index_cast %swap3A_440 : i32 to index
        %swap3A_443 = arith.constant 144 : index
        %swap3A_444 = tpu.vector_load %arg6[%swap3A_441, %swap3A_442, %swap3A_443] {strides = array<i32>} : memref<2x4x512xi32, #tpu.memory_space<vmem>>, vector<16xi32>,
        tpu.vector_store %arg6[%swap3A_441, %swap3A_442, %swap3A_443], %broadcast_in_dim3A_438 {strides = array<i32>} : memref<2x4x512xi32, #tpu.memory_space<vmem>>, vector<16xi32>,
        %broadcast_in_dim3A_445 = arith.constant 512 : i32
        %broadcast_in_dim3A_446 = vector.broadcast %broadcast_in_dim3A_445 : i32 to vector<16xi32>
        %swap3A_447 = arith.constant 1 : i32
        %swap3A_448 = arith.constant 0 : i32
        %swap3A_449 = arith.index_cast %swap3A_447 : i32 to index
        %swap3A_450 = arith.index_cast %swap3A_448 : i32 to index
        %swap3A_451 = arith.constant 160 : index
        %swap3A_452 = tpu.vector_load %arg6[%swap3A_449, %swap3A_450, %swap3A_451] {strides = array<i32>} : memref<2x4x512xi32, #tpu.memory_space<vmem>>, vector<16xi32>,
        tpu.vector_store %arg6[%swap3A_449, %swap3A_450, %swap3A_451], %broadcast_in_dim3A_446 {strides = array<i32>} : memref<2x4x512xi32, #tpu.memory_space<vmem>>, vector<16xi32>,
        %broadcast_in_dim3A_453 = arith.constant 512 : i32
        %broadcast_in_dim3A_454 = vector.broadcast %broadcast_in_dim3A_453 : i32 to vector<16xi32>
        %swap3A_455 = arith.constant 1 : i32
        %swap3A_456 = arith.constant 0 : i32
        %swap3A_457 = arith.index_cast %swap3A_455 : i32 to index
        %swap3A_458 = arith.index_cast %swap3A_456 : i32 to index
        %swap3A_459 = arith.constant 176 : index
        %swap3A_460 = tpu.vector_load %arg6[%swap3A_457, %swap3A_458, %swap3A_459] {strides = array<i32>} : memref<2x4x512xi32, #tpu.memory_space<vmem>>, vector<16xi32>,
        tpu.vector_store %arg6[%swap3A_457, %swap3A_458, %swap3A_459], %broadcast_in_dim3A_454 {strides = array<i32>} : memref<2x4x512xi32, #tpu.memory_space<vmem>>, vector<16xi32>,
        %broadcast_in_dim3A_461 = arith.constant 512 : i32
        %broadcast_in_dim3A_462 = vector.broadcast %broadcast_in_dim3A_461 : i32 to vector<16xi32>
        %swap3A_463 = arith.constant 1 : i32
        %swap3A_464 = arith.constant 0 : i32
        %swap3A_465 = arith.index_cast %swap3A_463 : i32 to index
        %swap3A_466 = arith.index_cast %swap3A_464 : i32 to index
        %swap3A_467 = arith.constant 192 : index
        %swap3A_468 = tpu.vector_load %arg6[%swap3A_465, %swap3A_466, %swap3A_467] {strides = array<i32>} : memref<2x4x512xi32, #tpu.memory_space<vmem>>, vector<16xi32>,
        tpu.vector_store %arg6[%swap3A_465, %swap3A_466, %swap3A_467], %broadcast_in_dim3A_462 {strides = array<i32>} : memref<2x4x512xi32, #tpu.memory_space<vmem>>, vector<16xi32>,
        %broadcast_in_dim3A_469 = arith.constant 512 : i32
        %broadcast_in_dim3A_470 = vector.broadcast %broadcast_in_dim3A_469 : i32 to vector<16xi32>
        %swap3A_471 = arith.constant 1 : i32
        %swap3A_472 = arith.constant 0 : i32
        %swap3A_473 = arith.index_cast %swap3A_471 : i32 to index
        %swap3A_474 = arith.index_cast %swap3A_472 : i32 to index
        %swap3A_475 = arith.constant 208 : index
        %swap3A_476 = tpu.vector_load %arg6[%swap3A_473, %swap3A_474, %swap3A_475] {strides = array<i32>} : memref<2x4x512xi32, #tpu.memory_space<vmem>>, vector<16xi32>,
        tpu.vector_store %arg6[%swap3A_473, %swap3A_474, %swap3A_475], %broadcast_in_dim3A_470 {strides = array<i32>} : memref<2x4x512xi32, #tpu.memory_space<vmem>>, vector<16xi32>,
        %broadcast_in_dim3A_477 = arith.constant 512 : i32
        %broadcast_in_dim3A_478 = vector.broadcast %broadcast_in_dim3A_477 : i32 to vector<16xi32>
        %swap3A_479 = arith.constant 1 : i32
        %swap3A_480 = arith.constant 0 : i32
        %swap3A_481 = arith.index_cast %swap3A_479 : i32 to index
        %swap3A_482 = arith.index_cast %swap3A_480 : i32 to index
        %swap3A_483 = arith.constant 224 : index
        %swap3A_484 = tpu.vector_load %arg6[%swap3A_481, %swap3A_482, %swap3A_483] {strides = array<i32>} : memref<2x4x512xi32, #tpu.memory_space<vmem>>, vector<16xi32>,
        tpu.vector_store %arg6[%swap3A_481, %swap3A_482, %swap3A_483], %broadcast_in_dim3A_478 {strides = array<i32>} : memref<2x4x512xi32, #tpu.memory_space<vmem>>, vector<16xi32>,
        %broadcast_in_dim3A_485 = arith.constant 512 : i32
        %broadcast_in_dim3A_486 = vector.broadcast %broadcast_in_dim3A_485 : i32 to vector<16xi32>
        %swap3A_487 = arith.constant 1 : i32
        %swap3A_488 = arith.constant 0 : i32
        %swap3A_489 = arith.index_cast %swap3A_487 : i32 to index
        %swap3A_490 = arith.index_cast %swap3A_488 : i32 to index
        %swap3A_491 = arith.constant 240 : index
        %swap3A_492 = tpu.vector_load %arg6[%swap3A_489, %swap3A_490, %swap3A_491] {strides = array<i32>} : memref<2x4x512xi32, #tpu.memory_space<vmem>>, vector<16xi32>,
        tpu.vector_store %arg6[%swap3A_489, %swap3A_490, %swap3A_491], %broadcast_in_dim3A_486 {strides = array<i32>} : memref<2x4x512xi32, #tpu.memory_space<vmem>>, vector<16xi32>,
        %broadcast_in_dim3A_493 = arith.constant 512 : i32
        %broadcast_in_dim3A_494 = vector.broadcast %broadcast_in_dim3A_493 : i32 to vector<16xi32>
        %swap3A_495 = arith.constant 1 : i32
        %swap3A_496 = arith.constant 0 : i32
        %swap3A_497 = arith.index_cast %swap3A_495 : i32 to index
        %swap3A_498 = arith.index_cast %swap3A_496 : i32 to index
        %swap3A_499 = arith.constant 256 : index
        %swap3A_500 = tpu.vector_load %arg6[%swap3A_497, %swap3A_498, %swap3A_499] {strides = array<i32>} : memref<2x4x512xi32, #tpu.memory_space<vmem>>, vector<16xi32>,
        tpu.vector_store %arg6[%swap3A_497, %swap3A_498, %swap3A_499], %broadcast_in_dim3A_494 {strides = array<i32>} : memref<2x4x512xi32, #tpu.memory_space<vmem>>, vector<16xi32>,
        %broadcast_in_dim3A_501 = arith.constant 512 : i32
        %broadcast_in_dim3A_502 = vector.broadcast %broadcast_in_dim3A_501 : i32 to vector<16xi32>
        %swap3A_503 = arith.constant 1 : i32
        %swap3A_504 = arith.constant 0 : i32
        %swap3A_505 = arith.index_cast %swap3A_503 : i32 to index
        %swap3A_506 = arith.index_cast %swap3A_504 : i32 to index
        %swap3A_507 = arith.constant 272 : index
        %swap3A_508 = tpu.vector_load %arg6[%swap3A_505, %swap3A_506, %swap3A_507] {strides = array<i32>} : memref<2x4x512xi32, #tpu.memory_space<vmem>>, vector<16xi32>,
        tpu.vector_store %arg6[%swap3A_505, %swap3A_506, %swap3A_507], %broadcast_in_dim3A_502 {strides = array<i32>} : memref<2x4x512xi32, #tpu.memory_space<vmem>>, vector<16xi32>,
        %broadcast_in_dim3A_509 = arith.constant 512 : i32
        %broadcast_in_dim3A_510 = vector.broadcast %broadcast_in_dim3A_509 : i32 to vector<16xi32>
        %swap3A_511 = arith.constant 1 : i32
        %swap3A_512 = arith.constant 0 : i32
        %swap3A_513 = arith.index_cast %swap3A_511 : i32 to index
        %swap3A_514 = arith.index_cast %swap3A_512 : i32 to index
        %swap3A_515 = arith.constant 288 : index
        %swap3A_516 = tpu.vector_load %arg6[%swap3A_513, %swap3A_514, %swap3A_515] {strides = array<i32>} : memref<2x4x512xi32, #tpu.memory_space<vmem>>, vector<16xi32>,
        tpu.vector_store %arg6[%swap3A_513, %swap3A_514, %swap3A_515], %broadcast_in_dim3A_510 {strides = array<i32>} : memref<2x4x512xi32, #tpu.memory_space<vmem>>, vector<16xi32>,
        %broadcast_in_dim3A_517 = arith.constant 512 : i32
        %broadcast_in_dim3A_518 = vector.broadcast %broadcast_in_dim3A_517 : i32 to vector<16xi32>
        %swap3A_519 = arith.constant 1 : i32
        %swap3A_520 = arith.constant 0 : i32
        %swap3A_521 = arith.index_cast %swap3A_519 : i32 to index
        %swap3A_522 = arith.index_cast %swap3A_520 : i32 to index
        %swap3A_523 = arith.constant 304 : index
        %swap3A_524 = tpu.vector_load %arg6[%swap3A_521, %swap3A_522, %swap3A_523] {strides = array<i32>} : memref<2x4x512xi32, #tpu.memory_space<vmem>>, vector<16xi32>,
        tpu.vector_store %arg6[%swap3A_521, %swap3A_522, %swap3A_523], %broadcast_in_dim3A_518 {strides = array<i32>} : memref<2x4x512xi32, #tpu.memory_space<vmem>>, vector<16xi32>,
        %broadcast_in_dim3A_525 = arith.constant 512 : i32
        %broadcast_in_dim3A_526 = vector.broadcast %broadcast_in_dim3A_525 : i32 to vector<16xi32>
        %swap3A_527 = arith.constant 1 : i32
        %swap3A_528 = arith.constant 0 : i32
        %swap3A_529 = arith.index_cast %swap3A_527 : i32 to index
        %swap3A_530 = arith.index_cast %swap3A_528 : i32 to index
        %swap3A_531 = arith.constant 320 : index
        %swap3A_532 = tpu.vector_load %arg6[%swap3A_529, %swap3A_530, %swap3A_531] {strides = array<i32>} : memref<2x4x512xi32, #tpu.memory_space<vmem>>, vector<16xi32>,
        tpu.vector_store %arg6[%swap3A_529, %swap3A_530, %swap3A_531], %broadcast_in_dim3A_526 {strides = array<i32>} : memref<2x4x512xi32, #tpu.memory_space<vmem>>, vector<16xi32>,
        %broadcast_in_dim3A_533 = arith.constant 512 : i32
        %broadcast_in_dim3A_534 = vector.broadcast %broadcast_in_dim3A_533 : i32 to vector<16xi32>
        %swap3A_535 = arith.constant 1 : i32
        %swap3A_536 = arith.constant 0 : i32
        %swap3A_537 = arith.index_cast %swap3A_535 : i32 to index
        %swap3A_538 = arith.index_cast %swap3A_536 : i32 to index
        %swap3A_539 = arith.constant 336 : index
        %swap3A_540 = tpu.vector_load %arg6[%swap3A_537, %swap3A_538, %swap3A_539] {strides = array<i32>} : memref<2x4x512xi32, #tpu.memory_space<vmem>>, vector<16xi32>,
        tpu.vector_store %arg6[%swap3A_537, %swap3A_538, %swap3A_539], %broadcast_in_dim3A_534 {strides = array<i32>} : memref<2x4x512xi32, #tpu.memory_space<vmem>>, vector<16xi32>,
        %broadcast_in_dim3A_541 = arith.constant 512 : i32
        %broadcast_in_dim3A_542 = vector.broadcast %broadcast_in_dim3A_541 : i32 to vector<16xi32>
        %swap3A_543 = arith.constant 1 : i32
        %swap3A_544 = arith.constant 0 : i32
        %swap3A_545 = arith.index_cast %swap3A_543 : i32 to index
        %swap3A_546 = arith.index_cast %swap3A_544 : i32 to index
        %swap3A_547 = arith.constant 352 : index
        %swap3A_548 = tpu.vector_load %arg6[%swap3A_545, %swap3A_546, %swap3A_547] {strides = array<i32>} : memref<2x4x512xi32, #tpu.memory_space<vmem>>, vector<16xi32>,
        tpu.vector_store %arg6[%swap3A_545, %swap3A_546, %swap3A_547], %broadcast_in_dim3A_542 {strides = array<i32>} : memref<2x4x512xi32, #tpu.memory_space<vmem>>, vector<16xi32>,
        %broadcast_in_dim3A_549 = arith.constant 512 : i32
        %broadcast_in_dim3A_550 = vector.broadcast %broadcast_in_dim3A_549 : i32 to vector<16xi32>
        %swap3A_551 = arith.constant 1 : i32
        %swap3A_552 = arith.constant 0 : i32
        %swap3A_553 = arith.index_cast %swap3A_551 : i32 to index
        %swap3A_554 = arith.index_cast %swap3A_552 : i32 to index
        %swap3A_555 = arith.constant 368 : index
        %swap3A_556 = tpu.vector_load %arg6[%swap3A_553, %swap3A_554, %swap3A_555] {strides = array<i32>} : memref<2x4x512xi32, #tpu.memory_space<vmem>>, vector<16xi32>,
        tpu.vector_store %arg6[%swap3A_553, %swap3A_554, %swap3A_555], %broadcast_in_dim3A_550 {strides = array<i32>} : memref<2x4x512xi32, #tpu.memory_space<vmem>>, vector<16xi32>,
        %broadcast_in_dim3A_557 = arith.constant 512 : i32
        %broadcast_in_dim3A_558 = vector.broadcast %broadcast_in_dim3A_557 : i32 to vector<16xi32>
        %swap3A_559 = arith.constant 1 : i32
        %swap3A_560 = arith.constant 0 : i32
        %swap3A_561 = arith.index_cast %swap3A_559 : i32 to index
        %swap3A_562 = arith.index_cast %swap3A_560 : i32 to index
        %swap3A_563 = arith.constant 384 : index
        %swap3A_564 = tpu.vector_load %arg6[%swap3A_561, %swap3A_562, %swap3A_563] {strides = array<i32>} : memref<2x4x512xi32, #tpu.memory_space<vmem>>, vector<16xi32>,
        tpu.vector_store %arg6[%swap3A_561, %swap3A_562, %swap3A_563], %broadcast_in_dim3A_558 {strides = array<i32>} : memref<2x4x512xi32, #tpu.memory_space<vmem>>, vector<16xi32>,
        %broadcast_in_dim3A_565 = arith.constant 512 : i32
        %broadcast_in_dim3A_566 = vector.broadcast %broadcast_in_dim3A_565 : i32 to vector<16xi32>
        %swap3A_567 = arith.constant 1 : i32
        %swap3A_568 = arith.constant 0 : i32
        %swap3A_569 = arith.index_cast %swap3A_567 : i32 to index
        %swap3A_570 = arith.index_cast %swap3A_568 : i32 to index
        %swap3A_571 = arith.constant 400 : index
        %swap3A_572 = tpu.vector_load %arg6[%swap3A_569, %swap3A_570, %swap3A_571] {strides = array<i32>} : memref<2x4x512xi32, #tpu.memory_space<vmem>>, vector<16xi32>,
        tpu.vector_store %arg6[%swap3A_569, %swap3A_570, %swap3A_571], %broadcast_in_dim3A_566 {strides = array<i32>} : memref<2x4x512xi32, #tpu.memory_space<vmem>>, vector<16xi32>,
        %broadcast_in_dim3A_573 = arith.constant 512 : i32
        %broadcast_in_dim3A_574 = vector.broadcast %broadcast_in_dim3A_573 : i32 to vector<16xi32>
        %swap3A_575 = arith.constant 1 : i32
        %swap3A_576 = arith.constant 0 : i32
        %swap3A_577 = arith.index_cast %swap3A_575 : i32 to index
        %swap3A_578 = arith.index_cast %swap3A_576 : i32 to index
        %swap3A_579 = arith.constant 416 : index
        %swap3A_580 = tpu.vector_load %arg6[%swap3A_577, %swap3A_578, %swap3A_579] {strides = array<i32>} : memref<2x4x512xi32, #tpu.memory_space<vmem>>, vector<16xi32>,
        tpu.vector_store %arg6[%swap3A_577, %swap3A_578, %swap3A_579], %broadcast_in_dim3A_574 {strides = array<i32>} : memref<2x4x512xi32, #tpu.memory_space<vmem>>, vector<16xi32>,
        %broadcast_in_dim3A_581 = arith.constant 512 : i32
        %broadcast_in_dim3A_582 = vector.broadcast %broadcast_in_dim3A_581 : i32 to vector<16xi32>
        %swap3A_583 = arith.constant 1 : i32
        %swap3A_584 = arith.constant 0 : i32
        %swap3A_585 = arith.index_cast %swap3A_583 : i32 to index
        %swap3A_586 = arith.index_cast %swap3A_584 : i32 to index
        %swap3A_587 = arith.constant 432 : index
        %swap3A_588 = tpu.vector_load %arg6[%swap3A_585, %swap3A_586, %swap3A_587] {strides = array<i32>} : memref<2x4x512xi32, #tpu.memory_space<vmem>>, vector<16xi32>,
        tpu.vector_store %arg6[%swap3A_585, %swap3A_586, %swap3A_587], %broadcast_in_dim3A_582 {strides = array<i32>} : memref<2x4x512xi32, #tpu.memory_space<vmem>>, vector<16xi32>,
        %broadcast_in_dim3A_589 = arith.constant 512 : i32
        %broadcast_in_dim3A_590 = vector.broadcast %broadcast_in_dim3A_589 : i32 to vector<16xi32>
        %swap3A_591 = arith.constant 1 : i32
        %swap3A_592 = arith.constant 0 : i32
        %swap3A_593 = arith.index_cast %swap3A_591 : i32 to index
        %swap3A_594 = arith.index_cast %swap3A_592 : i32 to index
        %swap3A_595 = arith.constant 448 : index
        %swap3A_596 = tpu.vector_load %arg6[%swap3A_593, %swap3A_594, %swap3A_595] {strides = array<i32>} : memref<2x4x512xi32, #tpu.memory_space<vmem>>, vector<16xi32>,
        tpu.vector_store %arg6[%swap3A_593, %swap3A_594, %swap3A_595], %broadcast_in_dim3A_590 {strides = array<i32>} : memref<2x4x512xi32, #tpu.memory_space<vmem>>, vector<16xi32>,
        %broadcast_in_dim3A_597 = arith.constant 512 : i32
        %broadcast_in_dim3A_598 = vector.broadcast %broadcast_in_dim3A_597 : i32 to vector<16xi32>
        %swap3A_599 = arith.constant 1 : i32
        %swap3A_600 = arith.constant 0 : i32
        %swap3A_601 = arith.index_cast %swap3A_599 : i32 to index
        %swap3A_602 = arith.index_cast %swap3A_600 : i32 to index
        %swap3A_603 = arith.constant 464 : index
        %swap3A_604 = tpu.vector_load %arg6[%swap3A_601, %swap3A_602, %swap3A_603] {strides = array<i32>} : memref<2x4x512xi32, #tpu.memory_space<vmem>>, vector<16xi32>,
        tpu.vector_store %arg6[%swap3A_601, %swap3A_602, %swap3A_603], %broadcast_in_dim3A_598 {strides = array<i32>} : memref<2x4x512xi32, #tpu.memory_space<vmem>>, vector<16xi32>,
        %broadcast_in_dim3A_605 = arith.constant 512 : i32
        %broadcast_in_dim3A_606 = vector.broadcast %broadcast_in_dim3A_605 : i32 to vector<16xi32>
        %swap3A_607 = arith.constant 1 : i32
        %swap3A_608 = arith.constant 0 : i32
        %swap3A_609 = arith.index_cast %swap3A_607 : i32 to index
        %swap3A_610 = arith.index_cast %swap3A_608 : i32 to index
        %swap3A_611 = arith.constant 480 : index
        %swap3A_612 = tpu.vector_load %arg6[%swap3A_609, %swap3A_610, %swap3A_611] {strides = array<i32>} : memref<2x4x512xi32, #tpu.memory_space<vmem>>, vector<16xi32>,
        tpu.vector_store %arg6[%swap3A_609, %swap3A_610, %swap3A_611], %broadcast_in_dim3A_606 {strides = array<i32>} : memref<2x4x512xi32, #tpu.memory_space<vmem>>, vector<16xi32>,
        %broadcast_in_dim3A_613 = arith.constant 512 : i32
        %broadcast_in_dim3A_614 = vector.broadcast %broadcast_in_dim3A_613 : i32 to vector<16xi32>
        %swap3A_615 = arith.constant 1 : i32
        %swap3A_616 = arith.constant 0 : i32
        %swap3A_617 = arith.index_cast %swap3A_615 : i32 to index
        %swap3A_618 = arith.index_cast %swap3A_616 : i32 to index
        %swap3A_619 = arith.constant 496 : index
        %swap3A_620 = tpu.vector_load %arg6[%swap3A_617, %swap3A_618, %swap3A_619] {strides = array<i32>} : memref<2x4x512xi32, #tpu.memory_space<vmem>>, vector<16xi32>,
        tpu.vector_store %arg6[%swap3A_617, %swap3A_618, %swap3A_619], %broadcast_in_dim3A_614 {strides = array<i32>} : memref<2x4x512xi32, #tpu.memory_space<vmem>>, vector<16xi32>,
      } else {
      }
      %parallel_loop3A_343 = arith.constant 0 : i32
      %parallel_loop3A_344 = arith.constant 128 : i32
      %parallel_loop3A_345 = arith.constant 1 : i32
      scf.for %parallel_loop3A_365 = %parallel_loop3A_343 to %parallel_loop3A_344 step %parallel_loop3A_345  : i32 {
        %parallel_loop3A_366 = arith.constant 5 : i32
        %parallel_loop3A_367 = arith.shrsi %parallel_loop3A_365, %parallel_loop3A_366 : i32
        %parallel_loop3A_368 = arith.constant 31 : i32
        %parallel_loop3A_369 = arith.andi %parallel_loop3A_365, %parallel_loop3A_368 : i32
        %parallel_loop3A_370 = arith.constant 16 : i32
        %parallel_loop3A_371 = arith.muli %parallel_loop3A_369, %parallel_loop3A_370 : i32
        %parallel_loop3A_372 = arith.constant 1 : i32
        %parallel_loop3A_373 = arith.index_cast %parallel_loop3A_372 : i32 to index
        %parallel_loop3A_374 = arith.index_cast %parallel_loop3A_367 : i32 to index
        %parallel_loop3A_375 = arith.index_cast %parallel_loop3A_371 : i32 to index
        %parallel_loop3A_376 = tpu.vector_load %arg6[%parallel_loop3A_373, %parallel_loop3A_374, %parallel_loop3A_375] {strides = array<i32>} : memref<2x4x512xi32, #tpu.memory_space<vmem>>, vector<16xi32>,
        %parallel_loop3A_377 = arith.constant 0 : i32
        %parallel_loop3A_378 = vector.broadcast %parallel_loop3A_377 : i32 to vector<16xi32>
        %parallel_loop3A_379 = arith.addi %parallel_loop3A_376, %parallel_loop3A_378 : vector<16xi32>
        %parallel_loop3A_380 = tpu.vector_load_idx %arg5[%parallel_loop3A_379] : memref<8208xf32, #tpu.memory_space<vmem>>[vector<16xi32>], vector<16xf32>,
        %parallel_loop3A_381 = arith.constant 1 : i32
        %parallel_loop3A_382 = arith.constant 0 : i32
        %parallel_loop3A_383 = arith.index_cast %parallel_loop3A_381 : i32 to index
        %parallel_loop3A_384 = arith.index_cast %parallel_loop3A_382 : i32 to index
        %parallel_loop3A_385 = arith.index_cast %parallel_loop3A_367 : i32 to index
        %parallel_loop3A_386 = arith.index_cast %parallel_loop3A_371 : i32 to index
        %parallel_loop3A_387 = tpu.vector_load %arg7[%parallel_loop3A_383, %parallel_loop3A_384, %parallel_loop3A_385, %parallel_loop3A_386] {strides = array<i32>} : memref<2x16x4x512xf32, #tpu.memory_space<vmem>>, vector<16xf32>,
        tpu.vector_store %arg7[%parallel_loop3A_383, %parallel_loop3A_384, %parallel_loop3A_385, %parallel_loop3A_386], %parallel_loop3A_380 {strides = array<i32>} : memref<2x16x4x512xf32, #tpu.memory_space<vmem>>, vector<16xf32>,
        %parallel_loop3A_388 = arith.constant 513 : i32
        %parallel_loop3A_389 = vector.broadcast %parallel_loop3A_388 : i32 to vector<16xi32>
        %parallel_loop3A_390 = arith.addi %parallel_loop3A_376, %parallel_loop3A_389 : vector<16xi32>
        %parallel_loop3A_391 = tpu.vector_load_idx %arg5[%parallel_loop3A_390] : memref<8208xf32, #tpu.memory_space<vmem>>[vector<16xi32>], vector<16xf32>,
        %parallel_loop3A_392 = arith.constant 1 : i32
        %parallel_loop3A_393 = arith.constant 1 : i32
        %parallel_loop3A_394 = arith.index_cast %parallel_loop3A_392 : i32 to index
        %parallel_loop3A_395 = arith.index_cast %parallel_loop3A_393 : i32 to index
        %parallel_loop3A_396 = arith.index_cast %parallel_loop3A_367 : i32 to index
        %parallel_loop3A_397 = arith.index_cast %parallel_loop3A_371 : i32 to index
        %parallel_loop3A_398 = tpu.vector_load %arg7[%parallel_loop3A_394, %parallel_loop3A_395, %parallel_loop3A_396, %parallel_loop3A_397] {strides = array<i32>} : memref<2x16x4x512xf32, #tpu.memory_space<vmem>>, vector<16xf32>,
        tpu.vector_store %arg7[%parallel_loop3A_394, %parallel_loop3A_395, %parallel_loop3A_396, %parallel_loop3A_397], %parallel_loop3A_391 {strides = array<i32>} : memref<2x16x4x512xf32, #tpu.memory_space<vmem>>, vector<16xf32>,
        %parallel_loop3A_399 = arith.constant 1026 : i32
        %parallel_loop3A_400 = vector.broadcast %parallel_loop3A_399 : i32 to vector<16xi32>
        %parallel_loop3A_401 = arith.addi %parallel_loop3A_376, %parallel_loop3A_400 : vector<16xi32>
        %parallel_loop3A_402 = tpu.vector_load_idx %arg5[%parallel_loop3A_401] : memref<8208xf32, #tpu.memory_space<vmem>>[vector<16xi32>], vector<16xf32>,
        %parallel_loop3A_403 = arith.constant 1 : i32
        %parallel_loop3A_404 = arith.constant 2 : i32
        %parallel_loop3A_405 = arith.index_cast %parallel_loop3A_403 : i32 to index
        %parallel_loop3A_406 = arith.index_cast %parallel_loop3A_404 : i32 to index
        %parallel_loop3A_407 = arith.index_cast %parallel_loop3A_367 : i32 to index
        %parallel_loop3A_408 = arith.index_cast %parallel_loop3A_371 : i32 to index
        %parallel_loop3A_409 = tpu.vector_load %arg7[%parallel_loop3A_405, %parallel_loop3A_406, %parallel_loop3A_407, %parallel_loop3A_408] {strides = array<i32>} : memref<2x16x4x512xf32, #tpu.memory_space<vmem>>, vector<16xf32>,
        tpu.vector_store %arg7[%parallel_loop3A_405, %parallel_loop3A_406, %parallel_loop3A_407, %parallel_loop3A_408], %parallel_loop3A_402 {strides = array<i32>} : memref<2x16x4x512xf32, #tpu.memory_space<vmem>>, vector<16xf32>,
        %parallel_loop3A_410 = arith.constant 1539 : i32
        %parallel_loop3A_411 = vector.broadcast %parallel_loop3A_410 : i32 to vector<16xi32>
        %parallel_loop3A_412 = arith.addi %parallel_loop3A_376, %parallel_loop3A_411 : vector<16xi32>
        %parallel_loop3A_413 = tpu.vector_load_idx %arg5[%parallel_loop3A_412] : memref<8208xf32, #tpu.memory_space<vmem>>[vector<16xi32>], vector<16xf32>,
        %parallel_loop3A_414 = arith.constant 1 : i32
        %parallel_loop3A_415 = arith.constant 3 : i32
        %parallel_loop3A_416 = arith.index_cast %parallel_loop3A_414 : i32 to index
        %parallel_loop3A_417 = arith.index_cast %parallel_loop3A_415 : i32 to index
        %parallel_loop3A_418 = arith.index_cast %parallel_loop3A_367 : i32 to index
        %parallel_loop3A_419 = arith.index_cast %parallel_loop3A_371 : i32 to index
        %parallel_loop3A_420 = tpu.vector_load %arg7[%parallel_loop3A_416, %parallel_loop3A_417, %parallel_loop3A_418, %parallel_loop3A_419] {strides = array<i32>} : memref<2x16x4x512xf32, #tpu.memory_space<vmem>>, vector<16xf32>,
        tpu.vector_store %arg7[%parallel_loop3A_416, %parallel_loop3A_417, %parallel_loop3A_418, %parallel_loop3A_419], %parallel_loop3A_413 {strides = array<i32>} : memref<2x16x4x512xf32, #tpu.memory_space<vmem>>, vector<16xf32>,
        %parallel_loop3A_421 = arith.constant 2052 : i32
        %parallel_loop3A_422 = vector.broadcast %parallel_loop3A_421 : i32 to vector<16xi32>
        %parallel_loop3A_423 = arith.addi %parallel_loop3A_376, %parallel_loop3A_422 : vector<16xi32>
        %parallel_loop3A_424 = tpu.vector_load_idx %arg5[%parallel_loop3A_423] : memref<8208xf32, #tpu.memory_space<vmem>>[vector<16xi32>], vector<16xf32>,
        %parallel_loop3A_425 = arith.constant 1 : i32
        %parallel_loop3A_426 = arith.constant 4 : i32
        %parallel_loop3A_427 = arith.index_cast %parallel_loop3A_425 : i32 to index
        %parallel_loop3A_428 = arith.index_cast %parallel_loop3A_426 : i32 to index
        %parallel_loop3A_429 = arith.index_cast %parallel_loop3A_367 : i32 to index
        %parallel_loop3A_430 = arith.index_cast %parallel_loop3A_371 : i32 to index
        %parallel_loop3A_431 = tpu.vector_load %arg7[%parallel_loop3A_427, %parallel_loop3A_428, %parallel_loop3A_429, %parallel_loop3A_430] {strides = array<i32>} : memref<2x16x4x512xf32, #tpu.memory_space<vmem>>, vector<16xf32>,
        tpu.vector_store %arg7[%parallel_loop3A_427, %parallel_loop3A_428, %parallel_loop3A_429, %parallel_loop3A_430], %parallel_loop3A_424 {strides = array<i32>} : memref<2x16x4x512xf32, #tpu.memory_space<vmem>>, vector<16xf32>,
        %parallel_loop3A_432 = arith.constant 2565 : i32
        %parallel_loop3A_433 = vector.broadcast %parallel_loop3A_432 : i32 to vector<16xi32>
        %parallel_loop3A_434 = arith.addi %parallel_loop3A_376, %parallel_loop3A_433 : vector<16xi32>
        %parallel_loop3A_435 = tpu.vector_load_idx %arg5[%parallel_loop3A_434] : memref<8208xf32, #tpu.memory_space<vmem>>[vector<16xi32>], vector<16xf32>,
        %parallel_loop3A_436 = arith.constant 1 : i32
        %parallel_loop3A_437 = arith.constant 5 : i32
        %parallel_loop3A_438 = arith.index_cast %parallel_loop3A_436 : i32 to index
        %parallel_loop3A_439 = arith.index_cast %parallel_loop3A_437 : i32 to index
        %parallel_loop3A_440 = arith.index_cast %parallel_loop3A_367 : i32 to index
        %parallel_loop3A_441 = arith.index_cast %parallel_loop3A_371 : i32 to index
        %parallel_loop3A_442 = tpu.vector_load %arg7[%parallel_loop3A_438, %parallel_loop3A_439, %parallel_loop3A_440, %parallel_loop3A_441] {strides = array<i32>} : memref<2x16x4x512xf32, #tpu.memory_space<vmem>>, vector<16xf32>,
        tpu.vector_store %arg7[%parallel_loop3A_438, %parallel_loop3A_439, %parallel_loop3A_440, %parallel_loop3A_441], %parallel_loop3A_435 {strides = array<i32>} : memref<2x16x4x512xf32, #tpu.memory_space<vmem>>, vector<16xf32>,
        %parallel_loop3A_443 = arith.constant 3078 : i32
        %parallel_loop3A_444 = vector.broadcast %parallel_loop3A_443 : i32 to vector<16xi32>
        %parallel_loop3A_445 = arith.addi %parallel_loop3A_376, %parallel_loop3A_444 : vector<16xi32>
        %parallel_loop3A_446 = tpu.vector_load_idx %arg5[%parallel_loop3A_445] : memref<8208xf32, #tpu.memory_space<vmem>>[vector<16xi32>], vector<16xf32>,
        %parallel_loop3A_447 = arith.constant 1 : i32
        %parallel_loop3A_448 = arith.constant 6 : i32
        %parallel_loop3A_449 = arith.index_cast %parallel_loop3A_447 : i32 to index
        %parallel_loop3A_450 = arith.index_cast %parallel_loop3A_448 : i32 to index
        %parallel_loop3A_451 = arith.index_cast %parallel_loop3A_367 : i32 to index
        %parallel_loop3A_452 = arith.index_cast %parallel_loop3A_371 : i32 to index
        %parallel_loop3A_453 = tpu.vector_load %arg7[%parallel_loop3A_449, %parallel_loop3A_450, %parallel_loop3A_451, %parallel_loop3A_452] {strides = array<i32>} : memref<2x16x4x512xf32, #tpu.memory_space<vmem>>, vector<16xf32>,
        tpu.vector_store %arg7[%parallel_loop3A_449, %parallel_loop3A_450, %parallel_loop3A_451, %parallel_loop3A_452], %parallel_loop3A_446 {strides = array<i32>} : memref<2x16x4x512xf32, #tpu.memory_space<vmem>>, vector<16xf32>,
        %parallel_loop3A_454 = arith.constant 3591 : i32
        %parallel_loop3A_455 = vector.broadcast %parallel_loop3A_454 : i32 to vector<16xi32>
        %parallel_loop3A_456 = arith.addi %parallel_loop3A_376, %parallel_loop3A_455 : vector<16xi32>
        %parallel_loop3A_457 = tpu.vector_load_idx %arg5[%parallel_loop3A_456] : memref<8208xf32, #tpu.memory_space<vmem>>[vector<16xi32>], vector<16xf32>,
        %parallel_loop3A_458 = arith.constant 1 : i32
        %parallel_loop3A_459 = arith.constant 7 : i32
        %parallel_loop3A_460 = arith.index_cast %parallel_loop3A_458 : i32 to index
        %parallel_loop3A_461 = arith.index_cast %parallel_loop3A_459 : i32 to index
        %parallel_loop3A_462 = arith.index_cast %parallel_loop3A_367 : i32 to index
        %parallel_loop3A_463 = arith.index_cast %parallel_loop3A_371 : i32 to index
        %parallel_loop3A_464 = tpu.vector_load %arg7[%parallel_loop3A_460, %parallel_loop3A_461, %parallel_loop3A_462, %parallel_loop3A_463] {strides = array<i32>} : memref<2x16x4x512xf32, #tpu.memory_space<vmem>>, vector<16xf32>,
        tpu.vector_store %arg7[%parallel_loop3A_460, %parallel_loop3A_461, %parallel_loop3A_462, %parallel_loop3A_463], %parallel_loop3A_457 {strides = array<i32>} : memref<2x16x4x512xf32, #tpu.memory_space<vmem>>, vector<16xf32>,
        %parallel_loop3A_465 = arith.constant 4104 : i32
        %parallel_loop3A_466 = vector.broadcast %parallel_loop3A_465 : i32 to vector<16xi32>
        %parallel_loop3A_467 = arith.addi %parallel_loop3A_376, %parallel_loop3A_466 : vector<16xi32>
        %parallel_loop3A_468 = tpu.vector_load_idx %arg5[%parallel_loop3A_467] : memref<8208xf32, #tpu.memory_space<vmem>>[vector<16xi32>], vector<16xf32>,
        %parallel_loop3A_469 = arith.constant 1 : i32
        %parallel_loop3A_470 = arith.constant 8 : i32
        %parallel_loop3A_471 = arith.index_cast %parallel_loop3A_469 : i32 to index
        %parallel_loop3A_472 = arith.index_cast %parallel_loop3A_470 : i32 to index
        %parallel_loop3A_473 = arith.index_cast %parallel_loop3A_367 : i32 to index
        %parallel_loop3A_474 = arith.index_cast %parallel_loop3A_371 : i32 to index
        %parallel_loop3A_475 = tpu.vector_load %arg7[%parallel_loop3A_471, %parallel_loop3A_472, %parallel_loop3A_473, %parallel_loop3A_474] {strides = array<i32>} : memref<2x16x4x512xf32, #tpu.memory_space<vmem>>, vector<16xf32>,
        tpu.vector_store %arg7[%parallel_loop3A_471, %parallel_loop3A_472, %parallel_loop3A_473, %parallel_loop3A_474], %parallel_loop3A_468 {strides = array<i32>} : memref<2x16x4x512xf32, #tpu.memory_space<vmem>>, vector<16xf32>,
        %parallel_loop3A_476 = arith.constant 4617 : i32
        %parallel_loop3A_477 = vector.broadcast %parallel_loop3A_476 : i32 to vector<16xi32>
        %parallel_loop3A_478 = arith.addi %parallel_loop3A_376, %parallel_loop3A_477 : vector<16xi32>
        %parallel_loop3A_479 = tpu.vector_load_idx %arg5[%parallel_loop3A_478] : memref<8208xf32, #tpu.memory_space<vmem>>[vector<16xi32>], vector<16xf32>,
        %parallel_loop3A_480 = arith.constant 1 : i32
        %parallel_loop3A_481 = arith.constant 9 : i32
        %parallel_loop3A_482 = arith.index_cast %parallel_loop3A_480 : i32 to index
        %parallel_loop3A_483 = arith.index_cast %parallel_loop3A_481 : i32 to index
        %parallel_loop3A_484 = arith.index_cast %parallel_loop3A_367 : i32 to index
        %parallel_loop3A_485 = arith.index_cast %parallel_loop3A_371 : i32 to index
        %parallel_loop3A_486 = tpu.vector_load %arg7[%parallel_loop3A_482, %parallel_loop3A_483, %parallel_loop3A_484, %parallel_loop3A_485] {strides = array<i32>} : memref<2x16x4x512xf32, #tpu.memory_space<vmem>>, vector<16xf32>,
        tpu.vector_store %arg7[%parallel_loop3A_482, %parallel_loop3A_483, %parallel_loop3A_484, %parallel_loop3A_485], %parallel_loop3A_479 {strides = array<i32>} : memref<2x16x4x512xf32, #tpu.memory_space<vmem>>, vector<16xf32>,
        %parallel_loop3A_487 = arith.constant 5130 : i32
        %parallel_loop3A_488 = vector.broadcast %parallel_loop3A_487 : i32 to vector<16xi32>
        %parallel_loop3A_489 = arith.addi %parallel_loop3A_376, %parallel_loop3A_488 : vector<16xi32>
        %parallel_loop3A_490 = tpu.vector_load_idx %arg5[%parallel_loop3A_489] : memref<8208xf32, #tpu.memory_space<vmem>>[vector<16xi32>], vector<16xf32>,
        %parallel_loop3A_491 = arith.constant 1 : i32
        %parallel_loop3A_492 = arith.constant 10 : i32
        %parallel_loop3A_493 = arith.index_cast %parallel_loop3A_491 : i32 to index
        %parallel_loop3A_494 = arith.index_cast %parallel_loop3A_492 : i32 to index
        %parallel_loop3A_495 = arith.index_cast %parallel_loop3A_367 : i32 to index
        %parallel_loop3A_496 = arith.index_cast %parallel_loop3A_371 : i32 to index
        %parallel_loop3A_497 = tpu.vector_load %arg7[%parallel_loop3A_493, %parallel_loop3A_494, %parallel_loop3A_495, %parallel_loop3A_496] {strides = array<i32>} : memref<2x16x4x512xf32, #tpu.memory_space<vmem>>, vector<16xf32>,
        tpu.vector_store %arg7[%parallel_loop3A_493, %parallel_loop3A_494, %parallel_loop3A_495, %parallel_loop3A_496], %parallel_loop3A_490 {strides = array<i32>} : memref<2x16x4x512xf32, #tpu.memory_space<vmem>>, vector<16xf32>,
        %parallel_loop3A_498 = arith.constant 5643 : i32
        %parallel_loop3A_499 = vector.broadcast %parallel_loop3A_498 : i32 to vector<16xi32>
        %parallel_loop3A_500 = arith.addi %parallel_loop3A_376, %parallel_loop3A_499 : vector<16xi32>
        %parallel_loop3A_501 = tpu.vector_load_idx %arg5[%parallel_loop3A_500] : memref<8208xf32, #tpu.memory_space<vmem>>[vector<16xi32>], vector<16xf32>,
        %parallel_loop3A_502 = arith.constant 1 : i32
        %parallel_loop3A_503 = arith.constant 11 : i32
        %parallel_loop3A_504 = arith.index_cast %parallel_loop3A_502 : i32 to index
        %parallel_loop3A_505 = arith.index_cast %parallel_loop3A_503 : i32 to index
        %parallel_loop3A_506 = arith.index_cast %parallel_loop3A_367 : i32 to index
        %parallel_loop3A_507 = arith.index_cast %parallel_loop3A_371 : i32 to index
        %parallel_loop3A_508 = tpu.vector_load %arg7[%parallel_loop3A_504, %parallel_loop3A_505, %parallel_loop3A_506, %parallel_loop3A_507] {strides = array<i32>} : memref<2x16x4x512xf32, #tpu.memory_space<vmem>>, vector<16xf32>,
        tpu.vector_store %arg7[%parallel_loop3A_504, %parallel_loop3A_505, %parallel_loop3A_506, %parallel_loop3A_507], %parallel_loop3A_501 {strides = array<i32>} : memref<2x16x4x512xf32, #tpu.memory_space<vmem>>, vector<16xf32>,
        %parallel_loop3A_509 = arith.constant 6156 : i32
        %parallel_loop3A_510 = vector.broadcast %parallel_loop3A_509 : i32 to vector<16xi32>
        %parallel_loop3A_511 = arith.addi %parallel_loop3A_376, %parallel_loop3A_510 : vector<16xi32>
        %parallel_loop3A_512 = tpu.vector_load_idx %arg5[%parallel_loop3A_511] : memref<8208xf32, #tpu.memory_space<vmem>>[vector<16xi32>], vector<16xf32>,
        %parallel_loop3A_513 = arith.constant 1 : i32
        %parallel_loop3A_514 = arith.constant 12 : i32
        %parallel_loop3A_515 = arith.index_cast %parallel_loop3A_513 : i32 to index
        %parallel_loop3A_516 = arith.index_cast %parallel_loop3A_514 : i32 to index
        %parallel_loop3A_517 = arith.index_cast %parallel_loop3A_367 : i32 to index
        %parallel_loop3A_518 = arith.index_cast %parallel_loop3A_371 : i32 to index
        %parallel_loop3A_519 = tpu.vector_load %arg7[%parallel_loop3A_515, %parallel_loop3A_516, %parallel_loop3A_517, %parallel_loop3A_518] {strides = array<i32>} : memref<2x16x4x512xf32, #tpu.memory_space<vmem>>, vector<16xf32>,
        tpu.vector_store %arg7[%parallel_loop3A_515, %parallel_loop3A_516, %parallel_loop3A_517, %parallel_loop3A_518], %parallel_loop3A_512 {strides = array<i32>} : memref<2x16x4x512xf32, #tpu.memory_space<vmem>>, vector<16xf32>,
        %parallel_loop3A_520 = arith.constant 6669 : i32
        %parallel_loop3A_521 = vector.broadcast %parallel_loop3A_520 : i32 to vector<16xi32>
        %parallel_loop3A_522 = arith.addi %parallel_loop3A_376, %parallel_loop3A_521 : vector<16xi32>
        %parallel_loop3A_523 = tpu.vector_load_idx %arg5[%parallel_loop3A_522] : memref<8208xf32, #tpu.memory_space<vmem>>[vector<16xi32>], vector<16xf32>,
        %parallel_loop3A_524 = arith.constant 1 : i32
        %parallel_loop3A_525 = arith.constant 13 : i32
        %parallel_loop3A_526 = arith.index_cast %parallel_loop3A_524 : i32 to index
        %parallel_loop3A_527 = arith.index_cast %parallel_loop3A_525 : i32 to index
        %parallel_loop3A_528 = arith.index_cast %parallel_loop3A_367 : i32 to index
        %parallel_loop3A_529 = arith.index_cast %parallel_loop3A_371 : i32 to index
        %parallel_loop3A_530 = tpu.vector_load %arg7[%parallel_loop3A_526, %parallel_loop3A_527, %parallel_loop3A_528, %parallel_loop3A_529] {strides = array<i32>} : memref<2x16x4x512xf32, #tpu.memory_space<vmem>>, vector<16xf32>,
        tpu.vector_store %arg7[%parallel_loop3A_526, %parallel_loop3A_527, %parallel_loop3A_528, %parallel_loop3A_529], %parallel_loop3A_523 {strides = array<i32>} : memref<2x16x4x512xf32, #tpu.memory_space<vmem>>, vector<16xf32>,
        %parallel_loop3A_531 = arith.constant 7182 : i32
        %parallel_loop3A_532 = vector.broadcast %parallel_loop3A_531 : i32 to vector<16xi32>
        %parallel_loop3A_533 = arith.addi %parallel_loop3A_376, %parallel_loop3A_532 : vector<16xi32>
        %parallel_loop3A_534 = tpu.vector_load_idx %arg5[%parallel_loop3A_533] : memref<8208xf32, #tpu.memory_space<vmem>>[vector<16xi32>], vector<16xf32>,
        %parallel_loop3A_535 = arith.constant 1 : i32
        %parallel_loop3A_536 = arith.constant 14 : i32
        %parallel_loop3A_537 = arith.index_cast %parallel_loop3A_535 : i32 to index
        %parallel_loop3A_538 = arith.index_cast %parallel_loop3A_536 : i32 to index
        %parallel_loop3A_539 = arith.index_cast %parallel_loop3A_367 : i32 to index
        %parallel_loop3A_540 = arith.index_cast %parallel_loop3A_371 : i32 to index
        %parallel_loop3A_541 = tpu.vector_load %arg7[%parallel_loop3A_537, %parallel_loop3A_538, %parallel_loop3A_539, %parallel_loop3A_540] {strides = array<i32>} : memref<2x16x4x512xf32, #tpu.memory_space<vmem>>, vector<16xf32>,
        tpu.vector_store %arg7[%parallel_loop3A_537, %parallel_loop3A_538, %parallel_loop3A_539, %parallel_loop3A_540], %parallel_loop3A_534 {strides = array<i32>} : memref<2x16x4x512xf32, #tpu.memory_space<vmem>>, vector<16xf32>,
        %parallel_loop3A_542 = arith.constant 7695 : i32
        %parallel_loop3A_543 = vector.broadcast %parallel_loop3A_542 : i32 to vector<16xi32>
        %parallel_loop3A_544 = arith.addi %parallel_loop3A_376, %parallel_loop3A_543 : vector<16xi32>
        %parallel_loop3A_545 = tpu.vector_load_idx %arg5[%parallel_loop3A_544] : memref<8208xf32, #tpu.memory_space<vmem>>[vector<16xi32>], vector<16xf32>,
        %parallel_loop3A_546 = arith.constant 1 : i32
        %parallel_loop3A_547 = arith.constant 15 : i32
        %parallel_loop3A_548 = arith.index_cast %parallel_loop3A_546 : i32 to index
        %parallel_loop3A_549 = arith.index_cast %parallel_loop3A_547 : i32 to index
        %parallel_loop3A_550 = arith.index_cast %parallel_loop3A_367 : i32 to index
        %parallel_loop3A_551 = arith.index_cast %parallel_loop3A_371 : i32 to index
        %parallel_loop3A_552 = tpu.vector_load %arg7[%parallel_loop3A_548, %parallel_loop3A_549, %parallel_loop3A_550, %parallel_loop3A_551] {strides = array<i32>} : memref<2x16x4x512xf32, #tpu.memory_space<vmem>>, vector<16xf32>,
        tpu.vector_store %arg7[%parallel_loop3A_548, %parallel_loop3A_549, %parallel_loop3A_550, %parallel_loop3A_551], %parallel_loop3A_545 {strides = array<i32>} : memref<2x16x4x512xf32, #tpu.memory_space<vmem>>, vector<16xf32>,
      } {sc.loop_unroll_factor = 1 : i64, sc.parallel_access}
      %dma_start3A_346 = arith.constant 1 : i32
      %dma_start3A_347 = arith.constant 0 : i32
      %dma_start3A_348 = arith.constant 0 : i32
      %dma_start3A_349 = arith.constant 0 : i32
      %dma_start3A_350 = tpu.memref_slice %arg7[%dma_start3A_346, %dma_start3A_347, %dma_start3A_348, %dma_start3A_349] : memref<2x16x4x512xf32, #tpu.memory_space<vmem>> -> memref<1x16x4x512xf32, #tpu.memory_space<vmem>>
      %dma_start3A_351 = tpu.memref_squeeze %dma_start3A_350 : memref<1x16x4x512xf32, #tpu.memory_space<vmem>> -> memref<16x4x512xf32, #tpu.memory_space<vmem>>
      %dma_start3A_352 = arith.constant 0 : i32
      %dma_start3A_353 = arith.constant 0 : i32
      %dma_start3A_354 = tpu.memref_slice %arg4[%select_n3A, %dma_start3A_352, %add3A_233, %dma_start3A_353] : memref<16x16x512x512xf32, #tpu.memory_space<hbm>> -> memref<1x16x4x512xf32, #tpu.memory_space<hbm>>
      %dma_start3A_355 = tpu.memref_squeeze %dma_start3A_354 : memref<1x16x4x512xf32, #tpu.memory_space<hbm>> -> memref<16x4x512xf32, #tpu.memory_space<hbm>>
      %dma_start3A_356 = arith.constant 0 : i32
      %dma_start3A_357 = arith.constant 0 : i32
      %dma_start3A_358 = tpu.memref_slice %arg4[%select_n3A, %dma_start3A_356, %add3A_233, %dma_start3A_357] : memref<16x16x512x512xf32, #tpu.memory_space<hbm>> -> memref<1x16x4x512xf32, #tpu.memory_space<hbm>>
      %dma_start3A_359 = tpu.memref_squeeze %dma_start3A_358 : memref<1x16x4x512xf32, #tpu.memory_space<hbm>> -> memref<16x4x512xf32, #tpu.memory_space<hbm>>
      %dma_start3A_360 = arith.constant 0 : i32
      %dma_start3A_361 = arith.constant 0 : i32
      %dma_start3A_362 = arith.constant 0 : i32
      %dma_start3A_363 = tpu.memref_slice %arg7[%dma_start3A_346, %dma_start3A_360, %dma_start3A_361, %dma_start3A_362] : memref<2x16x4x512xf32, #tpu.memory_space<vmem>> -> memref<1x16x4x512xf32, #tpu.memory_space<vmem>>
      %dma_start3A_364 = tpu.memref_squeeze %dma_start3A_363 : memref<1x16x4x512xf32, #tpu.memory_space<vmem>> -> memref<16x4x512xf32, #tpu.memory_space<vmem>>
      tpu.enqueue_dma source(%dma_start3A_364 : memref<16x4x512xf32, #tpu.memory_space<vmem>>) target(%dma_start3A_359 : memref<16x4x512xf32, #tpu.memory_space<hbm>>) target_semaphore(%arg11 : memref<!tpu.dma_semaphore, #tpu.memory_space<semaphore_mem>>)
    }
    %scan3A_51 = arith.constant 32 : i32
    %dma_wait3A = arith.constant 0 : i32
    %dma_wait3A_52 = arith.constant 0 : i32
    %dma_wait3A_53 = arith.constant 0 : i32
    %dma_wait3A_54 = arith.constant 0 : i32
    %dma_wait3A_55 = arith.constant 0 : i32
    %dma_wait3A_56 = tpu.memref_slice %arg7[%dma_wait3A, %dma_wait3A_53, %dma_wait3A_54, %dma_wait3A_55] : memref<2x16x4x512xf32, #tpu.memory_space<vmem>> -> memref<1x16x4x512xf32, #tpu.memory_space<vmem>>
    %dma_wait3A_57 = tpu.memref_squeeze %dma_wait3A_56 : memref<1x16x4x512xf32, #tpu.memory_space<vmem>> -> memref<16x4x512xf32, #tpu.memory_space<vmem>>
    %dma_wait3A_58 = arith.constant 0 : i32
    %dma_wait3A_59 = arith.constant 0 : i32
    %dma_wait3A_60 = arith.constant 0 : i32
    %dma_wait3A_61 = tpu.memref_slice %arg4[%dma_wait3A_52, %dma_wait3A_58, %dma_wait3A_59, %dma_wait3A_60] : memref<16x16x512x512xf32, #tpu.memory_space<hbm>> -> memref<1x16x4x512xf32, #tpu.memory_space<hbm>>
    %dma_wait3A_62 = tpu.memref_squeeze %dma_wait3A_61 : memref<1x16x4x512xf32, #tpu.memory_space<hbm>> -> memref<16x4x512xf32, #tpu.memory_space<hbm>>
    %dma_wait3A_63 = arith.constant 0 : i32
    %dma_wait3A_64 = arith.constant 0 : i32
    %dma_wait3A_65 = arith.constant 0 : i32
    %dma_wait3A_66 = tpu.memref_slice %arg4[%dma_wait3A_52, %dma_wait3A_63, %dma_wait3A_64, %dma_wait3A_65] : memref<16x16x512x512xf32, #tpu.memory_space<hbm>> -> memref<1x16x4x512xf32, #tpu.memory_space<hbm>>
    %dma_wait3A_67 = tpu.memref_squeeze %dma_wait3A_66 : memref<1x16x4x512xf32, #tpu.memory_space<hbm>> -> memref<16x4x512xf32, #tpu.memory_space<hbm>>
    %dma_wait3A_68 = arith.constant 0 : i32
    %dma_wait3A_69 = arith.constant 0 : i32
    %dma_wait3A_70 = arith.constant 0 : i32
    %dma_wait3A_71 = tpu.memref_slice %arg7[%dma_wait3A, %dma_wait3A_68, %dma_wait3A_69, %dma_wait3A_70] : memref<2x16x4x512xf32, #tpu.memory_space<vmem>> -> memref<1x16x4x512xf32, #tpu.memory_space<vmem>>
    %dma_wait3A_72 = tpu.memref_squeeze %dma_wait3A_71 : memref<1x16x4x512xf32, #tpu.memory_space<vmem>> -> memref<16x4x512xf32, #tpu.memory_space<vmem>>
    tpu.wait_dma2 semaphore(%arg10 : memref<!tpu.dma_semaphore, #tpu.memory_space<semaphore_mem>>) src(%dma_wait3A_72 : memref<16x4x512xf32, #tpu.memory_space<vmem>>) dst(%dma_wait3A_67 : memref<16x4x512xf32, #tpu.memory_space<hbm>>)
    %dma_wait3A_73 = arith.constant 1 : i32
    %dma_wait3A_74 = arith.constant 0 : i32
    %dma_wait3A_75 = arith.constant 0 : i32
    %dma_wait3A_76 = arith.constant 0 : i32
    %dma_wait3A_77 = arith.constant 0 : i32
    %dma_wait3A_78 = tpu.memref_slice %arg7[%dma_wait3A_73, %dma_wait3A_75, %dma_wait3A_76, %dma_wait3A_77] : memref<2x16x4x512xf32, #tpu.memory_space<vmem>> -> memref<1x16x4x512xf32, #tpu.memory_space<vmem>>
    %dma_wait3A_79 = tpu.memref_squeeze %dma_wait3A_78 : memref<1x16x4x512xf32, #tpu.memory_space<vmem>> -> memref<16x4x512xf32, #tpu.memory_space<vmem>>
    %dma_wait3A_80 = arith.constant 0 : i32
    %dma_wait3A_81 = arith.constant 0 : i32
    %dma_wait3A_82 = arith.constant 0 : i32
    %dma_wait3A_83 = tpu.memref_slice %arg4[%dma_wait3A_74, %dma_wait3A_80, %dma_wait3A_81, %dma_wait3A_82] : memref<16x16x512x512xf32, #tpu.memory_space<hbm>> -> memref<1x16x4x512xf32, #tpu.memory_space<hbm>>
    %dma_wait3A_84 = tpu.memref_squeeze %dma_wait3A_83 : memref<1x16x4x512xf32, #tpu.memory_space<hbm>> -> memref<16x4x512xf32, #tpu.memory_space<hbm>>
    %dma_wait3A_85 = arith.constant 0 : i32
    %dma_wait3A_86 = arith.constant 0 : i32
    %dma_wait3A_87 = arith.constant 0 : i32
    %dma_wait3A_88 = tpu.memref_slice %arg4[%dma_wait3A_74, %dma_wait3A_85, %dma_wait3A_86, %dma_wait3A_87] : memref<16x16x512x512xf32, #tpu.memory_space<hbm>> -> memref<1x16x4x512xf32, #tpu.memory_space<hbm>>
    %dma_wait3A_89 = tpu.memref_squeeze %dma_wait3A_88 : memref<1x16x4x512xf32, #tpu.memory_space<hbm>> -> memref<16x4x512xf32, #tpu.memory_space<hbm>>
    %dma_wait3A_90 = arith.constant 0 : i32
    %dma_wait3A_91 = arith.constant 0 : i32
    %dma_wait3A_92 = arith.constant 0 : i32
    %dma_wait3A_93 = tpu.memref_slice %arg7[%dma_wait3A_73, %dma_wait3A_90, %dma_wait3A_91, %dma_wait3A_92] : memref<2x16x4x512xf32, #tpu.memory_space<vmem>> -> memref<1x16x4x512xf32, #tpu.memory_space<vmem>>
    %dma_wait3A_94 = tpu.memref_squeeze %dma_wait3A_93 : memref<1x16x4x512xf32, #tpu.memory_space<vmem>> -> memref<16x4x512xf32, #tpu.memory_space<vmem>>
    tpu.wait_dma2 semaphore(%arg11 : memref<!tpu.dma_semaphore, #tpu.memory_space<semaphore_mem>>) src(%dma_wait3A_94 : memref<16x4x512xf32, #tpu.memory_space<vmem>>) dst(%dma_wait3A_89 : memref<16x4x512xf32, #tpu.memory_space<hbm>>)
    return
  }
}

</mosaic_0001>

<sc_bundles>
// kernel: kernel.3.cloned.1.call-start
scs
__scs_entry_jumppad:
0x0: {  	(pc) =	sbr.rel $0x88, $3  }
0x1: {  	(tag) =	ssettag $0x0;
	lr =	simm.s32 $0x1  }
0x2: {  	[smem:$0x3F9F] =	sst lr;
	_ =	strace $0xD0000000  }
0x3: {  	_ = 	snop  }
0x4: {  	_ = 	snop  }
0x5: {  	_ = 	snop  }
0x6: {  	_ = 	snop  }
0x7: {  	_ = 	snop  }
__scs_overlays_trampoline_lowered:
0x8: {  	[smem:$0x3FAE] =	sst s0  }
0x9: {  	[smem:$0x3FAF] =	sst s1  }
0xa: {  	[smem:$0x3FB0] =	sst s2  }
0xb: {  	[smem:$0x3FB1] =	sst s3  }
0xc: {  	[smem:$0x3FB2] =	sst s4  }
0xd: {  	[smem:$0x3FB3] =	sst s5  }
0xe: {  	[smem:$0x3FB4] =	sst s6  }
0xf: {  	[smem:$0x3FB5] =	sst s7  }
0x10: {  	[smem:$0x3FB6] =	sst s8  }
0x11: {  	[smem:$0x3FB7] =	sst s9;
	s0 =	simm.s32 @!p0 $0x0  }
0x12: {  	s1 =	sld [smem:$0x3F9D];
	s0 =	simm.s32 @p0 $0x1  }
0x13: {  	[smem:$0x3FB8] =	sst s0;
	s0 =	simm.s32 @!p1 $0x0  }
0x14: {  	s2 =	sld [smem:$0x3F9C];
	s0 =	simm.s32 @p1 $0x1  }
0x15: {  	[smem:$0x3FB9] =	sst s0;
	s0 =	simm.s32 @!p2 $0x0  }
0x16: {  	s3 =	sld [smem:$0x3FDB];
	s0 =	simm.s32 @p2 $0x1  }
0x17: {  	s4 =	simm.s32 $0x1BF5;
	[smem:$0x3FBB] =	sst s0  }
0x18: {  	s0 =	sld [smem:$0x3F9E];
	_ =	swait.ge [sflag:s4], $0x0  }
0x19: {  	s7 =	sld [smem:$0x3F9F]  }
0x1a: {  	s8 =	sadd.s32 $0xFFFFE003, lr  }
0x1b: {  	s9 =	sadd.s32 $0xFFFFFEF7, lr;
	s5 =	simm.s32 $0xFFFFFFFF;
	p2 =	slt.u32 s8, $0xFFFFF086  }
0x1c: {  	p1 =	slt.u32 s9, $0xF7A;
	s5 =	simm.s32 @!p2 $0x0  }
0x1d: {  	s5 =	simm.s32 @p1 $0x1;
	p0 =	seq.s32 s7, s2  }
0x1e: {  	s7 =	smul.u32 @!p0 $0xF7A, s2;
	p2 =	seq.s32 @!p0 s5, $0x0  }
0x1f: {  	s9 =	smul.u32 $0xF7A, s1;
	s8 =	simm.s32 @!p0 $0x1BF5;
	p2 =	por !p2, p0  }
0x20: {  	[sflag:s8] =	ssyncset.s32 @!p0 $0xFFFFF086;
	s6 =	sadd.s32 @!p0 s3, s7;
	s7 =	simm.s32 @!p0 $0x108  }
0x21: {  	s3 =	sadd.s32 s3, s9;
	s6 =	sadd.s32 @!p0 $0x88, s6;
	s7 =	simm.s32 @p2 $0x1082  }
0x22: {  	[simem:s7], [sflag:s8] =	dma.local @!p0 [hbm:s6], $0xF7A  }
0x23: {  	s9 =	sor.u32 $0xD0000000, s2;
	s6 =	simm.s32 $0x108;
	_ =	swait.ge @!p0 [sflag:s8], $0x0  }
0x24: {  	s3 =	sadd.s32 $0x88, s3;
	s6 =	simm.s32 @!p1 $0x1082;
	[sflag:s4] =	ssyncset.s32 $0xFFFFF086  }
0x25: {  	[simem:s6], [sflag:s4] =	dma.local [hbm:s3], $0xF7A  }
0x26: {  	[smem:$0x3F9F] =	sst s1;
	(tag) =	ssettag s2;
	_ =	strace s9  }
0x27: {  	s1 =	sld [smem:$0x3FAF]  }
0x28: {  	s2 =	sld [smem:$0x3FB0]  }
0x29: {  	s4 =	sld [smem:$0x3FB2]  }
0x2a: {  	p0 =	seq.s32 s5, $0x0;
	s5 =	sld [smem:$0x3FB3]  }
0x2b: {  	s6 =	sld [smem:$0x3FB4]  }
0x2c: {  	s7 =	sld [smem:$0x3FB5]  }
0x2d: {  	s3 =	simm.s32 $0x108;
	s8 =	sld [smem:$0x3FB6]  }
0x2e: {  	s3 =	simm.s32 @!p0 $0x1082;
	s9 =	sld [smem:$0x3FB7]  }
0x2f: {  	lr =	sadd.s32 s0, s3;
	s0 =	sld [smem:$0x3FAE]  }
0x30: {  	s3 =	sld [smem:$0x3FB1]  }
0x31: {  	[smem:$0x3FBA] =	sst s10  }
0x32: {  	s10 =	sld [smem:$0x3FB8];
	_ =	sdelay $0x3  }
0x33: {  	p0 =	seq.s32 s10, $0x1;
	s10 =	sld [smem:$0x3FBA];
	_ =	sdelay $0x3  }
0x34: {  	[smem:$0x3FBA] =	sst s10  }
0x35: {  	s10 =	sld [smem:$0x3FB9];
	_ =	sdelay $0x3  }
0x36: {  	p1 =	seq.s32 s10, $0x1;
	s10 =	sld [smem:$0x3FBA];
	_ =	sdelay $0x3  }
0x37: {  	[smem:$0x3FBA] =	sst s10  }
0x38: {  	s10 =	sld [smem:$0x3FBB]  }
0x39: {  	_ = 	snop;
	(pc) =	sbr.ind lr, $3  }
0x3a: {  	_ = 	snop  }
0x3b: {  	_ = 	snop  }
0x3c: {  	p2 =	seq.s32 s10, $0x1;
	s10 =	sld [smem:$0x3FBA]  }
0x3d: {  	_ =	shalt  }
0x3e: {  	_ =	shalt  }
0x3f: {  	_ =	shalt  }
0x40: {  	_ =	shalt  }
0x41: {  	_ =	shalt  }
0x42: {  	_ =	shalt  }
0x43: {  	_ =	shalt  }
0x44: {  	_ =	shalt  }
0x45: {  	_ =	shalt  }
0x46: {  	_ =	shalt  }
0x47: {  	_ =	shalt  }
0x48: {  	_ =	shalt  }
0x49: {  	_ =	shalt  }
0x4a: {  	_ =	shalt  }
0x4b: {  	_ =	shalt  }
0x4c: {  	_ =	shalt  }
0x4d: {  	_ =	shalt  }
0x4e: {  	_ =	shalt  }
0x4f: {  	_ =	shalt  }
0x50: {  	_ =	shalt  }
0x51: {  	_ =	shalt  }
0x52: {  	_ =	shalt  }
0x53: {  	_ =	shalt  }
0x54: {  	_ =	shalt  }
0x55: {  	_ =	shalt  }
0x56: {  	_ =	shalt  }
0x57: {  	_ =	shalt  }
0x58: {  	_ =	shalt  }
0x59: {  	_ =	shalt  }
0x5a: {  	_ =	shalt  }
0x5b: {  	_ =	shalt  }
0x5c: {  	_ =	shalt  }
0x5d: {  	_ =	shalt  }
0x5e: {  	_ =	shalt  }
0x5f: {  	_ =	shalt  }
0x60: {  	_ =	shalt  }
0x61: {  	_ =	shalt  }
0x62: {  	_ =	shalt  }
0x63: {  	_ =	shalt  }
0x64: {  	_ =	shalt  }
0x65: {  	_ =	shalt  }
0x66: {  	_ =	shalt  }
0x67: {  	_ =	shalt  }
0x68: {  	_ =	shalt  }
0x69: {  	_ =	shalt  }
0x6a: {  	_ =	shalt  }
0x6b: {  	_ =	shalt  }
0x6c: {  	_ =	shalt  }
0x6d: {  	_ =	shalt  }
0x6e: {  	_ =	shalt  }
0x6f: {  	_ =	shalt  }
0x70: {  	_ =	shalt  }
0x71: {  	_ =	shalt  }
0x72: {  	_ =	shalt  }
0x73: {  	_ =	shalt  }
0x74: {  	_ =	shalt  }
0x75: {  	_ =	shalt  }
0x76: {  	_ =	shalt  }
0x77: {  	_ =	shalt  }
0x78: {  	_ =	shalt  }
0x79: {  	_ =	shalt  }
0x7a: {  	_ =	shalt  }
0x7b: {  	_ =	shalt  }
0x7c: {  	_ =	shalt  }
0x7d: {  	_ =	shalt  }
0x7e: {  	_ =	shalt  }
0x7f: {  	_ =	shalt  }
0x80: {  	_ =	shalt  }
0x81: {  	_ =	shalt  }
0x82: {  	_ =	shalt  }
0x83: {  	_ =	shalt  }
0x84: {  	_ =	shalt  }
0x85: {  	_ =	shalt  }
0x86: {  	_ =	shalt  }
0x87: {  	_ =	shalt  }
.Lfunc_end0:
.L_simem_size_0:
called_computation_lowered:
.L_overlay_start_0:
0x88: {  	s2 =	sld [smem:$0x3FD9]  }
0x89: {  	s3 =	sld [smem:$0x3FFE];
	_ =	sdelay $0x1  }
0x8a: {  	s1 =	srdreg.scid  }
0x8b: {  	s0 =	sand.u32 $0x1, s1  }
0x8c: {  	s17 =	sshll.u32 s0, $0xA;
	s2 =	sadd.s32 s3, s2  }
0x8d: {  	s2 =	sadd.s32 s2, s17  }
0x8e: {  	[smem:$0x3FC6] =	sst s2  }
0x8f: {  	_ = 	snop  }
0x90: {  	s2 =	sld [smem:$0x3FC9]  }
0x91: {  	s18 =	sld [smem:$0x3FD0];
	(tm) =	ssettm $0x1  }
0x92: {  	s4 =	sld [smem:$0x3FFB];
	_ =	sdelay $0x3  }
0x93: {  	_ =	strace s4  }
0x94: {  	s4 =	sld [smem:$0x3FFC];
	_ =	sdelay $0x3  }
0x95: {  	_ =	strace s4  }
0x96: {  	s4 =	sld [smem:$0x3FFD];
	_ =	sdelay $0x3  }
0x97: {  	_ =	strace s4  }
0x98: {  	_ =	strace $0x8FFFFFFF  }
0x99: {  	s19 =	sld [smem:$0x3FDB];
	_ =	sdelay $0x1  }
0x9a: {  	s5 =	simm.s32 $_scs_section_size  }
0x9b: {  	s6 =	simm.s32 $_size__tile_overlayer_lowered;
	s7 =	simm.s32 $_tile_overlayer_lowered  }
0x9c: {  	s22 =	simm.s32 $0x1BFF;
	s21 =	sshll.u32 s7, $0x1;
	s4 =	sadd.s32 s5, s19  }
0x9d: {  	s8 =	simm.s32 $0x0;
	s20 =	sshll.u32 s6, $0x1;
	s6 =	sadd.s32 s21, s4  }
0x9e: {  	[timem:s8], [sflag:s22] =	dma.local [hbm:s6], s20  }
0x9f: {  	_ =	swait.ge [sflag:s22], s20  }
0xa0: {  	s5 =	ssub.s32 $0x0, s20;
	[sflag:s22] =	ssyncset.done $0x0  }
0xa1: {  	[sflag:s22] =	ssyncadd.s32 s5;
	_ =	sdelay $0x1  }
0xa2: {  	s23 =	simm.s32 $0x1B8B  }
0xa3: {  	_ =	swait.ge [sflag:s23], $0x1  }
0xa4: {  	[sflag:s23] =	ssyncset.done $0x0  }
0xa5: {  	s25 =	simm.s32 $0x1B8E;
	s24 =	sld [smem:$0x3FFE];
	[sflag:s23] =	ssyncadd.s32 $0xFFFFFFFF  }
0xa6: {  	s26 =	simm.s32 $execute0_lowered;
	[smem:$0x3FD2] =	sst s25  }
0xa7: {  	s6 =	sshll.u32 s26, $0x1;
	_ =	strace $0x80000046;
	[dreg:$0x1] =	wrdreg $0xFFFFFFFF  }
0xa8: {  	s28 =	simm.s32 $_size_execute0_lowered;
	s4 =	sadd.s32 s4, s6;
	[dreg:$0x0] =	wrdreg $0x0  }
0xa9: {  	s6 =	sshll.u32 s28, $0x1;
	[dreg:$0x2] =	wrdreg s4  }
0xaa: {  	[dreg:$0x3] =	wrdreg s6  }
0xab: {  	[dreg:$0x4] =	wrdreg $0xC0  }
0xac: {  	_ =	task [dreg:s8], $0x5FFFF  }
0xad: {  	[dreg:$0x1] =	wrdreg $0xFFFFFFFF  }
0xae: {  	[dreg:$0x0] =	wrdreg $0x60  }
0xaf: {  	[dreg:$0x2] =	wrdreg s2  }
0xb0: {  	[dreg:$0x3] =	wrdreg s24  }
0xb1: {  	[dreg:$0x4] =	wrdreg s18  }
0xb2: {  	[dreg:$0x5] =	wrdreg $0x9  }
0xb3: {  	_ =	task.clear_ibuf [dreg:s8], $0x6FFFF;
	_ =	strace $0x90000046  }
0xb4: {  	s29 =	simm.s32 $0x9;
	_ =	strace $0x80000048  }
0xb5: {  	_ =	swait.ge [sflag:s29], $0x1  }
0xb6: {  	[sflag:s29] =	ssyncadd.s32 $0xFFFFFFFF  }
0xb7: {  	_ =	strace $0x90000048  }
0xb8: {  	_ =	sfence  }
0xb9: {  	s30 =	sld [smem:$0x0];
	_ =	sdelay $0x2  }
0xba: {  	s31 =	sshll.u32 s1, $0xD;
	s1 =	sshrl.u32 s1, $0x2  }
0xbb: {  	s3 =	sand.u32 $0x4000, s31;
	s1 =	sadd.s32 s1, s30  }
0xbc: {  	s0 =	sor.u32 s3, s0;
	s1 =	sshll.u32 s1, $0x11  }
0xbd: {  	s0 =	sor.u32 s1, s0  }
0xbe: {  	s0 =	sadd.s32 $0x8F2B, s0  }
0xbf: {  	[sflag:s0] =	ssyncadd.remote.s32 $0x1  }
0xc0: {  	_ =	sfence.sel $0xFFFF  }
0xc1: {  	[dreg:$0x0] =	wrdreg $0xFFFFFFFF;
	(pc) =	sbr.abs _section_cstart, $3  }
0xc2: {  	[dreg:$0x1] =	wrdreg $0xFFFFFFFF  }
0xc3: {  	_ =	task.clear_ibuf [dreg:s8], $0x2FFFF;
	_ =	strace $0x9FFFFFFF  }
0xc4: {  	(tm) =	ssettm $0x7FFFFFFF  }
0xc5: {  	_ =	shalt  }
tec
execute0_lowered:
.L_overlay_start_1:
0x0: {  	(tag) =	ssettag $0x1  }
0x1: {  	s10 =	rddreg [dreg:$0x0]  }
0x2: {  	s0 =	srdreg.scid;
	s28 =	rddreg [dreg:$0x1]  }
0x3: {  	s3 =	stileid.u32;
	s14 =	rddreg [dreg:$0x2];
	s2 =	simm.s32 $0x1  }
0x4: {  	s5 =	simm.s32 $0x0;
	s9 =	simm.s32 $0x1;
	s1 =	sand.u32 $0x1, s0  }
0x5: {  	s17 =	simm.s32 $0x200;
	s18 =	simm.s32 $0x400;
	s0 =	sor.u32 s1, s3  }
0x6: {  	s16 =	simm.s32 $0x2;
	p1 =	seq.s32 s1, $0x1;
	p0 =	seq.s32 s0, $0x0  }
0x7: {  	s19 =	simm.s32 $0x12880;
	[smem:$0x7FF] =	sst s5;
	p0 =	por !p0, !p1  }
0x8: {  	s11 =	sadd.s32 $0x40, s10;
	s14 =	sadd.s32 $0x40, s14;
	p0 =	por !p0, !p0  }
0x9: {  	s29 =	ssub.s32 $0x2, s1;
	s6 =	sshll.u32 s1, $0x11;
	s2 =	simm.s32 @!p0 $0x0  }
0xa: {  	_ =	strace $0x80000047;
	s4 =	sshrl.u32 s29, $0x1;
	s2 =	ssub.s32 s3, s2  }
0xb: {  	s0 =	sadd.s32 $0x400, s28;
	s30 =	ssub.s32 s29, s4;
	s7 =	sshll.u32 s2, $0x12  }
0xc: {  	[dreg:$0x4] =	wrdreg s0;
	s0 =	smax.u32 s30, $0x1;
	s8 =	sor.u32 s6, s7  }
0xd: {  	[dreg:$0x6] =	wrdreg s0;
	s0 =	simm.s32 $0x12080;
	s31 =	sshrl.u32 s8, $0x3  }
0xe: {  	s12 =	sshll.u32 s2, $0x16;
	s13 =	sor.u32 $0x800, s7;
	s3 =	sadd.s32 s10, s31  }
0xf: {  	v0 =	vlaneseq.u32;
	s8 =	simm.s32 $0x0;
	[dreg:$0x5] =	wrdreg s3;
	s3 =	simm.s32 $0x11880  }
.LBB2_1:
0x10: {  	[dreg:$0x7] =	wrdreg s8  }
0x11: {  	s2 =	rddreg [dreg:$0x4];
	s30 =	simm.s32 $0x5  }
0x12: {  	[tilespmem:s5], [sflag:$0x5] =	stream.linear.gather [hbm4b:s2+s5], $0x2080, $0x38;
	[tilespmem:$0x13080] =	vst v63  }
0x13: {  	_ =	swait.ge [sflag:s30], $0x2080  }
0x14: {  	s4 =	simm.s32 $0x2080;
	[sflag:s30] =	ssyncset.done $0x0  }
0x15: {  	s8 =	simm.s32 $0x0;
	s31 =	rddreg [dreg:$0x5];
	[sflag:s30] =	ssyncadd.s32 $0xFFFFDF80  }
0x16: {  	[tilespmem:s4], [sflag:$0x1] =	stream.strided.gather [hbm4b:s31+s17], $0x800, s18, s17, $0x38;
	[tilespmem:$0x13080] =	vst v63  }
.LBB2_2:
0x17: {  	s2 =	sshll.u32 s8, $0xC  }
0x18: {  	s10 =	sor.u32 s6, s2  }
0x19: {  	s2 =	sor.u32 s7, s10  }
0x1a: {  	s2 =	sshrl.u32 s2, $0x3  }
0x1b: {  	s4 =	simm.s32 $0x2880;
	s2 =	sadd.s32 s2, s11  }
0x1c: {  	[tilespmem:s4], [sflag:$0x2] =	stream.strided.gather [hbm4b:s2+s17], $0x800, s18, s17, $0x38;
	[tilespmem:$0x13080] =	vst v63  }
0x1d: {  	_ =	swait.ge [sflag:s9], $0x800  }
0x1e: {  	[sflag:s9] =	ssyncset.done $0x0  }
0x1f: {  	[sflag:s9] =	ssyncadd.s32 $0xFFFFF800  }
0x20: {  	v1 =	vld [tilespmem:$0x2080]  }
0x21: {  	v2 =	vld [tilespmem:$0x2100]  }
0x22: {  	v3 =	vld [tilespmem:$0x2180]  }
0x23: {  	v4 =	vld [tilespmem:$0x2200]  }
0x24: {  	vm0 =	veq.s32 v0, $0x0  }
0x25: {  	v1 =	vsel vm0, $0x200, v1  }
0x26: {  	[tilespmem:$0x2080] =	vst v1;
	v1 =	vsel vm0, $0x200, v2  }
0x27: {  	[tilespmem:$0x2100] =	vst v1;
	v1 =	vsel vm0, $0x200, v3  }
0x28: {  	p0 =	seq.s32 s8, $0x0;
	[tilespmem:$0x2180] =	vst v1;
	v1 =	vsel vm0, $0x200, v4  }
0x29: {  	s2 =	simm.s32 @!p0 $0x3;
	[tilespmem:$0x2200] =	vst v1  }
0x2a: {  	s29 =	sor.u32 s1, s8;
	_ =	swait.ge @!p0 [sflag:s2], $0x8000  }
0x2b: {  	p1 =	sne.s32 s29, $0x0;
	[sflag:s2] =	ssyncset.done @!p0 $0x0  }
0x2c: {  	v1 =	vimm.s32 @!p1 $0x200;
	[sflag:s2] =	ssyncadd.s32 @!p0 $0xFFFF8000  }
0x2d: {  	[tilespmem:$0x2080] =	vst @!p1 v1  }
0x2e: {  	[tilespmem:$0x2090] =	vst @!p1 v1  }
0x2f: {  	[tilespmem:$0x20A0] =	vst @!p1 v1  }
0x30: {  	[tilespmem:$0x20B0] =	vst @!p1 v1  }
0x31: {  	[tilespmem:$0x20C0] =	vst @!p1 v1  }
0x32: {  	[tilespmem:$0x20D0] =	vst @!p1 v1  }
0x33: {  	[tilespmem:$0x20E0] =	vst @!p1 v1  }
0x34: {  	[tilespmem:$0x20F0] =	vst @!p1 v1  }
0x35: {  	[tilespmem:$0x2280] =	vst @!p1 v1  }
0x36: {  	[tilespmem:$0x2290] =	vst @!p1 v1  }
0x37: {  	[tilespmem:$0x22A0] =	vst @!p1 v1  }
0x38: {  	[tilespmem:$0x22B0] =	vst @!p1 v1  }
0x39: {  	[tilespmem:$0x22C0] =	vst @!p1 v1  }
0x3a: {  	[tilespmem:$0x22D0] =	vst @!p1 v1  }
0x3b: {  	[tilespmem:$0x22E0] =	vst @!p1 v1  }
0x3c: {  	[tilespmem:$0x22F0] =	vst @!p1 v1  }
0x3d: {  	[tilespmem:$0x2480] =	vst @!p1 v1  }
0x3e: {  	[tilespmem:$0x2490] =	vst @!p1 v1  }
0x3f: {  	[tilespmem:$0x24A0] =	vst @!p1 v1  }
0x40: {  	[tilespmem:$0x24B0] =	vst @!p1 v1  }
0x41: {  	[tilespmem:$0x24C0] =	vst @!p1 v1  }
0x42: {  	[tilespmem:$0x24D0] =	vst @!p1 v1  }
0x43: {  	[tilespmem:$0x24E0] =	vst @!p1 v1  }
0x44: {  	[tilespmem:$0x24F0] =	vst @!p1 v1  }
0x45: {  	[tilespmem:$0x2680] =	vst @!p1 v1  }
0x46: {  	[tilespmem:$0x2690] =	vst @!p1 v1  }
0x47: {  	[tilespmem:$0x26A0] =	vst @!p1 v1  }
0x48: {  	[tilespmem:$0x26B0] =	vst @!p1 v1  }
0x49: {  	s30 =	simm.s32 $0x0;
	[tilespmem:$0x26C0] =	vst @!p1 v1  }
0x4a: {  	s31 =	sand.u32 $0x600, s30;
	s15 =	sand.u32 $0x180, s30;
	[tilespmem:$0x26D0] =	vst @!p1 v1  }
0x4b: {  	s4 =	sor.u32 s15, s31;
	s2 =	sand.u32 $0x70, s30;
	[tilespmem:$0x26E0] =	vst @!p1 v1  }
0x4c: {  	[tilespmem:$0x26F0] =	vst @!p1 v1;
	s22 =	sor.u32 s2, s4  }
0x4d: {  	v8 =	vld [tilespmem:s22+$0x2080];
	_ =	sdelay $0x7  }
0x4e: {  	v1 =	vld.idx.msk [tilespmem:v8+s5+$0x0], $0xffff  }
0x4f: {  	s20 =	simm.s32 $0x40;
	s21 =	simm.s32 $0x4;
	v2 =	vadd.s32 $0x201, v8  }
0x50: {  	s23 =	simm.s32 $0x10;
	s2 =	sand.u32 $0x600, s20;
	s4 =	sand.u32 $0x180, s21  }
0x51: {  	s15 =	sand.u32 $0x70, s23;
	s2 =	sor.u32 s4, s2  }
0x52: {  	s4 =	sor.u32 s15, s2  }
0x53: {  	v3 =	vld [tilespmem:s4+$0x2080];
	[tilespmem:s22+$0x3080] =	vst v1  }
0x54: {  	v1 =	vld.idx.msk [tilespmem:v2+s5+$0x0], $0xffff  }
0x55: {  	v2 =	vadd.s32 $0x402, v8;
	_ =	sdelay $0x3  }
0x56: {  	[tilespmem:s22+$0x3880] =	vst v1  }
0x57: {  	v1 =	vld.idx.msk [tilespmem:v2+s5+$0x0], $0xffff  }
0x58: {  	v2 =	vadd.s32 $0x603, v8  }
0x59: {  	v4 =	vld.idx.msk [tilespmem:v3+s5+$0x0], $0xffff  }
0x5a: {  	v5 =	vadd.s32 $0x201, v3;
	_ =	sdelay $0x1  }
0x5b: {  	s24 =	simm.s32 $0x80;
	s25 =	simm.s32 $0x8;
	[tilespmem:s22+$0x4080] =	vst v1  }
0x5c: {  	s20 =	simm.s32 $0x20;
	s2 =	sand.u32 $0x600, s24;
	s15 =	sand.u32 $0x180, s25;
	v2 =	vld.idx.msk [tilespmem:v2+s5+$0x0], $0xffff  }
0x5d: {  	s20 =	sand.u32 $0x70, s20;
	s2 =	sor.u32 s15, s2;
	v6 =	vadd.s32 $0x804, v8;
	[tilespmem:s4+$0x3080] =	vst v4  }
0x5e: {  	s15 =	sor.u32 s20, s2;
	v4 =	vld.idx.msk [tilespmem:v5+s5+$0x0], $0xffff  }
0x5f: {  	v1 =	vld [tilespmem:s15+$0x2080]  }
0x60: {  	v5 =	vadd.s32 $0x402, v3  }
0x61: {  	[tilespmem:s22+$0x4880] =	vst v2  }
0x62: {  	v2 =	vld.idx.msk [tilespmem:v6+s5+$0x0], $0xffff  }
0x63: {  	v6 =	vadd.s32 $0xA05, v8  }
0x64: {  	[tilespmem:s4+$0x3880] =	vst v4  }
0x65: {  	v4 =	vld.idx.msk [tilespmem:v5+s5+$0x0], $0xffff  }
0x66: {  	v5 =	vadd.s32 $0x603, v3  }
0x67: {  	v7 =	vld.idx.msk [tilespmem:v1+s5+$0x0], $0xffff;
	[tilespmem:s22+$0x5080] =	vst v2  }
0x68: {  	s26 =	simm.s32 $0xC0;
	s29 =	simm.s32 $0xC;
	v9 =	vadd.s32 $0x201, v1;
	v6 =	vld.idx.msk [tilespmem:v6+s5+$0x0], $0xffff  }
0x69: {  	s21 =	simm.s32 $0x30;
	s2 =	sand.u32 $0x600, s26;
	s20 =	sand.u32 $0x180, s29;
	v10 =	vadd.s32 $0xC06, v8  }
0x6a: {  	s21 =	sand.u32 $0x70, s21;
	s2 =	sor.u32 s20, s2;
	[tilespmem:s4+$0x4080] =	vst v4  }
0x6b: {  	s2 =	sor.u32 s21, s2;
	v4 =	vld.idx.msk [tilespmem:v5+s5+$0x0], $0xffff  }
0x6c: {  	v5 =	vadd.s32 $0x804, v3;
	v2 =	vld [tilespmem:s2+$0x2080];
	[tilespmem:s15+$0x3080] =	vst v7  }
0x6d: {  	v7 =	vld.idx.msk [tilespmem:v9+s5+$0x0], $0xffff;
	[tilespmem:s22+$0x5880] =	vst v6  }
0x6e: {  	v9 =	vadd.s32 $0x402, v1;
	v6 =	vld.idx.msk [tilespmem:v10+s5+$0x0], $0xffff  }
0x6f: {  	v10 =	vadd.s32 $0xE07, v8  }
0x70: {  	[tilespmem:s4+$0x4880] =	vst v4  }
0x71: {  	v4 =	vld.idx.msk [tilespmem:v5+s5+$0x0], $0xffff  }
0x72: {  	v5 =	vadd.s32 $0xA05, v3;
	[tilespmem:s15+$0x3880] =	vst v7  }
0x73: {  	v7 =	vld.idx.msk [tilespmem:v9+s5+$0x0], $0xffff;
	[tilespmem:s22+$0x6080] =	vst v6  }
0x74: {  	v9 =	vadd.s32 $0x603, v1;
	v6 =	vld.idx.msk [tilespmem:v10+s5+$0x0], $0xffff  }
0x75: {  	v10 =	vadd.s32 $0x1008, v8  }
0x76: {  	[tilespmem:s4+$0x5080] =	vst v4;
	v11 =	vld.idx.msk [tilespmem:v2+s5+$0x0], $0xffff  }
0x77: {  	s31 =	simm.s32 $0x10;
	s30 =	simm.s32 $0x100;
	v5 =	vld.idx.msk [tilespmem:v5+s5+$0x0], $0xffff;
	v12 =	vadd.s32 $0x201, v2  }
0x78: {  	s23 =	simm.s32 $0x40;
	s20 =	sand.u32 $0x600, s30;
	s21 =	sand.u32 $0x180, s31;
	[tilespmem:s15+$0x4080] =	vst v7;
	v7 =	vadd.s32 $0xC06, v3  }
0x79: {  	s23 =	sand.u32 $0x70, s23;
	s20 =	sor.u32 s21, s20;
	v9 =	vld.idx.msk [tilespmem:v9+s5+$0x0], $0xffff;
	[tilespmem:s22+$0x6880] =	vst v6  }
0x7a: {  	s20 =	sor.u32 s23, s20;
	v6 =	vld.idx.msk [tilespmem:v10+s5+$0x0], $0xffff;
	v10 =	vadd.s32 $0x804, v1  }
0x7b: {  	v4 =	vld [tilespmem:s20+$0x2080];
	[tilespmem:s2+$0x3080] =	vst v11;
	v11 =	vadd.s32 $0x1209, v8  }
0x7c: {  	[tilespmem:s4+$0x5880] =	vst v5;
	v12 =	vld.idx.msk [tilespmem:v12+s5+$0x0], $0xffff  }
0x7d: {  	v5 =	vld.idx.msk [tilespmem:v7+s5+$0x0], $0xffff;
	v7 =	vadd.s32 $0x402, v2  }
0x7e: {  	[tilespmem:s15+$0x4880] =	vst v9;
	v9 =	vadd.s32 $0xE07, v3  }
0x7f: {  	v10 =	vld.idx.msk [tilespmem:v10+s5+$0x0], $0xffff;
	[tilespmem:s22+$0x7080] =	vst v6  }
0x80: {  	v6 =	vld.idx.msk [tilespmem:v11+s5+$0x0], $0xffff;
	v11 =	vadd.s32 $0xA05, v1  }
0x81: {  	[tilespmem:s2+$0x3880] =	vst v12  }
0x82: {  	s25 =	simm.s32 $0x14;
	s23 =	simm.s32 $0x140;
	v12 =	vadd.s32 $0x140A, v8;
	v7 =	vld.idx.msk [tilespmem:v7+s5+$0x0], $0xffff;
	[tilespmem:s4+$0x6080] =	vst v5  }
0x83: {  	s24 =	simm.s32 $0x50;
	s21 =	sand.u32 $0x600, s23;
	s23 =	sand.u32 $0x180, s25;
	v13 =	vadd.s32 $0x603, v2;
	v9 =	vld.idx.msk [tilespmem:v9+s5+$0x0], $0xffff  }
0x84: {  	s24 =	sand.u32 $0x70, s24;
	s21 =	sor.u32 s23, s21;
	v14 =	vld.idx.msk [tilespmem:v4+s5+$0x0], $0xffff;
	[tilespmem:s15+$0x5080] =	vst v10;
	v10 =	vadd.s32 $0x1008, v3  }
0x85: {  	s21 =	sor.u32 s24, s21;
	v11 =	vld.idx.msk [tilespmem:v11+s5+$0x0], $0xffff  }
0x86: {  	v5 =	vld [tilespmem:s21+$0x2080];
	[tilespmem:s22+$0x7880] =	vst v6;
	v6 =	vadd.s32 $0x201, v4  }
0x87: {  	v15 =	vadd.s32 $0xC06, v1;
	[tilespmem:s2+$0x4080] =	vst v7;
	v12 =	vld.idx.msk [tilespmem:v12+s5+$0x0], $0xffff  }
0x88: {  	v7 =	vadd.s32 $0x160B, v8;
	v13 =	vld.idx.msk [tilespmem:v13+s5+$0x0], $0xffff;
	[tilespmem:s4+$0x6880] =	vst v9  }
0x89: {  	[tilespmem:s20+$0x3080] =	vst v14;
	v9 =	vld.idx.msk [tilespmem:v10+s5+$0x0], $0xffff;
	v10 =	vadd.s32 $0x804, v2  }
0x8a: {  	[tilespmem:s15+$0x5880] =	vst v11;
	v11 =	vadd.s32 $0x1209, v3  }
0x8b: {  	v14 =	vld.idx.msk [tilespmem:v6+s5+$0x0], $0xffff  }
0x8c: {  	v15 =	vld.idx.msk [tilespmem:v15+s5+$0x0], $0xffff;
	[tilespmem:s22+$0x8080] =	vst v12;
	v12 =	vadd.s32 $0x402, v4  }
0x8d: {  	v16 =	vadd.s32 $0xE07, v1;
	[tilespmem:s2+$0x4880] =	vst v13;
	v7 =	vld.idx.msk [tilespmem:v7+s5+$0x0], $0xffff  }
0x8e: {  	v13 =	vadd.s32 $0x180C, v8;
	v10 =	vld.idx.msk [tilespmem:v10+s5+$0x0], $0xffff;
	[tilespmem:s4+$0x7080] =	vst v9  }
0x8f: {  	v9 =	vld.idx.msk [tilespmem:v11+s5+$0x0], $0xffff;
	v11 =	vadd.s32 $0xA05, v2  }
0x90: {  	v17 =	vld.idx.msk [tilespmem:v5+s5+$0x0], $0xffff;
	[tilespmem:s20+$0x3880] =	vst v14;
	v14 =	vadd.s32 $0x140A, v3  }
0x91: {  	v12 =	vld.idx.msk [tilespmem:v12+s5+$0x0], $0xffff;
	[tilespmem:s15+$0x6080] =	vst v15  }
0x92: {  	s26 =	simm.s32 $0x180;
	s29 =	simm.s32 $0x18;
	v15 =	vld.idx.msk [tilespmem:v16+s5+$0x0], $0xffff;
	[tilespmem:s22+$0x8880] =	vst v7;
	v7 =	vadd.s32 $0x603, v4  }
0x93: {  	s25 =	simm.s32 $0x60;
	s23 =	sand.u32 $0x600, s26;
	s24 =	sand.u32 $0x180, s29;
	v16 =	vadd.s32 $0x1008, v1;
	v13 =	vld.idx.msk [tilespmem:v13+s5+$0x0], $0xffff;
	[tilespmem:s2+$0x5080] =	vst v10  }
0x94: {  	s25 =	sand.u32 $0x70, s25;
	s23 =	sor.u32 s24, s23;
	v10 =	vadd.s32 $0x1A0D, v8;
	v11 =	vld.idx.msk [tilespmem:v11+s5+$0x0], $0xffff;
	[tilespmem:s4+$0x7880] =	vst v9  }
0x95: {  	s23 =	sor.u32 s25, s23;
	[tilespmem:s21+$0x3080] =	vst v17;
	v9 =	vadd.s32 $0x201, v5;
	v14 =	vld.idx.msk [tilespmem:v14+s5+$0x0], $0xffff  }
0x96: {  	v6 =	vld [tilespmem:s23+$0x2080];
	[tilespmem:s20+$0x4080] =	vst v12;
	v12 =	vadd.s32 $0xC06, v2  }
0x97: {  	v18 =	vld.idx.msk [tilespmem:v7+s5+$0x0], $0xffff;
	[tilespmem:s15+$0x6880] =	vst v15;
	v7 =	vadd.s32 $0x160B, v3  }
0x98: {  	v15 =	vld.idx.msk [tilespmem:v16+s5+$0x0], $0xffff;
	[tilespmem:s22+$0x9080] =	vst v13;
	v13 =	vadd.s32 $0x804, v4  }
0x99: {  	v10 =	vld.idx.msk [tilespmem:v10+s5+$0x0], $0xffff;
	[tilespmem:s2+$0x5880] =	vst v11;
	v11 =	vadd.s32 $0x1209, v1  }
0x9a: {  	v9 =	vld.idx.msk [tilespmem:v9+s5+$0x0], $0xffff;
	[tilespmem:s4+$0x8080] =	vst v14;
	v14 =	vadd.s32 $0x1C0E, v8  }
0x9b: {  	v16 =	vadd.s32 $0x402, v5;
	v12 =	vld.idx.msk [tilespmem:v12+s5+$0x0], $0xffff  }
0x9c: {  	v17 =	vld.idx.msk [tilespmem:v7+s5+$0x0], $0xffff;
	[tilespmem:s20+$0x4880] =	vst v18;
	v18 =	vadd.s32 $0xE07, v2  }
0x9d: {  	v13 =	vld.idx.msk [tilespmem:v13+s5+$0x0], $0xffff;
	[tilespmem:s15+$0x7080] =	vst v15;
	v15 =	vadd.s32 $0x180C, v3  }
0x9e: {  	[tilespmem:s22+$0x9880] =	vst v10;
	v11 =	vld.idx.msk [tilespmem:v11+s5+$0x0], $0xffff  }
0x9f: {  	[tilespmem:s21+$0x3880] =	vst v9;
	v10 =	vld.idx.msk [tilespmem:v14+s5+$0x0], $0xffff  }
0xa0: {  	s30 =	simm.s32 $0x1C0;
	s31 =	simm.s32 $0x1C;
	v9 =	vadd.s32 $0xA05, v4;
	v16 =	vld.idx.msk [tilespmem:v16+s5+$0x0], $0xffff;
	[tilespmem:s2+$0x6080] =	vst v12  }
0xa1: {  	s26 =	simm.s32 $0x70;
	s24 =	sand.u32 $0x600, s30;
	s25 =	sand.u32 $0x180, s31;
	v12 =	vadd.s32 $0x140A, v1;
	v18 =	vld.idx.msk [tilespmem:v18+s5+$0x0], $0xffff;
	[tilespmem:s4+$0x8880] =	vst v17  }
0xa2: {  	s26 =	sand.u32 $0x70, s26;
	s24 =	sor.u32 s25, s24;
	v8 =	vadd.s32 $0x1E0F, v8;
	v15 =	vld.idx.msk [tilespmem:v15+s5+$0x0], $0xffff;
	[tilespmem:s20+$0x5080] =	vst v13  }
0xa3: {  	s24 =	sor.u32 s26, s24;
	v19 =	vld.idx.msk [tilespmem:v6+s5+$0x0], $0xffff;
	v17 =	vadd.s32 $0x603, v5;
	[tilespmem:s15+$0x7880] =	vst v11  }
0xa4: {  	v7 =	vld [tilespmem:s24+$0x2080];
	v13 =	vadd.s32 $0x1008, v2;
	[tilespmem:s22+$0xA080] =	vst v10  }
0xa5: {  	v14 =	vld.idx.msk [tilespmem:v9+s5+$0x0], $0xffff;
	v9 =	vadd.s32 $0x1A0D, v3;
	[tilespmem:s21+$0x4080] =	vst v16  }
0xa6: {  	v12 =	vld.idx.msk [tilespmem:v12+s5+$0x0], $0xffff;
	[tilespmem:s2+$0x6880] =	vst v18;
	v18 =	vadd.s32 $0x201, v6  }
0xa7: {  	v11 =	vld.idx.msk [tilespmem:v8+s5+$0x0], $0xffff;
	[tilespmem:s4+$0x9080] =	vst v15;
	v15 =	vadd.s32 $0xC06, v4  }
0xa8: {  	v10 =	vadd.s32 $0x160B, v1;
	v16 =	vld.idx.msk [tilespmem:v17+s5+$0x0], $0xffff  }
0xa9: {  	v8 =	vld.idx.msk [tilespmem:v13+s5+$0x0], $0xffff  }
0xaa: {  	s28 =	simm.s32 $0x20;
	s25 =	simm.s32 $0x200;
	s26 =	simm.s32 $0x80;
	[tilespmem:s23+$0x3080] =	vst v19;
	v17 =	vadd.s32 $0x804, v5;
	v13 =	vmov v7;
	v9 =	vld.idx.msk [tilespmem:v9+s5+$0x0], $0xffff  }
.LBB2_3:
0xab: {  	s29 =	sand.u32 $0x600, s25;
	s30 =	sand.u32 $0x180, s28;
	p1 =	sne.s32 s28, $0x1FC;
	v18 =	vld.idx.msk [tilespmem:v18+s5+$0x0], $0xffff;
	[tilespmem:s20+$0x5880] =	vst v14;
	v14 =	vadd.s32 $0x1209, v2  }
0xac: {  	s31 =	sand.u32 $0x70, s26;
	s29 =	sor.u32 s30, s29;
	v15 =	vld.idx.msk [tilespmem:v15+s5+$0x0], $0xffff;
	[tilespmem:s15+$0x8080] =	vst v12;
	v12 =	vadd.s32 $0x1C0E, v3  }
0xad: {  	v19 =	vadd.s32 $0x402, v6;
	s29 =	sor.u32 s31, s29;
	v10 =	vld.idx.msk [tilespmem:v10+s5+$0x0], $0xffff;
	[tilespmem:s22+$0xA880] =	vst v11;
	s22 =	smov.u32 s4;
	s4 =	smov.u32 s15  }
0xae: {  	s15 =	smov.u32 s2;
	s2 =	smov.u32 s20;
	s20 =	smov.u32 s21;
	v11 =	vld [tilespmem:s29+$0x2080];
	[tilespmem:s21+$0x4880] =	vst v16;
	v16 =	vadd.s32 $0xE07, v4  }
0xaf: {  	s21 =	smov.u32 s23;
	s23 =	smov.u32 s24;
	s24 =	smov.u32 s29;
	v17 =	vld.idx.msk [tilespmem:v17+s5+$0x0], $0xffff;
	[tilespmem:s15+$0x7080] =	vst v8;
	v8 =	vadd.s32 $0x180C, v1  }
0xb0: {  	v20 =	vld.idx.msk [tilespmem:v14+s5+$0x0], $0xffff;
	[tilespmem:s22+$0x9880] =	vst v9  }
0xb1: {  	v9 =	vadd.s32 $0xA05, v5;
	[tilespmem:s21+$0x3880] =	vst v18;
	v21 =	vld.idx.msk [tilespmem:v12+s5+$0x0], $0xffff  }
0xb2: {  	v12 =	vadd.s32 $0x140A, v2;
	v19 =	vld.idx.msk [tilespmem:v19+s5+$0x0], $0xffff;
	[tilespmem:s2+$0x6080] =	vst v15  }
0xb3: {  	v22 =	vld.idx.msk [tilespmem:v16+s5+$0x0], $0xffff;
	[tilespmem:s4+$0x8880] =	vst v10;
	v10 =	vadd.s32 $0x1E0F, v3;
	v3 =	vmovc v1;
	v1 =	vmovc v2;
	v2 =	vmov v4;
	v4 =	vmov v5  }
0xb4: {  	v16 =	vadd.s32 $0x603, v6;
	v5 =	vmovc v6;
	v6 =	vmov v7;
	v7 =	vmov v11;
	v23 =	vld.idx.msk [tilespmem:v8+s5+$0x0], $0xffff  }
0xb5: {  	v8 =	vadd.s32 $0x1008, v2;
	v24 =	vld.idx.msk [tilespmem:v13+s5+$0x0], $0xffff;
	[tilespmem:s20+$0x5080] =	vst v17;
	v13 =	vmov v11  }
0xb6: {  	v14 =	vld.idx.msk [tilespmem:v9+s5+$0x0], $0xffff;
	[tilespmem:s15+$0x7880] =	vst v20;
	v9 =	vadd.s32 $0x1A0D, v3  }
.Ltmp0:
0xb7: {  	v18 =	vadd.s32 $0x201, v6;
	v12 =	vld.idx.msk [tilespmem:v12+s5+$0x0], $0xffff;
	[tilespmem:s22+$0xA080] =	vst v21;
	(pc) =	sbr.rel @p1 .LBB2_3-.Ltmp0, $4  }
0xb8: {  	v15 =	vadd.s32 $0xC06, v4;
	[tilespmem:s21+$0x4080] =	vst v19;
	v11 =	vld.idx.msk [tilespmem:v10+s5+$0x0], $0xffff  }
0xb9: {  	v10 =	vadd.s32 $0x160B, v1;
	v16 =	vld.idx.msk [tilespmem:v16+s5+$0x0], $0xffff;
	[tilespmem:s2+$0x6880] =	vst v22  }
0xba: {  	v8 =	vld.idx.msk [tilespmem:v8+s5+$0x0], $0xffff;
	[tilespmem:s4+$0x9080] =	vst v23  }
0xbb: {  	s25 =	sadd.s32 $0x40, s25;
	s26 =	sadd.s32 $0x10, s26;
	s28 =	sadd.s32 $0x4, s28;
	v17 =	vadd.s32 $0x804, v5;
	[tilespmem:s23+$0x3080] =	vst v24;
	v9 =	vld.idx.msk [tilespmem:v9+s5+$0x0], $0xffff  }
0xbc: {  	_ =	sdelay $0x3  }
0xbd: {  	v13 =	vld.idx.msk [tilespmem:v13+s5+$0x0], $0xffff  }
0xbe: {  	v19 =	vadd.s32 $0x201, v7;
	_ =	sdelay $0x3  }
0xbf: {  	v18 =	vld.idx.msk [tilespmem:v18+s5+$0x0], $0xffff;
	[tilespmem:s24+$0x3080] =	vst v13  }
0xc0: {  	v13 =	vadd.s32 $0x402, v6;
	v19 =	vld.idx.msk [tilespmem:v19+s5+$0x0], $0xffff  }
0xc1: {  	v20 =	vadd.s32 $0x402, v7;
	_ =	sdelay $0x2  }
0xc2: {  	[tilespmem:s23+$0x3880] =	vst v18  }
0xc3: {  	v13 =	vld.idx.msk [tilespmem:v13+s5+$0x0], $0xffff;
	[tilespmem:s24+$0x3880] =	vst v19  }
0xc4: {  	v18 =	vadd.s32 $0x603, v6;
	v19 =	vld.idx.msk [tilespmem:v20+s5+$0x0], $0xffff  }
0xc5: {  	v20 =	vadd.s32 $0x603, v7;
	_ =	sdelay $0x2  }
0xc6: {  	[tilespmem:s23+$0x4080] =	vst v13  }
0xc7: {  	v13 =	vld.idx.msk [tilespmem:v18+s5+$0x0], $0xffff;
	[tilespmem:s24+$0x4080] =	vst v19  }
0xc8: {  	v18 =	vadd.s32 $0x804, v6;
	v19 =	vld.idx.msk [tilespmem:v20+s5+$0x0], $0xffff  }
0xc9: {  	v20 =	vadd.s32 $0x804, v7;
	_ =	sdelay $0x1  }
0xca: {  	[tilespmem:s21+$0x4880] =	vst v16  }
0xcb: {  	v16 =	vld.idx.msk [tilespmem:v17+s5+$0x0], $0xffff;
	[tilespmem:s23+$0x4880] =	vst v13  }
0xcc: {  	v13 =	vadd.s32 $0xA05, v5;
	v17 =	vld.idx.msk [tilespmem:v18+s5+$0x0], $0xffff;
	[tilespmem:s24+$0x4880] =	vst v19  }
0xcd: {  	v18 =	vadd.s32 $0xA05, v6;
	v19 =	vld.idx.msk [tilespmem:v20+s5+$0x0], $0xffff  }
0xce: {  	v20 =	vadd.s32 $0xA05, v7;
	_ =	sdelay $0x1  }
0xcf: {  	[tilespmem:s21+$0x5080] =	vst v16  }
0xd0: {  	v13 =	vld.idx.msk [tilespmem:v13+s5+$0x0], $0xffff;
	[tilespmem:s23+$0x5080] =	vst v17  }
0xd1: {  	v16 =	vadd.s32 $0xC06, v5;
	v17 =	vld.idx.msk [tilespmem:v18+s5+$0x0], $0xffff;
	[tilespmem:s24+$0x5080] =	vst v19  }
0xd2: {  	v18 =	vadd.s32 $0xC06, v6;
	v19 =	vld.idx.msk [tilespmem:v20+s5+$0x0], $0xffff  }
0xd3: {  	v20 =	vadd.s32 $0xC06, v7  }
0xd4: {  	[tilespmem:s20+$0x5880] =	vst v14  }
0xd5: {  	v14 =	vld.idx.msk [tilespmem:v15+s5+$0x0], $0xffff;
	[tilespmem:s21+$0x5880] =	vst v13  }
0xd6: {  	v13 =	vadd.s32 $0xE07, v4;
	v15 =	vld.idx.msk [tilespmem:v16+s5+$0x0], $0xffff;
	[tilespmem:s23+$0x5880] =	vst v17  }
0xd7: {  	v16 =	vadd.s32 $0xE07, v5;
	v17 =	vld.idx.msk [tilespmem:v18+s5+$0x0], $0xffff;
	[tilespmem:s24+$0x5880] =	vst v19  }
0xd8: {  	v18 =	vadd.s32 $0xE07, v6;
	v19 =	vld.idx.msk [tilespmem:v20+s5+$0x0], $0xffff  }
0xd9: {  	v20 =	vadd.s32 $0xE07, v7  }
0xda: {  	[tilespmem:s20+$0x6080] =	vst v14  }
0xdb: {  	v13 =	vld.idx.msk [tilespmem:v13+s5+$0x0], $0xffff;
	[tilespmem:s21+$0x6080] =	vst v15  }
0xdc: {  	v14 =	vadd.s32 $0x1008, v4;
	v15 =	vld.idx.msk [tilespmem:v16+s5+$0x0], $0xffff;
	[tilespmem:s23+$0x6080] =	vst v17  }
0xdd: {  	v16 =	vadd.s32 $0x1008, v5;
	v17 =	vld.idx.msk [tilespmem:v18+s5+$0x0], $0xffff;
	[tilespmem:s24+$0x6080] =	vst v19  }
0xde: {  	[tilespmem:s15+$0x8080] =	vst v12;
	v12 =	vadd.s32 $0x1008, v6;
	v18 =	vld.idx.msk [tilespmem:v20+s5+$0x0], $0xffff  }
0xdf: {  	[tilespmem:s22+$0xA880] =	vst v11;
	v11 =	vadd.s32 $0x1008, v7  }
0xe0: {  	[tilespmem:s20+$0x6880] =	vst v13  }
0xe1: {  	v13 =	vadd.s32 $0x1209, v2;
	v14 =	vld.idx.msk [tilespmem:v14+s5+$0x0], $0xffff;
	[tilespmem:s21+$0x6880] =	vst v15  }
0xe2: {  	v15 =	vadd.s32 $0x1209, v4;
	v16 =	vld.idx.msk [tilespmem:v16+s5+$0x0], $0xffff;
	[tilespmem:s23+$0x6880] =	vst v17  }
0xe3: {  	v17 =	vadd.s32 $0x1209, v5;
	v12 =	vld.idx.msk [tilespmem:v12+s5+$0x0], $0xffff;
	[tilespmem:s24+$0x6880] =	vst v18  }
0xe4: {  	[tilespmem:s2+$0x7080] =	vst v8;
	v8 =	vadd.s32 $0x1209, v6;
	v11 =	vld.idx.msk [tilespmem:v11+s5+$0x0], $0xffff  }
0xe5: {  	v10 =	vld.idx.msk [tilespmem:v10+s5+$0x0], $0xffff;
	[tilespmem:s4+$0x9880] =	vst v9;
	v9 =	vadd.s32 $0x1209, v7  }
0xe6: {  	v13 =	vld.idx.msk [tilespmem:v13+s5+$0x0], $0xffff;
	v18 =	vadd.s32 $0x1C0E, v3;
	[tilespmem:s20+$0x7080] =	vst v14  }
0xe7: {  	v14 =	vadd.s32 $0x140A, v2;
	v15 =	vld.idx.msk [tilespmem:v15+s5+$0x0], $0xffff;
	[tilespmem:s21+$0x7080] =	vst v16  }
0xe8: {  	v16 =	vadd.s32 $0x140A, v4;
	v17 =	vld.idx.msk [tilespmem:v17+s5+$0x0], $0xffff;
	[tilespmem:s23+$0x7080] =	vst v12  }
0xe9: {  	v12 =	vadd.s32 $0x140A, v5;
	v8 =	vld.idx.msk [tilespmem:v8+s5+$0x0], $0xffff;
	[tilespmem:s24+$0x7080] =	vst v11  }
0xea: {  	[tilespmem:s15+$0x8880] =	vst v10;
	v10 =	vadd.s32 $0x140A, v6;
	v9 =	vld.idx.msk [tilespmem:v9+s5+$0x0], $0xffff  }
0xeb: {  	[tilespmem:s2+$0x7880] =	vst v13;
	v13 =	vadd.s32 $0x140A, v7;
	v11 =	vld.idx.msk [tilespmem:v18+s5+$0x0], $0xffff  }
0xec: {  	v14 =	vld.idx.msk [tilespmem:v14+s5+$0x0], $0xffff;
	v18 =	vadd.s32 $0x180C, v1;
	[tilespmem:s20+$0x7880] =	vst v15  }
0xed: {  	v15 =	vadd.s32 $0x160B, v2;
	v16 =	vld.idx.msk [tilespmem:v16+s5+$0x0], $0xffff;
	[tilespmem:s21+$0x7880] =	vst v17  }
0xee: {  	v17 =	vadd.s32 $0x160B, v4;
	v12 =	vld.idx.msk [tilespmem:v12+s5+$0x0], $0xffff;
	[tilespmem:s23+$0x7880] =	vst v8  }
0xef: {  	v8 =	vadd.s32 $0x160B, v5;
	v10 =	vld.idx.msk [tilespmem:v10+s5+$0x0], $0xffff;
	[tilespmem:s24+$0x7880] =	vst v9  }
0xf0: {  	[tilespmem:s4+$0xA080] =	vst v11;
	v9 =	vadd.s32 $0x160B, v6;
	v11 =	vld.idx.msk [tilespmem:v13+s5+$0x0], $0xffff  }
0xf1: {  	[tilespmem:s2+$0x8080] =	vst v14;
	v14 =	vadd.s32 $0x160B, v7;
	v13 =	vld.idx.msk [tilespmem:v18+s5+$0x0], $0xffff  }
0xf2: {  	v3 =	vadd.s32 $0x1E0F, v3;
	v15 =	vld.idx.msk [tilespmem:v15+s5+$0x0], $0xffff;
	[tilespmem:s20+$0x8080] =	vst v16  }
0xf3: {  	v16 =	vadd.s32 $0x180C, v2;
	v17 =	vld.idx.msk [tilespmem:v17+s5+$0x0], $0xffff;
	[tilespmem:s21+$0x8080] =	vst v12  }
0xf4: {  	v12 =	vadd.s32 $0x180C, v4;
	v8 =	vld.idx.msk [tilespmem:v8+s5+$0x0], $0xffff;
	[tilespmem:s23+$0x8080] =	vst v10  }
0xf5: {  	v10 =	vadd.s32 $0x180C, v5;
	v9 =	vld.idx.msk [tilespmem:v9+s5+$0x0], $0xffff;
	[tilespmem:s24+$0x8080] =	vst v11  }
0xf6: {  	[tilespmem:s15+$0x9080] =	vst v13;
	v11 =	vadd.s32 $0x180C, v6;
	v13 =	vld.idx.msk [tilespmem:v14+s5+$0x0], $0xffff  }
0xf7: {  	v3 =	vld.idx.msk [tilespmem:v3+s5+$0x0], $0xffff;
	[tilespmem:s2+$0x8880] =	vst v15;
	v14 =	vadd.s32 $0x180C, v7  }
0xf8: {  	v15 =	vadd.s32 $0x1A0D, v1;
	v16 =	vld.idx.msk [tilespmem:v16+s5+$0x0], $0xffff;
	[tilespmem:s20+$0x8880] =	vst v17  }
0xf9: {  	v17 =	vadd.s32 $0x1A0D, v2;
	v12 =	vld.idx.msk [tilespmem:v12+s5+$0x0], $0xffff;
	[tilespmem:s21+$0x8880] =	vst v8  }
0xfa: {  	v8 =	vadd.s32 $0x1A0D, v4;
	v10 =	vld.idx.msk [tilespmem:v10+s5+$0x0], $0xffff;
	[tilespmem:s23+$0x8880] =	vst v9  }
0xfb: {  	v9 =	vadd.s32 $0x1A0D, v5;
	v11 =	vld.idx.msk [tilespmem:v11+s5+$0x0], $0xffff;
	[tilespmem:s24+$0x8880] =	vst v13  }
0xfc: {  	[tilespmem:s4+$0xA880] =	vst v3;
	v3 =	vadd.s32 $0x1A0D, v6;
	v13 =	vld.idx.msk [tilespmem:v14+s5+$0x0], $0xffff  }
0xfd: {  	[tilespmem:s2+$0x9080] =	vst v16;
	v14 =	vld.idx.msk [tilespmem:v15+s5+$0x0], $0xffff;
	v15 =	vadd.s32 $0x1A0D, v7  }
0xfe: {  	v16 =	vadd.s32 $0x1C0E, v1;
	v17 =	vld.idx.msk [tilespmem:v17+s5+$0x0], $0xffff;
	[tilespmem:s20+$0x9080] =	vst v12  }
0xff: {  	v12 =	vadd.s32 $0x1C0E, v2;
	v8 =	vld.idx.msk [tilespmem:v8+s5+$0x0], $0xffff;
	[tilespmem:s21+$0x9080] =	vst v10  }
0x100: {  	v10 =	vadd.s32 $0x1C0E, v4;
	v9 =	vld.idx.msk [tilespmem:v9+s5+$0x0], $0xffff;
	[tilespmem:s23+$0x9080] =	vst v11  }
0x101: {  	v11 =	vadd.s32 $0x1C0E, v5;
	v3 =	vld.idx.msk [tilespmem:v3+s5+$0x0], $0xffff;
	[tilespmem:s24+$0x9080] =	vst v13  }
0x102: {  	[tilespmem:s15+$0x9880] =	vst v14;
	v13 =	vadd.s32 $0x1C0E, v6;
	v14 =	vld.idx.msk [tilespmem:v15+s5+$0x0], $0xffff  }
0x103: {  	[tilespmem:s2+$0x9880] =	vst v17;
	v15 =	vld.idx.msk [tilespmem:v16+s5+$0x0], $0xffff;
	v16 =	vadd.s32 $0x1C0E, v7  }
0x104: {  	v1 =	vadd.s32 $0x1E0F, v1;
	v12 =	vld.idx.msk [tilespmem:v12+s5+$0x0], $0xffff;
	[tilespmem:s20+$0x9880] =	vst v8  }
0x105: {  	v2 =	vadd.s32 $0x1E0F, v2;
	v8 =	vld.idx.msk [tilespmem:v10+s5+$0x0], $0xffff;
	[tilespmem:s21+$0x9880] =	vst v9  }
0x106: {  	v4 =	vadd.s32 $0x1E0F, v4;
	v9 =	vld.idx.msk [tilespmem:v11+s5+$0x0], $0xffff;
	[tilespmem:s23+$0x9880] =	vst v3  }
0x107: {  	v3 =	vadd.s32 $0x1E0F, v5;
	v5 =	vld.idx.msk [tilespmem:v13+s5+$0x0], $0xffff;
	[tilespmem:s24+$0x9880] =	vst v14  }
0x108: {  	v6 =	vadd.s32 $0x1E0F, v6;
	[tilespmem:s15+$0xA080] =	vst v15;
	v10 =	vld.idx.msk [tilespmem:v16+s5+$0x0], $0xffff  }
0x109: {  	v7 =	vadd.s32 $0x1E0F, v7;
	[tilespmem:s2+$0xA080] =	vst v12;
	v1 =	vld.idx.msk [tilespmem:v1+s5+$0x0], $0xffff  }
0x10a: {  	v2 =	vld.idx.msk [tilespmem:v2+s5+$0x0], $0xffff;
	[tilespmem:s20+$0xA080] =	vst v8  }
0x10b: {  	v4 =	vld.idx.msk [tilespmem:v4+s5+$0x0], $0xffff;
	[tilespmem:s21+$0xA080] =	vst v9  }
0x10c: {  	v3 =	vld.idx.msk [tilespmem:v3+s5+$0x0], $0xffff;
	[tilespmem:s23+$0xA080] =	vst v5  }
0x10d: {  	v5 =	vld.idx.msk [tilespmem:v6+s5+$0x0], $0xffff;
	[tilespmem:s24+$0xA080] =	vst v10  }
0x10e: {  	[tilespmem:s15+$0xA880] =	vst v1;
	v1 =	vld.idx.msk [tilespmem:v7+s5+$0x0], $0xffff  }
0x10f: {  	[tilespmem:s2+$0xA880] =	vst v2  }
0x110: {  	[tilespmem:s20+$0xA880] =	vst v4  }
0x111: {  	[tilespmem:s21+$0xA880] =	vst v3;
	s21 =	sor.u32 s12, s10  }
0x112: {  	s22 =	rddreg [dreg:$0x2];
	s15 =	sshrl.u32 s21, $0x3;
	[tilespmem:s23+$0xA880] =	vst v5  }
0x113: {  	s2 =	sadd.s32 s22, s15;
	s23 =	simm.s32 $0x3080;
	[tilespmem:s24+$0xA880] =	vst v1  }
0x114: {  	[hbm4b:s2+s17] =	stream.strided.scatter [tilespmem:s23], [sflag:$0x3], $0x800, s18, s17, $0x38;
	[tilespmem:$0x13080] =	vst v63  }
0x115: {  	s25 =	simm.s32 $0x3880;
	s24 =	sadd.s32 $0x8000, s2  }
0x116: {  	[hbm4b:s24+s17] =	stream.strided.scatter [tilespmem:s25], [sflag:$0x3], $0x800, s18, s17, $0x38;
	[tilespmem:$0x13080] =	vst v63  }
0x117: {  	s29 =	simm.s32 $0x4080;
	s26 =	sadd.s32 $0x10000, s2  }
0x118: {  	[hbm4b:s26+s17] =	stream.strided.scatter [tilespmem:s29], [sflag:$0x3], $0x800, s18, s17, $0x38;
	[tilespmem:$0x13080] =	vst v63  }
0x119: {  	s31 =	simm.s32 $0x4880;
	s30 =	sadd.s32 $0x18000, s2  }
0x11a: {  	[hbm4b:s30+s17] =	stream.strided.scatter [tilespmem:s31], [sflag:$0x3], $0x800, s18, s17, $0x38;
	[tilespmem:$0x13080] =	vst v63  }
0x11b: {  	s21 =	simm.s32 $0x5080;
	s20 =	sadd.s32 $0x20000, s2  }
0x11c: {  	[hbm4b:s20+s17] =	stream.strided.scatter [tilespmem:s21], [sflag:$0x3], $0x800, s18, s17, $0x38;
	[tilespmem:$0x13080] =	vst v63  }
0x11d: {  	s22 =	sadd.s32 $0x28000, s2;
	s23 =	simm.s32 $0x5880  }
0x11e: {  	[hbm4b:s22+s17] =	stream.strided.scatter [tilespmem:s23], [sflag:$0x3], $0x800, s18, s17, $0x38;
	[tilespmem:$0x13080] =	vst v63  }
0x11f: {  	s24 =	sadd.s32 $0x30000, s2;
	s25 =	simm.s32 $0x6080  }
0x120: {  	[hbm4b:s24+s17] =	stream.strided.scatter [tilespmem:s25], [sflag:$0x3], $0x800, s18, s17, $0x38;
	[tilespmem:$0x13080] =	vst v63  }
0x121: {  	s26 =	sadd.s32 $0x38000, s2;
	s29 =	simm.s32 $0x6880  }
0x122: {  	[hbm4b:s26+s17] =	stream.strided.scatter [tilespmem:s29], [sflag:$0x3], $0x800, s18, s17, $0x38;
	[tilespmem:$0x13080] =	vst v63  }
0x123: {  	s30 =	sadd.s32 $0x40000, s2;
	s31 =	simm.s32 $0x7080  }
0x124: {  	[hbm4b:s30+s17] =	stream.strided.scatter [tilespmem:s31], [sflag:$0x3], $0x800, s18, s17, $0x38;
	[tilespmem:$0x13080] =	vst v63  }
0x125: {  	s20 =	sadd.s32 $0x48000, s2;
	s21 =	simm.s32 $0x7880  }
0x126: {  	[hbm4b:s20+s17] =	stream.strided.scatter [tilespmem:s21], [sflag:$0x3], $0x800, s18, s17, $0x38;
	[tilespmem:$0x13080] =	vst v63  }
0x127: {  	s22 =	sadd.s32 $0x50000, s2;
	s23 =	simm.s32 $0x8080  }
0x128: {  	[hbm4b:s22+s17] =	stream.strided.scatter [tilespmem:s23], [sflag:$0x3], $0x800, s18, s17, $0x38;
	[tilespmem:$0x13080] =	vst v63  }
0x129: {  	s24 =	sadd.s32 $0x58000, s2;
	s25 =	simm.s32 $0x8880  }
0x12a: {  	[hbm4b:s24+s17] =	stream.strided.scatter [tilespmem:s25], [sflag:$0x3], $0x800, s18, s17, $0x38;
	[tilespmem:$0x13080] =	vst v63  }
0x12b: {  	s26 =	sadd.s32 $0x60000, s2;
	s29 =	simm.s32 $0x9080  }
0x12c: {  	[hbm4b:s26+s17] =	stream.strided.scatter [tilespmem:s29], [sflag:$0x3], $0x800, s18, s17, $0x38;
	[tilespmem:$0x13080] =	vst v63  }
0x12d: {  	s30 =	sadd.s32 $0x68000, s2;
	s31 =	simm.s32 $0x9880  }
0x12e: {  	[hbm4b:s30+s17] =	stream.strided.scatter [tilespmem:s31], [sflag:$0x3], $0x800, s18, s17, $0x38;
	[tilespmem:$0x13080] =	vst v63  }
0x12f: {  	s21 =	sadd.s32 $0x70000, s2;
	s22 =	simm.s32 $0xA080  }
0x130: {  	[hbm4b:s21+s17] =	stream.strided.scatter [tilespmem:s22], [sflag:$0x3], $0x800, s18, s17, $0x38;
	[tilespmem:$0x13080] =	vst v63  }
0x131: {  	p1 =	seq.s32 s8, $0x1F;
	s2 =	sadd.s32 $0x78000, s2;
	s23 =	simm.s32 $0xA880  }
0x132: {  	[hbm4b:s2+s17] =	stream.strided.scatter [tilespmem:s23], [sflag:$0x3], $0x800, s18, s17, $0x38;
	[tilespmem:$0x13080] =	vst v63  }
0x133: {  	s2 =	sadd.s32 @!p1 s10, s13  }
0x134: {  	s2 =	sadd.s32 @!p1 $0x800, s2  }
0x135: {  	s4 =	rddreg [dreg:$0x0];
	s20 =	simm.s32 @!p1 $0x2080;
	s2 =	sshrl.u32 @!p1 s2, $0x3  }
0x136: {  	s10 =	simm.s32 @!p1 $0x400;
	s2 =	sadd.s32 @!p1 s4, s2;
	s4 =	simm.s32 @!p1 $0x200  }
0x137: {  	[tilespmem:s20], [sflag:$0x1] =	stream.strided.gather @!p1 [hbm4b:s2+s4], $0x800, s10, s4, $0x38;
	[tilespmem:$0x13080] =	vst v63  }
0x138: {  	_ =	swait.ge [sflag:s16], $0x800  }
0x139: {  	[sflag:s16] =	ssyncset.done $0x0  }
0x13a: {  	[sflag:s16] =	ssyncadd.s32 $0xFFFFF800  }
0x13b: {  	v1 =	vld [tilespmem:$0x2880]  }
0x13c: {  	v2 =	vld [tilespmem:$0x2900]  }
0x13d: {  	v3 =	vld [tilespmem:$0x2980]  }
0x13e: {  	v4 =	vld [tilespmem:$0x2A00]  }
0x13f: {  	vm0 =	veq.s32 v0, $0x0  }
0x140: {  	v1 =	vsel vm0, $0x200, v1  }
0x141: {  	[tilespmem:$0x2880] =	vst v1;
	v1 =	vsel vm0, $0x200, v2  }
0x142: {  	[tilespmem:$0x2900] =	vst v1;
	v1 =	vsel vm0, $0x200, v3  }
0x143: {  	[tilespmem:$0x2980] =	vst v1;
	v1 =	vsel vm0, $0x200, v4  }
0x144: {  	s24 =	simm.s32 $0x0;
	s2 =	simm.s32 @!p0 $0x4;
	[tilespmem:$0x2A00] =	vst v1  }
0x145: {  	s25 =	sand.u32 $0x600, s24;
	s26 =	sand.u32 $0x180, s24;
	_ =	swait.ge @!p0 [sflag:s2], $0x8000  }
0x146: {  	s4 =	sand.u32 $0x70, s24;
	s10 =	sor.u32 s26, s25;
	[sflag:s2] =	ssyncset.done @!p0 $0x0  }
0x147: {  	s22 =	sor.u32 s4, s10;
	[sflag:s2] =	ssyncadd.s32 @!p0 $0xFFFF8000  }
0x148: {  	v8 =	vld [tilespmem:s22+$0x2880];
	_ =	sdelay $0x7  }
0x149: {  	v1 =	vld.idx.msk [tilespmem:v8+s5+$0x0], $0xffff  }
0x14a: {  	s29 =	simm.s32 $0x40;
	s30 =	simm.s32 $0x4;
	v2 =	vadd.s32 $0x201, v8  }
0x14b: {  	s31 =	simm.s32 $0x10;
	s4 =	sand.u32 $0x180, s30;
	s2 =	sand.u32 $0x600, s29  }
0x14c: {  	s10 =	sand.u32 $0x70, s31;
	s2 =	sor.u32 s4, s2  }
0x14d: {  	s20 =	sor.u32 s10, s2  }
0x14e: {  	v4 =	vld [tilespmem:s20+$0x2880];
	[tilespmem:s22+$0xB080] =	vst v1  }
0x14f: {  	v1 =	vld.idx.msk [tilespmem:v2+s5+$0x0], $0xffff  }
0x150: {  	v2 =	vadd.s32 $0x402, v8;
	_ =	sdelay $0x3  }
0x151: {  	[tilespmem:s22+$0xB880] =	vst v1  }
0x152: {  	v1 =	vld.idx.msk [tilespmem:v2+s5+$0x0], $0xffff  }
0x153: {  	v2 =	vadd.s32 $0x603, v8  }
0x154: {  	v3 =	vld.idx.msk [tilespmem:v4+s5+$0x0], $0xffff  }
0x155: {  	v5 =	vadd.s32 $0x201, v4;
	_ =	sdelay $0x1  }
0x156: {  	s21 =	simm.s32 $0x8;
	s10 =	simm.s32 $0x80;
	[tilespmem:s22+$0xC080] =	vst v1  }
0x157: {  	s23 =	simm.s32 $0x20;
	s4 =	sand.u32 $0x180, s21;
	s2 =	sand.u32 $0x600, s10;
	v2 =	vld.idx.msk [tilespmem:v2+s5+$0x0], $0xffff  }
0x158: {  	s10 =	sand.u32 $0x70, s23;
	s2 =	sor.u32 s4, s2;
	v6 =	vadd.s32 $0x804, v8;
	[tilespmem:s20+$0xB080] =	vst v3  }
0x159: {  	s10 =	sor.u32 s10, s2;
	v3 =	vld.idx.msk [tilespmem:v5+s5+$0x0], $0xffff  }
0x15a: {  	v1 =	vld [tilespmem:s10+$0x2880]  }
0x15b: {  	v5 =	vadd.s32 $0x402, v4  }
0x15c: {  	[tilespmem:s22+$0xC880] =	vst v2  }
0x15d: {  	v2 =	vld.idx.msk [tilespmem:v6+s5+$0x0], $0xffff  }
0x15e: {  	v6 =	vadd.s32 $0xA05, v8  }
0x15f: {  	[tilespmem:s20+$0xB880] =	vst v3  }
0x160: {  	v3 =	vld.idx.msk [tilespmem:v5+s5+$0x0], $0xffff  }
0x161: {  	v5 =	vadd.s32 $0x603, v4  }
0x162: {  	v7 =	vld.idx.msk [tilespmem:v1+s5+$0x0], $0xffff;
	[tilespmem:s22+$0xD080] =	vst v2  }
0x163: {  	s24 =	simm.s32 $0xC0;
	s25 =	simm.s32 $0xC;
	v9 =	vadd.s32 $0x201, v1;
	v6 =	vld.idx.msk [tilespmem:v6+s5+$0x0], $0xffff  }
0x164: {  	s26 =	simm.s32 $0x30;
	s4 =	sand.u32 $0x180, s25;
	s2 =	sand.u32 $0x600, s24;
	v10 =	vadd.s32 $0xC06, v8  }
0x165: {  	s21 =	sand.u32 $0x70, s26;
	s2 =	sor.u32 s4, s2;
	[tilespmem:s20+$0xC080] =	vst v3  }
0x166: {  	s2 =	sor.u32 s21, s2;
	v3 =	vld.idx.msk [tilespmem:v5+s5+$0x0], $0xffff  }
0x167: {  	v5 =	vadd.s32 $0x804, v4;
	v2 =	vld [tilespmem:s2+$0x2880];
	[tilespmem:s10+$0xB080] =	vst v7  }
0x168: {  	v7 =	vld.idx.msk [tilespmem:v9+s5+$0x0], $0xffff;
	[tilespmem:s22+$0xD880] =	vst v6  }
0x169: {  	v9 =	vadd.s32 $0x402, v1;
	v6 =	vld.idx.msk [tilespmem:v10+s5+$0x0], $0xffff  }
0x16a: {  	v10 =	vadd.s32 $0xE07, v8  }
0x16b: {  	[tilespmem:s20+$0xC880] =	vst v3  }
0x16c: {  	v3 =	vld.idx.msk [tilespmem:v5+s5+$0x0], $0xffff  }
0x16d: {  	v5 =	vadd.s32 $0xA05, v4;
	[tilespmem:s10+$0xB880] =	vst v7  }
0x16e: {  	v7 =	vld.idx.msk [tilespmem:v9+s5+$0x0], $0xffff;
	[tilespmem:s22+$0xE080] =	vst v6  }
0x16f: {  	v9 =	vadd.s32 $0x603, v1;
	v6 =	vld.idx.msk [tilespmem:v10+s5+$0x0], $0xffff  }
0x170: {  	v10 =	vadd.s32 $0x1008, v8  }
0x171: {  	[tilespmem:s20+$0xD080] =	vst v3;
	v11 =	vld.idx.msk [tilespmem:v2+s5+$0x0], $0xffff  }
0x172: {  	s30 =	simm.s32 $0x10;
	s29 =	simm.s32 $0x100;
	v5 =	vld.idx.msk [tilespmem:v5+s5+$0x0], $0xffff;
	v12 =	vadd.s32 $0x201, v2  }
0x173: {  	s31 =	simm.s32 $0x40;
	s4 =	sand.u32 $0x600, s29;
	s21 =	sand.u32 $0x180, s30;
	[tilespmem:s10+$0xC080] =	vst v7;
	v7 =	vadd.s32 $0xC06, v4  }
0x174: {  	s23 =	sand.u32 $0x70, s31;
	s4 =	sor.u32 s21, s4;
	v9 =	vld.idx.msk [tilespmem:v9+s5+$0x0], $0xffff;
	[tilespmem:s22+$0xE880] =	vst v6  }
0x175: {  	s4 =	sor.u32 s23, s4;
	v6 =	vld.idx.msk [tilespmem:v10+s5+$0x0], $0xffff;
	v10 =	vadd.s32 $0x804, v1  }
0x176: {  	v3 =	vld [tilespmem:s4+$0x2880];
	[tilespmem:s2+$0xB080] =	vst v11;
	v11 =	vadd.s32 $0x1209, v8  }
0x177: {  	[tilespmem:s20+$0xD880] =	vst v5;
	v12 =	vld.idx.msk [tilespmem:v12+s5+$0x0], $0xffff  }
0x178: {  	v5 =	vld.idx.msk [tilespmem:v7+s5+$0x0], $0xffff;
	v7 =	vadd.s32 $0x402, v2  }
0x179: {  	[tilespmem:s10+$0xC880] =	vst v9;
	v9 =	vadd.s32 $0xE07, v4  }
0x17a: {  	v10 =	vld.idx.msk [tilespmem:v10+s5+$0x0], $0xffff;
	[tilespmem:s22+$0xF080] =	vst v6  }
0x17b: {  	v6 =	vld.idx.msk [tilespmem:v11+s5+$0x0], $0xffff;
	v11 =	vadd.s32 $0xA05, v1  }
0x17c: {  	[tilespmem:s2+$0xB880] =	vst v12  }
0x17d: {  	s24 =	simm.s32 $0x14;
	s23 =	simm.s32 $0x140;
	v12 =	vadd.s32 $0x140A, v8;
	v7 =	vld.idx.msk [tilespmem:v7+s5+$0x0], $0xffff;
	[tilespmem:s20+$0xE080] =	vst v5  }
0x17e: {  	s25 =	simm.s32 $0x50;
	s21 =	sand.u32 $0x600, s23;
	s23 =	sand.u32 $0x180, s24;
	v13 =	vadd.s32 $0x603, v2;
	v9 =	vld.idx.msk [tilespmem:v9+s5+$0x0], $0xffff  }
0x17f: {  	s24 =	sand.u32 $0x70, s25;
	s21 =	sor.u32 s23, s21;
	v14 =	vld.idx.msk [tilespmem:v3+s5+$0x0], $0xffff;
	[tilespmem:s10+$0xD080] =	vst v10;
	v10 =	vadd.s32 $0x1008, v4  }
0x180: {  	s21 =	sor.u32 s24, s21;
	v11 =	vld.idx.msk [tilespmem:v11+s5+$0x0], $0xffff  }
0x181: {  	v5 =	vld [tilespmem:s21+$0x2880];
	[tilespmem:s22+$0xF880] =	vst v6;
	v6 =	vadd.s32 $0x201, v3  }
0x182: {  	v15 =	vadd.s32 $0xC06, v1;
	[tilespmem:s2+$0xC080] =	vst v7;
	v12 =	vld.idx.msk [tilespmem:v12+s5+$0x0], $0xffff  }
0x183: {  	v7 =	vadd.s32 $0x160B, v8;
	v13 =	vld.idx.msk [tilespmem:v13+s5+$0x0], $0xffff;
	[tilespmem:s20+$0xE880] =	vst v9  }
0x184: {  	[tilespmem:s4+$0xB080] =	vst v14;
	v9 =	vld.idx.msk [tilespmem:v10+s5+$0x0], $0xffff;
	v10 =	vadd.s32 $0x804, v2  }
0x185: {  	[tilespmem:s10+$0xD880] =	vst v11;
	v11 =	vadd.s32 $0x1209, v4  }
0x186: {  	v14 =	vld.idx.msk [tilespmem:v6+s5+$0x0], $0xffff  }
0x187: {  	v15 =	vld.idx.msk [tilespmem:v15+s5+$0x0], $0xffff;
	[tilespmem:s22+$0x10080] =	vst v12;
	v12 =	vadd.s32 $0x402, v3  }
0x188: {  	v16 =	vadd.s32 $0xE07, v1;
	[tilespmem:s2+$0xC880] =	vst v13;
	v7 =	vld.idx.msk [tilespmem:v7+s5+$0x0], $0xffff  }
0x189: {  	v13 =	vadd.s32 $0x180C, v8;
	v10 =	vld.idx.msk [tilespmem:v10+s5+$0x0], $0xffff;
	[tilespmem:s20+$0xF080] =	vst v9  }
0x18a: {  	v9 =	vld.idx.msk [tilespmem:v11+s5+$0x0], $0xffff;
	v11 =	vadd.s32 $0xA05, v2  }
0x18b: {  	v17 =	vld.idx.msk [tilespmem:v5+s5+$0x0], $0xffff;
	[tilespmem:s4+$0xB880] =	vst v14;
	v14 =	vadd.s32 $0x140A, v4  }
0x18c: {  	v12 =	vld.idx.msk [tilespmem:v12+s5+$0x0], $0xffff;
	[tilespmem:s10+$0xE080] =	vst v15  }
0x18d: {  	s26 =	simm.s32 $0x180;
	s29 =	simm.s32 $0x18;
	v15 =	vld.idx.msk [tilespmem:v16+s5+$0x0], $0xffff;
	[tilespmem:s22+$0x10880] =	vst v7;
	v7 =	vadd.s32 $0x603, v3  }
0x18e: {  	s25 =	simm.s32 $0x60;
	s23 =	sand.u32 $0x600, s26;
	s24 =	sand.u32 $0x180, s29;
	v16 =	vadd.s32 $0x1008, v1;
	v13 =	vld.idx.msk [tilespmem:v13+s5+$0x0], $0xffff;
	[tilespmem:s2+$0xD080] =	vst v10  }
0x18f: {  	s25 =	sand.u32 $0x70, s25;
	s23 =	sor.u32 s24, s23;
	v10 =	vadd.s32 $0x1A0D, v8;
	v11 =	vld.idx.msk [tilespmem:v11+s5+$0x0], $0xffff;
	[tilespmem:s20+$0xF880] =	vst v9  }
0x190: {  	s23 =	sor.u32 s25, s23;
	[tilespmem:s21+$0xB080] =	vst v17;
	v9 =	vadd.s32 $0x201, v5;
	v14 =	vld.idx.msk [tilespmem:v14+s5+$0x0], $0xffff  }
0x191: {  	v6 =	vld [tilespmem:s23+$0x2880];
	[tilespmem:s4+$0xC080] =	vst v12;
	v12 =	vadd.s32 $0xC06, v2  }
0x192: {  	v18 =	vld.idx.msk [tilespmem:v7+s5+$0x0], $0xffff;
	[tilespmem:s10+$0xE880] =	vst v15;
	v7 =	vadd.s32 $0x160B, v4  }
0x193: {  	v15 =	vld.idx.msk [tilespmem:v16+s5+$0x0], $0xffff;
	[tilespmem:s22+$0x11080] =	vst v13;
	v13 =	vadd.s32 $0x804, v3  }
0x194: {  	v10 =	vld.idx.msk [tilespmem:v10+s5+$0x0], $0xffff;
	[tilespmem:s2+$0xD880] =	vst v11;
	v11 =	vadd.s32 $0x1209, v1  }
0x195: {  	v9 =	vld.idx.msk [tilespmem:v9+s5+$0x0], $0xffff;
	[tilespmem:s20+$0x10080] =	vst v14;
	v14 =	vadd.s32 $0x1C0E, v8  }
0x196: {  	v16 =	vadd.s32 $0x402, v5;
	v12 =	vld.idx.msk [tilespmem:v12+s5+$0x0], $0xffff  }
0x197: {  	v17 =	vld.idx.msk [tilespmem:v7+s5+$0x0], $0xffff;
	[tilespmem:s4+$0xC880] =	vst v18;
	v18 =	vadd.s32 $0xE07, v2  }
0x198: {  	v13 =	vld.idx.msk [tilespmem:v13+s5+$0x0], $0xffff;
	[tilespmem:s10+$0xF080] =	vst v15;
	v15 =	vadd.s32 $0x180C, v4  }
0x199: {  	[tilespmem:s22+$0x11880] =	vst v10;
	v11 =	vld.idx.msk [tilespmem:v11+s5+$0x0], $0xffff  }
0x19a: {  	[tilespmem:s21+$0xB880] =	vst v9;
	v10 =	vld.idx.msk [tilespmem:v14+s5+$0x0], $0xffff  }
0x19b: {  	s31 =	simm.s32 $0x1C;
	s30 =	simm.s32 $0x1C0;
	v9 =	vadd.s32 $0xA05, v3;
	v16 =	vld.idx.msk [tilespmem:v16+s5+$0x0], $0xffff;
	[tilespmem:s2+$0xE080] =	vst v12  }
0x19c: {  	s26 =	simm.s32 $0x70;
	s24 =	sand.u32 $0x600, s30;
	s25 =	sand.u32 $0x180, s31;
	v12 =	vadd.s32 $0x140A, v1;
	v18 =	vld.idx.msk [tilespmem:v18+s5+$0x0], $0xffff;
	[tilespmem:s20+$0x10880] =	vst v17  }
0x19d: {  	s26 =	sand.u32 $0x70, s26;
	s24 =	sor.u32 s25, s24;
	v17 =	vadd.s32 $0x1E0F, v8;
	v15 =	vld.idx.msk [tilespmem:v15+s5+$0x0], $0xffff;
	[tilespmem:s4+$0xD080] =	vst v13  }
0x19e: {  	s24 =	sor.u32 s26, s24;
	v19 =	vadd.s32 $0x603, v5;
	v20 =	vld.idx.msk [tilespmem:v6+s5+$0x0], $0xffff;
	[tilespmem:s10+$0xF880] =	vst v11  }
0x19f: {  	v7 =	vld [tilespmem:s24+$0x2880];
	v13 =	vadd.s32 $0x1008, v2;
	[tilespmem:s22+$0x12080] =	vst v10  }
0x1a0: {  	v21 =	vadd.s32 $0x1A0D, v4;
	v14 =	vld.idx.msk [tilespmem:v9+s5+$0x0], $0xffff;
	[tilespmem:s21+$0xC080] =	vst v16  }
0x1a1: {  	v8 =	vld.idx.msk [tilespmem:v12+s5+$0x0], $0xffff;
	[tilespmem:s2+$0xE880] =	vst v18;
	v18 =	vadd.s32 $0x201, v6  }
0x1a2: {  	v11 =	vld.idx.msk [tilespmem:v17+s5+$0x0], $0xffff;
	[tilespmem:s20+$0x11080] =	vst v15;
	v15 =	vadd.s32 $0xC06, v3  }
0x1a3: {  	v9 =	vadd.s32 $0x160B, v1;
	v16 =	vld.idx.msk [tilespmem:v19+s5+$0x0], $0xffff  }
0x1a4: {  	v10 =	vld.idx.msk [tilespmem:v13+s5+$0x0], $0xffff  }
0x1a5: {  	s28 =	simm.s32 $0x20;
	s25 =	simm.s32 $0x200;
	s26 =	simm.s32 $0x80;
	[tilespmem:s23+$0xB080] =	vst v20;
	v17 =	vadd.s32 $0x804, v5;
	v13 =	vmov v7;
	v12 =	vld.idx.msk [tilespmem:v21+s5+$0x0], $0xffff  }
.LBB2_5:
0x1a6: {  	s29 =	sand.u32 $0x600, s25;
	s30 =	sand.u32 $0x180, s28;
	p0 =	sne.s32 s28, $0x1FC;
	v18 =	vld.idx.msk [tilespmem:v18+s5+$0x0], $0xffff;
	[tilespmem:s4+$0xD880] =	vst v14;
	v14 =	vadd.s32 $0x1209, v2  }
0x1a7: {  	s31 =	sand.u32 $0x70, s26;
	s29 =	sor.u32 s30, s29;
	v15 =	vld.idx.msk [tilespmem:v15+s5+$0x0], $0xffff;
	[tilespmem:s10+$0x10080] =	vst v8;
	v8 =	vadd.s32 $0x1C0E, v4  }
0x1a8: {  	v19 =	vadd.s32 $0x402, v6;
	s29 =	sor.u32 s31, s29;
	v9 =	vld.idx.msk [tilespmem:v9+s5+$0x0], $0xffff;
	[tilespmem:s22+$0x12880] =	vst v11;
	s22 =	smov.u32 s20;
	s20 =	smov.u32 s10  }
0x1a9: {  	s10 =	smov.u32 s2;
	s2 =	smov.u32 s4;
	s4 =	smov.u32 s21;
	v11 =	vld [tilespmem:s29+$0x2880];
	[tilespmem:s21+$0xC880] =	vst v16;
	v16 =	vadd.s32 $0xE07, v3  }
0x1aa: {  	s21 =	smov.u32 s23;
	s23 =	smov.u32 s24;
	s24 =	smov.u32 s29;
	v17 =	vld.idx.msk [tilespmem:v17+s5+$0x0], $0xffff;
	[tilespmem:s10+$0xF080] =	vst v10;
	v10 =	vadd.s32 $0x180C, v1  }
0x1ab: {  	v20 =	vld.idx.msk [tilespmem:v14+s5+$0x0], $0xffff;
	[tilespmem:s22+$0x11880] =	vst v12  }
0x1ac: {  	v12 =	vadd.s32 $0xA05, v5;
	[tilespmem:s21+$0xB880] =	vst v18;
	v21 =	vld.idx.msk [tilespmem:v8+s5+$0x0], $0xffff  }
0x1ad: {  	v8 =	vadd.s32 $0x140A, v2;
	v19 =	vld.idx.msk [tilespmem:v19+s5+$0x0], $0xffff;
	[tilespmem:s2+$0xE080] =	vst v15  }
0x1ae: {  	v22 =	vld.idx.msk [tilespmem:v16+s5+$0x0], $0xffff;
	[tilespmem:s20+$0x10880] =	vst v9;
	v9 =	vadd.s32 $0x1E0F, v4;
	v4 =	vmovc v1;
	v1 =	vmovc v2;
	v2 =	vmov v3;
	v3 =	vmov v5  }
0x1af: {  	v16 =	vadd.s32 $0x603, v6;
	v5 =	vmovc v6;
	v6 =	vmov v7;
	v7 =	vmov v11;
	v23 =	vld.idx.msk [tilespmem:v10+s5+$0x0], $0xffff  }
0x1b0: {  	v10 =	vadd.s32 $0x1008, v2;
	v24 =	vld.idx.msk [tilespmem:v13+s5+$0x0], $0xffff;
	[tilespmem:s4+$0xD080] =	vst v17;
	v13 =	vmov v11  }
0x1b1: {  	v14 =	vld.idx.msk [tilespmem:v12+s5+$0x0], $0xffff;
	[tilespmem:s10+$0xF880] =	vst v20;
	v12 =	vadd.s32 $0x1A0D, v4  }
.Ltmp1:
0x1b2: {  	v18 =	vadd.s32 $0x201, v6;
	v8 =	vld.idx.msk [tilespmem:v8+s5+$0x0], $0xffff;
	[tilespmem:s22+$0x12080] =	vst v21;
	(pc) =	sbr.rel @p0 .LBB2_5-.Ltmp1, $4  }
0x1b3: {  	v15 =	vadd.s32 $0xC06, v3;
	[tilespmem:s21+$0xC080] =	vst v19;
	v11 =	vld.idx.msk [tilespmem:v9+s5+$0x0], $0xffff  }
0x1b4: {  	v9 =	vadd.s32 $0x160B, v1;
	v16 =	vld.idx.msk [tilespmem:v16+s5+$0x0], $0xffff;
	[tilespmem:s2+$0xE880] =	vst v22  }
0x1b5: {  	v10 =	vld.idx.msk [tilespmem:v10+s5+$0x0], $0xffff;
	[tilespmem:s20+$0x11080] =	vst v23  }
0x1b6: {  	s25 =	sadd.s32 $0x40, s25;
	s26 =	sadd.s32 $0x10, s26;
	s28 =	sadd.s32 $0x4, s28;
	v17 =	vadd.s32 $0x804, v5;
	[tilespmem:s23+$0xB080] =	vst v24;
	v12 =	vld.idx.msk [tilespmem:v12+s5+$0x0], $0xffff  }
0x1b7: {  	_ =	sdelay $0x3  }
0x1b8: {  	v13 =	vld.idx.msk [tilespmem:v13+s5+$0x0], $0xffff  }
0x1b9: {  	v19 =	vadd.s32 $0x201, v7;
	_ =	sdelay $0x3  }
0x1ba: {  	v18 =	vld.idx.msk [tilespmem:v18+s5+$0x0], $0xffff;
	[tilespmem:s24+$0xB080] =	vst v13  }
0x1bb: {  	v37 =	vadd.s32 $0x402, v6;
	v19 =	vld.idx.msk [tilespmem:v19+s5+$0x0], $0xffff  }
0x1bc: {  	v20 =	vadd.s32 $0x402, v7;
	_ =	sdelay $0x2  }
0x1bd: {  	[tilespmem:s23+$0xB880] =	vst v18  }
0x1be: {  	v13 =	vld.idx.msk [tilespmem:v37+s5+$0x0], $0xffff;
	[tilespmem:s24+$0xB880] =	vst v19  }
0x1bf: {  	v38 =	vadd.s32 $0x603, v6;
	v19 =	vld.idx.msk [tilespmem:v20+s5+$0x0], $0xffff  }
0x1c0: {  	v39 =	vadd.s32 $0x603, v7;
	_ =	sdelay $0x2  }
0x1c1: {  	[tilespmem:s23+$0xC080] =	vst v13  }
0x1c2: {  	v13 =	vld.idx.msk [tilespmem:v38+s5+$0x0], $0xffff;
	[tilespmem:s24+$0xC080] =	vst v19  }
0x1c3: {  	v40 =	vadd.s32 $0x804, v6;
	v19 =	vld.idx.msk [tilespmem:v39+s5+$0x0], $0xffff  }
0x1c4: {  	v41 =	vadd.s32 $0x804, v7;
	_ =	sdelay $0x1  }
0x1c5: {  	[tilespmem:s21+$0xC880] =	vst v16  }
0x1c6: {  	v16 =	vld.idx.msk [tilespmem:v17+s5+$0x0], $0xffff;
	[tilespmem:s23+$0xC880] =	vst v13  }
0x1c7: {  	v42 =	vadd.s32 $0xA05, v5;
	v43 =	vld.idx.msk [tilespmem:v40+s5+$0x0], $0xffff;
	[tilespmem:s24+$0xC880] =	vst v19  }
0x1c8: {  	v44 =	vadd.s32 $0xA05, v6;
	v19 =	vld.idx.msk [tilespmem:v41+s5+$0x0], $0xffff  }
0x1c9: {  	v45 =	vadd.s32 $0xA05, v7;
	_ =	sdelay $0x1  }
0x1ca: {  	[tilespmem:s21+$0xD080] =	vst v16  }
0x1cb: {  	v13 =	vld.idx.msk [tilespmem:v42+s5+$0x0], $0xffff;
	[tilespmem:s23+$0xD080] =	vst v43  }
0x1cc: {  	v46 =	vadd.s32 $0xC06, v5;
	v17 =	vld.idx.msk [tilespmem:v44+s5+$0x0], $0xffff;
	[tilespmem:s24+$0xD080] =	vst v19  }
0x1cd: {  	v47 =	vadd.s32 $0xC06, v6;
	v19 =	vld.idx.msk [tilespmem:v45+s5+$0x0], $0xffff  }
0x1ce: {  	v48 =	vadd.s32 $0xC06, v7  }
0x1cf: {  	[tilespmem:s4+$0xD880] =	vst v14  }
0x1d0: {  	v14 =	vld.idx.msk [tilespmem:v15+s5+$0x0], $0xffff;
	[tilespmem:s21+$0xD880] =	vst v13  }
0x1d1: {  	v49 =	vadd.s32 $0xE07, v3;
	v50 =	vld.idx.msk [tilespmem:v46+s5+$0x0], $0xffff;
	[tilespmem:s23+$0xD880] =	vst v17  }
0x1d2: {  	v51 =	vadd.s32 $0xE07, v5;
	v17 =	vld.idx.msk [tilespmem:v47+s5+$0x0], $0xffff;
	[tilespmem:s24+$0xD880] =	vst v19  }
0x1d3: {  	v52 =	vadd.s32 $0xE07, v6;
	v19 =	vld.idx.msk [tilespmem:v48+s5+$0x0], $0xffff  }
0x1d4: {  	v53 =	vadd.s32 $0xE07, v7  }
0x1d5: {  	v54 =	vadd.s32 $0x1C0E, v4;
	[tilespmem:s4+$0xE080] =	vst v14  }
0x1d6: {  	v13 =	vld.idx.msk [tilespmem:v49+s5+$0x0], $0xffff;
	[tilespmem:s21+$0xE080] =	vst v50  }
0x1d7: {  	v55 =	vadd.s32 $0x1008, v3;
	v16 =	vld.idx.msk [tilespmem:v51+s5+$0x0], $0xffff;
	[tilespmem:s23+$0xE080] =	vst v17  }
0x1d8: {  	v56 =	vadd.s32 $0x1008, v5;
	v18 =	vld.idx.msk [tilespmem:v52+s5+$0x0], $0xffff;
	[tilespmem:s24+$0xE080] =	vst v19  }
0x1d9: {  	v57 =	vadd.s32 $0x1008, v6;
	[tilespmem:s20+$0x11880] =	vst v12;
	v19 =	vld.idx.msk [tilespmem:v53+s5+$0x0], $0xffff  }
0x1da: {  	v59 =	vadd.s32 $0x1008, v7;
	[tilespmem:s22+$0x12880] =	vst v11;
	v58 =	vld.idx.msk [tilespmem:v54+s5+$0x0], $0xffff  }
0x1db: {  	v60 =	vadd.s32 $0x1E0F, v4;
	[tilespmem:s4+$0xE880] =	vst v13  }
0x1dc: {  	v61 =	vadd.s32 $0x1209, v2;
	v15 =	vld.idx.msk [tilespmem:v55+s5+$0x0], $0xffff;
	[tilespmem:s21+$0xE880] =	vst v16  }
0x1dd: {  	v62 =	vadd.s32 $0x1209, v3;
	v17 =	vld.idx.msk [tilespmem:v56+s5+$0x0], $0xffff;
	[tilespmem:s23+$0xE880] =	vst v18  }
0x1de: {  	v63 =	vadd.s32 $0x1209, v5;
	v12 =	vld.idx.msk [tilespmem:v57+s5+$0x0], $0xffff;
	[tilespmem:s24+$0xE880] =	vst v19  }
0x1df: {  	v21 =	vadd.s32 $0x1209, v6;
	[tilespmem:s20+$0x12080] =	vst v58;
	v14 =	vld.idx.msk [tilespmem:v59+s5+$0x0], $0xffff  }
0x1e0: {  	v22 =	vadd.s32 $0x1209, v7;
	[tilespmem:s2+$0xF080] =	vst v10;
	v4 =	vld.idx.msk [tilespmem:v60+s5+$0x0], $0xffff  }
0x1e1: {  	v13 =	vld.idx.msk [tilespmem:v61+s5+$0x0], $0xffff;
	[tilespmem:s4+$0xF080] =	vst v15  }
0x1e2: {  	v23 =	vadd.s32 $0x140A, v2;
	v16 =	vld.idx.msk [tilespmem:v62+s5+$0x0], $0xffff;
	[tilespmem:s21+$0xF080] =	vst v17  }
0x1e3: {  	v24 =	vadd.s32 $0x140A, v3;
	v18 =	vld.idx.msk [tilespmem:v63+s5+$0x0], $0xffff;
	[tilespmem:s23+$0xF080] =	vst v12  }
0x1e4: {  	v25 =	vadd.s32 $0x140A, v5;
	v11 =	vld.idx.msk [tilespmem:v21+s5+$0x0], $0xffff;
	[tilespmem:s24+$0xF080] =	vst v14  }
0x1e5: {  	v26 =	vadd.s32 $0x140A, v6;
	[tilespmem:s20+$0x12880] =	vst v4;
	v10 =	vld.idx.msk [tilespmem:v22+s5+$0x0], $0xffff  }
0x1e6: {  	v27 =	vadd.s32 $0x140A, v7;
	[tilespmem:s2+$0xF880] =	vst v13  }
0x1e7: {  	v28 =	vld.idx.msk [tilespmem:v23+s5+$0x0], $0xffff;
	[tilespmem:s4+$0xF880] =	vst v16  }
0x1e8: {  	v29 =	vadd.s32 $0x160B, v2;
	v16 =	vld.idx.msk [tilespmem:v24+s5+$0x0], $0xffff;
	[tilespmem:s21+$0xF880] =	vst v18  }
0x1e9: {  	v30 =	vadd.s32 $0x160B, v3;
	v12 =	vld.idx.msk [tilespmem:v25+s5+$0x0], $0xffff;
	[tilespmem:s23+$0xF880] =	vst v11  }
0x1ea: {  	v31 =	vadd.s32 $0x160B, v5;
	v4 =	vld.idx.msk [tilespmem:v26+s5+$0x0], $0xffff;
	[tilespmem:s24+$0xF880] =	vst v10  }
0x1eb: {  	[tilespmem:s10+$0x10080] =	vst v8;
	v32 =	vadd.s32 $0x160B, v6;
	v10 =	vld.idx.msk [tilespmem:v27+s5+$0x0], $0xffff  }
0x1ec: {  	v33 =	vadd.s32 $0x160B, v7;
	v9 =	vld.idx.msk [tilespmem:v9+s5+$0x0], $0xffff;
	[tilespmem:s2+$0x10080] =	vst v28  }
0x1ed: {  	v34 =	vadd.s32 $0x180C, v1;
	v15 =	vld.idx.msk [tilespmem:v29+s5+$0x0], $0xffff;
	[tilespmem:s4+$0x10080] =	vst v16  }
0x1ee: {  	v35 =	vadd.s32 $0x180C, v2;
	v17 =	vld.idx.msk [tilespmem:v30+s5+$0x0], $0xffff;
	[tilespmem:s21+$0x10080] =	vst v12  }
0x1ef: {  	v36 =	vadd.s32 $0x180C, v3;
	v11 =	vld.idx.msk [tilespmem:v31+s5+$0x0], $0xffff;
	[tilespmem:s23+$0x10080] =	vst v4  }
0x1f0: {  	v37 =	vadd.s32 $0x180C, v5;
	v8 =	vld.idx.msk [tilespmem:v32+s5+$0x0], $0xffff;
	[tilespmem:s24+$0x10080] =	vst v10  }
0x1f1: {  	[tilespmem:s10+$0x10880] =	vst v9;
	v38 =	vadd.s32 $0x180C, v6;
	v10 =	vld.idx.msk [tilespmem:v33+s5+$0x0], $0xffff  }
0x1f2: {  	v39 =	vld.idx.msk [tilespmem:v34+s5+$0x0], $0xffff;
	v40 =	vadd.s32 $0x180C, v7;
	[tilespmem:s2+$0x10880] =	vst v15  }
0x1f3: {  	v41 =	vadd.s32 $0x1A0D, v1;
	v16 =	vld.idx.msk [tilespmem:v35+s5+$0x0], $0xffff;
	[tilespmem:s4+$0x10880] =	vst v17  }
0x1f4: {  	v42 =	vadd.s32 $0x1A0D, v2;
	v12 =	vld.idx.msk [tilespmem:v36+s5+$0x0], $0xffff;
	[tilespmem:s21+$0x10880] =	vst v11  }
0x1f5: {  	v43 =	vadd.s32 $0x1A0D, v3;
	v4 =	vld.idx.msk [tilespmem:v37+s5+$0x0], $0xffff;
	[tilespmem:s23+$0x10880] =	vst v8  }
0x1f6: {  	v44 =	vadd.s32 $0x1A0D, v5;
	v9 =	vld.idx.msk [tilespmem:v38+s5+$0x0], $0xffff;
	[tilespmem:s24+$0x10880] =	vst v10  }
0x1f7: {  	[tilespmem:s10+$0x11080] =	vst v39;
	v45 =	vadd.s32 $0x1A0D, v6;
	v46 =	vld.idx.msk [tilespmem:v40+s5+$0x0], $0xffff  }
0x1f8: {  	v47 =	vld.idx.msk [tilespmem:v41+s5+$0x0], $0xffff;
	v48 =	vadd.s32 $0x1A0D, v7;
	[tilespmem:s2+$0x11080] =	vst v16  }
0x1f9: {  	v49 =	vadd.s32 $0x1C0E, v1;
	v17 =	vld.idx.msk [tilespmem:v42+s5+$0x0], $0xffff;
	[tilespmem:s4+$0x11080] =	vst v12  }
0x1fa: {  	v50 =	vadd.s32 $0x1C0E, v2;
	v11 =	vld.idx.msk [tilespmem:v43+s5+$0x0], $0xffff;
	[tilespmem:s21+$0x11080] =	vst v4  }
0x1fb: {  	v51 =	vadd.s32 $0x1C0E, v3;
	v8 =	vld.idx.msk [tilespmem:v44+s5+$0x0], $0xffff;
	[tilespmem:s23+$0x11080] =	vst v9  }
0x1fc: {  	v52 =	vadd.s32 $0x1C0E, v5;
	v10 =	vld.idx.msk [tilespmem:v45+s5+$0x0], $0xffff;
	[tilespmem:s24+$0x11080] =	vst v46  }
0x1fd: {  	[tilespmem:s10+$0x11880] =	vst v47;
	v53 =	vadd.s32 $0x1C0E, v6;
	v54 =	vld.idx.msk [tilespmem:v48+s5+$0x0], $0xffff  }
0x1fe: {  	v56 =	vadd.s32 $0x1C0E, v7;
	v55 =	vld.idx.msk [tilespmem:v49+s5+$0x0], $0xffff;
	[tilespmem:s2+$0x11880] =	vst v17  }
0x1ff: {  	v1 =	vadd.s32 $0x1E0F, v1;
	v12 =	vld.idx.msk [tilespmem:v50+s5+$0x0], $0xffff;
	[tilespmem:s4+$0x11880] =	vst v11  }
0x200: {  	v2 =	vadd.s32 $0x1E0F, v2;
	v4 =	vld.idx.msk [tilespmem:v51+s5+$0x0], $0xffff;
	[tilespmem:s21+$0x11880] =	vst v8  }
0x201: {  	v3 =	vadd.s32 $0x1E0F, v3;
	v8 =	vld.idx.msk [tilespmem:v52+s5+$0x0], $0xffff;
	[tilespmem:s23+$0x11880] =	vst v10  }
0x202: {  	v57 =	vadd.s32 $0x1E0F, v5;
	v58 =	vld.idx.msk [tilespmem:v53+s5+$0x0], $0xffff;
	[tilespmem:s24+$0x11880] =	vst v54  }
0x203: {  	[tilespmem:s10+$0x12080] =	vst v55;
	v59 =	vadd.s32 $0x1E0F, v6;
	v60 =	vld.idx.msk [tilespmem:v56+s5+$0x0], $0xffff  }
0x204: {  	v61 =	vadd.s32 $0x1E0F, v7;
	v1 =	vld.idx.msk [tilespmem:v1+s5+$0x0], $0xffff;
	[tilespmem:s2+$0x12080] =	vst v12  }
0x205: {  	v2 =	vld.idx.msk [tilespmem:v2+s5+$0x0], $0xffff;
	[tilespmem:s4+$0x12080] =	vst v4  }
0x206: {  	v3 =	vld.idx.msk [tilespmem:v3+s5+$0x0], $0xffff;
	[tilespmem:s21+$0x12080] =	vst v8  }
0x207: {  	v62 =	vld.idx.msk [tilespmem:v57+s5+$0x0], $0xffff;
	[tilespmem:s23+$0x12080] =	vst v58  }
0x208: {  	v63 =	vld.idx.msk [tilespmem:v59+s5+$0x0], $0xffff;
	[tilespmem:s24+$0x12080] =	vst v60  }
0x209: {  	[tilespmem:s10+$0x12880] =	vst v1;
	v1 =	vld.idx.msk [tilespmem:v61+s5+$0x0], $0xffff  }
0x20a: {  	[tilespmem:s2+$0x12880] =	vst v2  }
0x20b: {  	[tilespmem:s4+$0x12880] =	vst v3  }
0x20c: {  	[tilespmem:s21+$0x12880] =	vst v62  }
0x20d: {  	[tilespmem:s23+$0x12880] =	vst v63  }
0x20e: {  	s29 =	simm.s32 $0xB080;
	s2 =	sadd.s32 s15, s14;
	[tilespmem:s24+$0x12880] =	vst v1  }
0x20f: {  	[hbm4b:s2+s17] =	stream.strided.scatter [tilespmem:s29], [sflag:$0x4], $0x800, s18, s17, $0x38;
	[tilespmem:$0x13080] =	vst v63  }
0x210: {  	s31 =	simm.s32 $0xB880;
	s30 =	sadd.s32 $0x8000, s2  }
0x211: {  	[hbm4b:s30+s17] =	stream.strided.scatter [tilespmem:s31], [sflag:$0x4], $0x800, s18, s17, $0x38;
	[tilespmem:$0x13080] =	vst v63  }
0x212: {  	s20 =	simm.s32 $0xC080;
	s15 =	sadd.s32 $0x10000, s2  }
0x213: {  	[hbm4b:s15+s17] =	stream.strided.scatter [tilespmem:s20], [sflag:$0x4], $0x800, s18, s17, $0x38;
	[tilespmem:$0x13080] =	vst v63  }
0x214: {  	s22 =	simm.s32 $0xC880;
	s21 =	sadd.s32 $0x18000, s2  }
0x215: {  	[hbm4b:s21+s17] =	stream.strided.scatter [tilespmem:s22], [sflag:$0x4], $0x800, s18, s17, $0x38;
	[tilespmem:$0x13080] =	vst v63  }
0x216: {  	s23 =	sadd.s32 $0x20000, s2;
	s24 =	simm.s32 $0xD080  }
0x217: {  	[hbm4b:s23+s17] =	stream.strided.scatter [tilespmem:s24], [sflag:$0x4], $0x800, s18, s17, $0x38;
	[tilespmem:$0x13080] =	vst v63  }
0x218: {  	s26 =	simm.s32 $0xD880;
	s25 =	sadd.s32 $0x28000, s2  }
0x219: {  	[hbm4b:s25+s17] =	stream.strided.scatter [tilespmem:s26], [sflag:$0x4], $0x800, s18, s17, $0x38;
	[tilespmem:$0x13080] =	vst v63  }
0x21a: {  	s28 =	sadd.s32 $0x30000, s2;
	s29 =	simm.s32 $0xE080  }
0x21b: {  	[hbm4b:s28+s17] =	stream.strided.scatter [tilespmem:s29], [sflag:$0x4], $0x800, s18, s17, $0x38;
	[tilespmem:$0x13080] =	vst v63  }
0x21c: {  	s30 =	sadd.s32 $0x38000, s2;
	s31 =	simm.s32 $0xE880  }
0x21d: {  	[hbm4b:s30+s17] =	stream.strided.scatter [tilespmem:s31], [sflag:$0x4], $0x800, s18, s17, $0x38;
	[tilespmem:$0x13080] =	vst v63  }
0x21e: {  	s15 =	sadd.s32 $0x40000, s2;
	s20 =	simm.s32 $0xF080  }
0x21f: {  	[hbm4b:s15+s17] =	stream.strided.scatter [tilespmem:s20], [sflag:$0x4], $0x800, s18, s17, $0x38;
	[tilespmem:$0x13080] =	vst v63  }
0x220: {  	s21 =	sadd.s32 $0x48000, s2;
	s22 =	simm.s32 $0xF880  }
0x221: {  	[hbm4b:s21+s17] =	stream.strided.scatter [tilespmem:s22], [sflag:$0x4], $0x800, s18, s17, $0x38;
	[tilespmem:$0x13080] =	vst v63  }
0x222: {  	s23 =	sadd.s32 $0x50000, s2;
	s24 =	simm.s32 $0x10080  }
0x223: {  	[hbm4b:s23+s17] =	stream.strided.scatter [tilespmem:s24], [sflag:$0x4], $0x800, s18, s17, $0x38;
	[tilespmem:$0x13080] =	vst v63  }
0x224: {  	s25 =	sadd.s32 $0x58000, s2;
	s26 =	simm.s32 $0x10880  }
0x225: {  	[hbm4b:s25+s17] =	stream.strided.scatter [tilespmem:s26], [sflag:$0x4], $0x800, s18, s17, $0x38;
	[tilespmem:$0x13080] =	vst v63  }
0x226: {  	s8 =	sadd.s32 $0x1, s8;
	s28 =	sadd.s32 $0x60000, s2;
	s29 =	simm.s32 $0x11080  }
0x227: {  	[hbm4b:s28+s17] =	stream.strided.scatter [tilespmem:s29], [sflag:$0x4], $0x800, s18, s17, $0x38;
	[tilespmem:$0x13080] =	vst v63  }
0x228: {  	p0 =	sne.s32 s8, $0x20;
	s30 =	sadd.s32 $0x68000, s2  }
0x229: {  	[hbm4b:s30+s17] =	stream.strided.scatter [tilespmem:s3], [sflag:$0x4], $0x800, s18, s17, $0x38;
	[tilespmem:$0x13080] =	vst v63  }
.Ltmp2:
0x22a: {  	_ = 	snop;
	(pc) =	sbr.rel @p0 .LBB2_2-.Ltmp2, $4  }
0x22b: {  	s31 =	sadd.s32 $0x70000, s2  }
0x22c: {  	[hbm4b:s31+s17] =	stream.strided.scatter [tilespmem:s0], [sflag:$0x4], $0x800, s18, s17, $0x38;
	[tilespmem:$0x13080] =	vst v63  }
0x22d: {  	s2 =	sadd.s32 $0x78000, s2  }
0x22e: {  	[hbm4b:s2+s17] =	stream.strided.scatter [tilespmem:s19], [sflag:$0x4], $0x800, s18, s17, $0x38;
	[tilespmem:$0x13080] =	vst v63  }
0x22f: {  	s2 =	simm.s32 $0x3  }
0x230: {  	_ =	swait.ge [sflag:s2], $0x8000  }
0x231: {  	[sflag:s2] =	ssyncset.done $0x0  }
0x232: {  	s4 =	simm.s32 $0x4;
	[sflag:s2] =	ssyncadd.s32 $0xFFFF8000  }
0x233: {  	_ =	swait.ge [sflag:s4], $0x8000  }
0x234: {  	s8 =	rddreg [dreg:$0x7]  }
0x235: {  	s31 =	rddreg [dreg:$0x6];
	s8 =	sadd.s32 $0x1, s8  }
0x236: {  	p0 =	sne.s32 s8, s31  }
.Ltmp3:
0x237: {  	_ = 	snop;
	(pc) =	sbr.rel @p0 .LBB2_1-.Ltmp3, $3  }
0x238: {  	_ =	sdelay $0x1  }
0x239: {  	[sflag:s4] =	ssyncset.done $0x0  }
0x23a: {  	[sflag:s4] =	ssyncadd.s32 $0xFFFF8000  }
0x23b: {  	_ =	sfence.sel $0x180000  }
0x23c: {  	[bflag:$0x0] =	sbarrier.arrive $0xFFFF  }
0x23d: {  	_ =	strace $0x90000047  }
0x23e: {  	s0 =	stileid.u32;
	[bflag:$0x2] =	sbarrier.arrive $0xFFFF  }
0x23f: {  	p0 =	sne.s32 s0, $0x0;
	s0 =	rddreg [dreg:$0x3]  }
0x240: {  	s0 =	sadd.s32 @!p0 $0x100000, s0  }
0x241: {  	[sflag:s0] =	ssyncadd.tile.s32 @!p0 $0x1;
	_ =	shalt  }
.Lfunc_end2:
_tile_overlayer_lowered:
.L_overlay_start_2:
0x242: {  	(tag) =	ssettag $0x2  }
0x243: {  	s0 =	rddreg [dreg:$0x0];
	s2 =	stileid.u32  }
0x244: {  	s1 =	rddreg [dreg:$0x1];
	p0 =	sne.s32 s2, $0x0  }
0x245: {  	s3 =	rddreg [dreg:$0x2];
	[bflag:$0x3] =	sbarrier.arrive $0xFFFF;
	s2 =	simm.s32 @!p0 $0x1C05  }
0x246: {  	[timem:s3], [sflag:s2] =	dma.local @!p0 [hbm:s0], s1  }
0x247: {  	s0 =	simm.s32 @!p0 $0x5  }
0x248: {  	_ =	swait.ge @!p0 [sflag:s0], s1  }
0x249: {  	s1 =	ssub.s32 @!p0 $0x0, s1;
	[sflag:s0] =	ssyncset.done @!p0 $0x0  }
0x24a: {  	[sflag:s0] =	ssyncadd.s32 @!p0 s1  }
0x24b: {  	[bflag:$0x3] =	sbarrier.arrive $0xFFFF  }
0x24c: {  	_ =	shalt  }

</sc_bundles>
